<compile_context>
chip_gen: v7x
topology: tpu7x:2x2x1
jax: 0.10.2.dev20260603
libtpu: 0.0.44.dev20260713+nightly
codegen_flags: <defaults>
</compile_context>

<pallas_src>
import jax
import jax.numpy as jnp
from jax import lax
from jax.experimental import pallas as pl
from jax.experimental.pallas import tpu as pltpu
from jax.experimental.pallas import tpu_sc as plsc

N = 10000
E = 320000
D = 128

NC = 2
NS = 16
NW = NC * NS
EPW = E // NW
NP = 10240
RPS = NP // NS
HP = 16

KE = 128
EPWP = NP
PADW = EPWP - EPW
CHW = EPWP // KE

_mesh = plsc.VectorSubcoreMesh(core_axis_name="c", subcore_axis_name="s")


def _hist_body(dst_hbm, zeros_hbm, ones_hbm, out_hbm,
               hist_sh, didx_v, ones_v, sem0, sem1):
    cid = lax.axis_index("c")
    sid = lax.axis_index("s")
    wid = cid * NS + sid
    pltpu.sync_copy(ones_hbm, ones_v)
    pltpu.sync_copy(dst_hbm.at[wid], didx_v)
    pltpu.sync_copy(zeros_hbm.at[pl.ds(sid * RPS, RPS)],
                    hist_sh.at[pl.ds(sid * RPS, RPS)])
    plsc.subcore_barrier()
    pltpu.async_copy(ones_v, hist_sh.at[didx_v.at[0]], sem0, add=True)
    pltpu.async_copy(ones_v, hist_sh.at[didx_v.at[1]], sem1, add=True)

    def pair(g, carry):
        c0 = 2 * g
        pltpu.make_async_copy(ones_v, hist_sh.at[didx_v.at[c0]],
                              sem0).wait()
        pltpu.async_copy(ones_v, hist_sh.at[didx_v.at[c0 + 2]], sem0,
                         add=True)
        pltpu.make_async_copy(ones_v, hist_sh.at[didx_v.at[c0 + 1]],
                              sem1).wait()
        pltpu.async_copy(ones_v, hist_sh.at[didx_v.at[c0 + 3]], sem1,
                         add=True)
        return carry

    lax.fori_loop(0, CHW // 2 - 1, pair, 0)
    pltpu.make_async_copy(ones_v, hist_sh.at[didx_v.at[CHW - 2]],
                          sem0).wait()
    pltpu.make_async_copy(ones_v, hist_sh.at[didx_v.at[CHW - 1]],
                          sem1).wait()
    plsc.subcore_barrier()
    pltpu.sync_copy(hist_sh.at[pl.ds(sid * RPS, RPS)],
                    out_hbm.at[cid, pl.ds(sid * RPS, RPS)])


_hist = pl.kernel(
    _hist_body,
    out_type=jax.ShapeDtypeStruct((NC, NP, HP), jnp.float32),
    mesh=_mesh,
    compiler_params=pltpu.CompilerParams(use_tc_tiling_on_sc=False),
    scratch_types=[
        pltpu.VMEM_SHARED((NP, HP), jnp.float32),
        pltpu.VMEM((CHW, KE), jnp.int32),
        pltpu.VMEM((KE, HP), jnp.float32),
        pltpu.SemaphoreType.DMA,
        pltpu.SemaphoreType.DMA,
    ],
)


def _scatter_body(rows_hbm, sd_hbm, zeros_hbm, out_hbm,
                  acc_sh, idx0, idx1, idx2, idx3, rows_v0, rows_v1,
                  semr0, semr1, semw0, semw1,
                  semi0, semi1, semi2, semi3):
    cid = lax.axis_index("c")
    sid = lax.axis_index("s")
    wid = cid * NS + sid
    idx4 = (idx0, idx1, idx2, idx3)
    rows = (rows_v0, rows_v1)
    semr = (semr0, semr1)
    semw = (semw0, semw1)
    semi = (semi0, semi1, semi2, semi3)

    def slot(c, f, p, do_w4, do_pref, do_gather):
        q, f1, f2 = 1 - p, (f + 1) % 4, (f + 2) % 4
        pltpu.make_async_copy(rows_hbm.at[idx4[f].at[0]], rows[p],
                              semr[p]).wait()
        pltpu.async_copy(rows[p], acc_sh.at[idx4[f].at[1]], semw[p],
                         add=True)
        if do_gather:
            pltpu.make_async_copy(sd_hbm.at[wid, 0], idx4[f1],
                                  semi[f1]).wait()
            if do_w4:
                pltpu.make_async_copy(rows[q], acc_sh.at[idx4[f1].at[1]],
                                      semw[q]).wait()
            pltpu.async_copy(rows_hbm.at[idx4[f1].at[0]], rows[q], semr[q])
        if do_pref:
            pltpu.async_copy(sd_hbm.at[wid, c + 2], idx4[f2], semi[f2])

    pltpu.sync_copy(sd_hbm.at[wid, 0], idx0)
    pltpu.async_copy(rows_hbm.at[idx0.at[0]], rows_v0, semr0)
    pltpu.async_copy(sd_hbm.at[wid, 1], idx1, semi1)
    pltpu.sync_copy(zeros_hbm.at[pl.ds(sid * RPS, RPS)],
                    acc_sh.at[pl.ds(sid * RPS, RPS)])
    plsc.subcore_barrier()

    slot(0, 0, 0, False, True, True)
    slot(1, 1, 1, True, True, True)
    slot(2, 2, 0, True, True, True)
    slot(3, 3, 1, True, True, True)

    def quad(g, carry):
        c0 = 4 * g
        slot(c0 + 0, 0, 0, True, True, True)
        slot(c0 + 1, 1, 1, True, True, True)
        slot(c0 + 2, 2, 0, True, True, True)
        slot(c0 + 3, 3, 1, True, True, True)
        return carry

    lax.fori_loop(1, CHW // 4 - 1, quad, 0)
    slot(CHW - 4, 0, 0, True, True, True)
    slot(CHW - 3, 1, 1, True, True, True)
    slot(CHW - 2, 2, 0, True, False, True)
    slot(CHW - 1, 3, 1, True, False, False)
    pltpu.make_async_copy(rows_v0, acc_sh.at[idx2.at[1]], semw0).wait()
    pltpu.make_async_copy(rows_v1, acc_sh.at[idx3.at[1]], semw1).wait()

    plsc.subcore_barrier()
    pltpu.sync_copy(acc_sh.at[pl.ds(sid * RPS, RPS)],
                    out_hbm.at[cid, pl.ds(sid * RPS, RPS)])


_scatter = pl.kernel(
    _scatter_body,
    out_type=jax.ShapeDtypeStruct((NC, NP, D), jnp.float32),
    mesh=_mesh,
    scratch_types=[
        pltpu.VMEM_SHARED((NP, D), jnp.float32),
        pltpu.VMEM((2, KE), jnp.int32),
        pltpu.VMEM((2, KE), jnp.int32),
        pltpu.VMEM((2, KE), jnp.int32),
        pltpu.VMEM((2, KE), jnp.int32),
        pltpu.VMEM((KE, D), jnp.float32),
        pltpu.VMEM((KE, D), jnp.float32),
        pltpu.SemaphoreType.DMA,
        pltpu.SemaphoreType.DMA,
        pltpu.SemaphoreType.DMA,
        pltpu.SemaphoreType.DMA,
        pltpu.SemaphoreType.DMA,
        pltpu.SemaphoreType.DMA,
        pltpu.SemaphoreType.DMA,
        pltpu.SemaphoreType.DMA,
    ],
)

R = 2000


def _dinv_rows(hist_ref):
    deg = hist_ref[0, :, 0] + hist_ref[1, :, 0] + 1.0
    return lax.rsqrt(deg)[:, None]


def _tc1_body(x_ref, w_ref, hist_ref, out_ref):
    h = jnp.dot(x_ref[...], w_ref[...], preferred_element_type=jnp.float32)
    out_ref[...] = h * _dinv_rows(hist_ref)


_tc1 = pl.pallas_call(
    _tc1_body,
    grid=(N // R,),
    in_specs=[
        pl.BlockSpec((R, D), lambda i: (i, 0)),
        pl.BlockSpec((D, D), lambda i: (0, 0)),
        pl.BlockSpec((NC, R, HP), lambda i: (0, i, 0)),
    ],
    out_specs=pl.BlockSpec((R, D), lambda i: (i, 0)),
    out_shape=jax.ShapeDtypeStruct((N, D), jnp.float32),
)


def _tc2_body(accp_ref, t1p_ref, hist_ref, b1_ref, gamma_ref, beta_ref,
              w2_ref, out_ref):
    dinv = _dinv_rows(hist_ref)
    acc = accp_ref[0] + accp_ref[1] + t1p_ref[...]
    conv = acc * dinv + b1_ref[...]
    s = 1.0 / jnp.sqrt(1.0 + 1e-5)
    h = jnp.maximum(conv * (gamma_ref[...] * s) + beta_ref[...], 0.0)
    out_ref[...] = jnp.dot(h, w2_ref[...],
                           preferred_element_type=jnp.float32) * dinv


_tc2 = pl.pallas_call(
    _tc2_body,
    grid=(N // R,),
    in_specs=[
        pl.BlockSpec((NC, R, D), lambda i: (0, i, 0)),
        pl.BlockSpec((R, D), lambda i: (i, 0)),
        pl.BlockSpec((NC, R, HP), lambda i: (0, i, 0)),
        pl.BlockSpec((1, D), lambda i: (0, 0)),
        pl.BlockSpec((1, D), lambda i: (0, 0)),
        pl.BlockSpec((1, D), lambda i: (0, 0)),
        pl.BlockSpec((D, D), lambda i: (0, 0)),
    ],
    out_specs=pl.BlockSpec((R, D), lambda i: (i, 0)),
    out_shape=jax.ShapeDtypeStruct((N, D), jnp.float32),
)


def _tc3_body(accp_ref, t2p_ref, hist_ref, b2_ref, x_ref, out_ref):
    dinv = _dinv_rows(hist_ref)
    acc = accp_ref[0] + accp_ref[1] + t2p_ref[...]
    out_ref[...] = acc * dinv + b2_ref[...] + x_ref[...]


_tc3 = pl.pallas_call(
    _tc3_body,
    grid=(N // R,),
    in_specs=[
        pl.BlockSpec((NC, R, D), lambda i: (0, i, 0)),
        pl.BlockSpec((R, D), lambda i: (i, 0)),
        pl.BlockSpec((NC, R, HP), lambda i: (0, i, 0)),
        pl.BlockSpec((1, D), lambda i: (0, 0)),
        pl.BlockSpec((R, D), lambda i: (i, 0)),
    ],
    out_specs=pl.BlockSpec((R, D), lambda i: (i, 0)),
    out_shape=jax.ShapeDtypeStruct((N, D), jnp.float32),
)


def kernel(x, edge_index, W1, b1, gamma, beta, W2, b2):
    src2 = edge_index[0].reshape(NW, EPW)
    dst2 = edge_index[1].reshape(NW, EPW)
    pad_s = jnp.broadcast_to(jnp.arange(PADW, dtype=jnp.int32)[None],
                             (NW, PADW))
    pad_d = jnp.broadcast_to((N + jnp.arange(PADW, dtype=jnp.int32))[None],
                             (NW, PADW))
    srcp = jnp.concatenate([src2, pad_s], axis=1).reshape(NW, CHW, KE)
    dstp = jnp.concatenate([dst2, pad_d], axis=1).reshape(NW, CHW, KE)
    sd = jnp.stack([srcp, dstp], axis=2)

    zeros_nd = jnp.zeros((NP, D), jnp.float32)
    zeros_nh = jnp.zeros((NP, HP), jnp.float32)
    ones_kh = jnp.ones((KE, HP), jnp.float32)

    hist = _hist(dstp, zeros_nh, ones_kh)
    t1p = _tc1(x, W1, hist)
    acc1 = _scatter(t1p, sd, zeros_nd)
    t2p = _tc2(acc1, t1p, hist, b1.reshape(1, D), gamma.reshape(1, D),
               beta.reshape(1, D), W2)
    acc2 = _scatter(t2p, sd, zeros_nd)
    out = _tc3(acc2, t2p, hist, b2.reshape(1, D), x)
    return out

# --- scband reference (transcript-rebuilt; emitter-appended) ---
"""Pipeline reference for scband-improved-gcn-7670811591017 (READ-ONLY COPY).

The authoritative reference and input builder live on the scoring server;
editing this copy changes nothing except your own understanding.
"""

import jax, jax.numpy as jnp
import numpy as np

N = 10000
E = 320000
D_IN = 128
D_HID = 128
D_OUT = 128


def gcn_conv(x, src, dst, norm, W, b):
    # PyG GCNConv: out = scatter_add(norm * (x W)[src] -> dst) + b
    h = x @ W
    msg = h[src] * norm[:, None]
    out = jnp.zeros((x.shape[0], W.shape[1]), dtype=x.dtype).at[dst].add(msg)
    return out + b


def setup_inputs(seed: int = 0):
    key = jax.random.key(seed)
    ks = jax.random.split(key, 4)
    x = jax.random.normal(ks[0], (N, D_IN), dtype=jnp.float32)
    edge_index = jax.random.randint(ks[1], (2, E), 0, N, dtype=jnp.int32)
    sc1 = 1.0 / np.sqrt(D_IN)
    W1 = jax.random.uniform(ks[2], (D_IN, D_HID), minval=-sc1, maxval=sc1, dtype=jnp.float32)
    b1 = jnp.zeros((D_HID,), jnp.float32)
    gamma = jnp.ones((D_HID,), jnp.float32)
    beta = jnp.zeros((D_HID,), jnp.float32)
    sc2 = 1.0 / np.sqrt(D_HID)
    W2 = jax.random.uniform(ks[3], (D_HID, D_OUT), minval=-sc2, maxval=sc2, dtype=jnp.float32)
    b2 = jnp.zeros((D_OUT,), jnp.float32)
    return {"x": x, "edge_index": edge_index, "W1": W1, "b1": b1,
            "gamma": gamma, "beta": beta, "W2": W2, "b2": b2}


def reference(x, edge_index, W1, b1, gamma, beta, W2, b2):
    # add self loops, build symmetric GCN normalization (shared across layers)
    src0, dst0 = edge_index[0], edge_index[1]
    loop = jnp.arange(N, dtype=edge_index.dtype)
    src = jnp.concatenate([src0, loop])
    dst = jnp.concatenate([dst0, loop])
    deg = jnp.zeros((N,), x.dtype).at[dst].add(jnp.ones((src.shape[0],), x.dtype))
    dinv = jnp.where(deg > 0, jax.lax.rsqrt(deg), 0.0)
    norm = dinv[src] * dinv[dst]

    x_input = x
    # layer 1: GCNConv -> BatchNorm (eval: running_mean=0, running_var=1) -> ReLU -> dropout(eval, identity)
    h = gcn_conv(x, src, dst, norm, W1, b1)
    h = h / jnp.sqrt(1.0 + 1e-5) * gamma + beta
    h = jax.nn.relu(h)
    # layer 2 (final): GCNConv
    out = gcn_conv(h, src, dst, norm, W2, b2)
    # residual: input_dim == output_dim -> direct add
    out = out + x_input
    return out

if __name__ == "__main__":
    import jax
    _d = setup_inputs()
    print(jax.jit(kernel)(*tuple(_d.values())))

</pallas_src>

<mosaic_0001>
#map = affine_map<(d0, d1) -> (0, 0, 0)>
#map1 = affine_map<(d0, d1) -> (0, 0)>
module attributes {stable_mosaic.version = 14 : i64} {
  func.func @_hist_body(%arg0: i32, %arg1: i32, %arg2: memref<32x80x128xi32, #tpu.memory_space<hbm>>, %arg3: memref<10240x16xf32, #tpu.memory_space<hbm>>, %arg4: memref<128x16xf32, #tpu.memory_space<hbm>>, %arg5: memref<2x10240x16xf32, #tpu.memory_space<hbm>>, %arg6: memref<10240x16xf32, #tpu.memory_space<vmem_shared>>, %arg7: memref<80x128xi32, #tpu.memory_space<vmem>>, %arg8: memref<128x16xf32, #tpu.memory_space<vmem>>, %arg9: memref<!tpu.dma_semaphore, #tpu.memory_space<semaphore_mem>>, %arg10: memref<!tpu.dma_semaphore, #tpu.memory_space<semaphore_mem>>) attributes {dimension_semantics = [#tpu.dimension_semantics<core_parallel>, #tpu.dimension_semantics<subcore_parallel>], iteration_bounds = array<i64: 2, 16>, scalar_prefetch = 0 : i64, scratch_operands = 5 : i64, tpu.core_type = #tpu.core_type<sc_vector_subcore>, window_params = [{transform_indices = #map}, {transform_indices = #map1}, {transform_indices = #map1}, {transform_indices = #map}]} {
    %mul3A = arith.constant 16 : i32
    %mul3A_0 = arith.muli %arg0, %mul3A : i32
    %add3A = arith.addi %mul3A_0, %arg1 : i32
    "tpu.region"() ({
      %run_scoped3A = tpu.sem_alloc : memref<!tpu.dma_semaphore, #tpu.memory_space<semaphore_mem>>
      tpu.enqueue_dma source(%arg4 : memref<128x16xf32, #tpu.memory_space<hbm>>) target(%arg8 : memref<128x16xf32, #tpu.memory_space<vmem>>) target_semaphore(%run_scoped3A : memref<!tpu.dma_semaphore, #tpu.memory_space<semaphore_mem>>)
      tpu.wait_dma2 semaphore(%run_scoped3A : memref<!tpu.dma_semaphore, #tpu.memory_space<semaphore_mem>>) src(%arg4 : memref<128x16xf32, #tpu.memory_space<hbm>>) dst(%arg8 : memref<128x16xf32, #tpu.memory_space<vmem>>)
      tpu.yield
    }) : () -> ()
    "tpu.region"() ({
      %run_scoped3A = tpu.sem_alloc : memref<!tpu.dma_semaphore, #tpu.memory_space<semaphore_mem>>
      %dma_start3A_41 = arith.constant 0 : i32
      %dma_start3A_42 = arith.constant 0 : i32
      %dma_start3A_43 = tpu.memref_slice %arg2[%add3A, %dma_start3A_41, %dma_start3A_42] : memref<32x80x128xi32, #tpu.memory_space<hbm>> -> memref<1x80x128xi32, #tpu.memory_space<hbm>>
      %dma_start3A_44 = tpu.memref_squeeze %dma_start3A_43 : memref<1x80x128xi32, #tpu.memory_space<hbm>> -> memref<80x128xi32, #tpu.memory_space<hbm>>
      %dma_start3A_45 = arith.constant 0 : i32
      %dma_start3A_46 = arith.constant 0 : i32
      %dma_start3A_47 = tpu.memref_slice %arg2[%add3A, %dma_start3A_45, %dma_start3A_46] : memref<32x80x128xi32, #tpu.memory_space<hbm>> -> memref<1x80x128xi32, #tpu.memory_space<hbm>>
      %dma_start3A_48 = tpu.memref_squeeze %dma_start3A_47 : memref<1x80x128xi32, #tpu.memory_space<hbm>> -> memref<80x128xi32, #tpu.memory_space<hbm>>
      tpu.enqueue_dma source(%dma_start3A_48 : memref<80x128xi32, #tpu.memory_space<hbm>>) target(%arg7 : memref<80x128xi32, #tpu.memory_space<vmem>>) target_semaphore(%run_scoped3A : memref<!tpu.dma_semaphore, #tpu.memory_space<semaphore_mem>>)
      %dma_wait3A_49 = arith.constant 0 : i32
      %dma_wait3A_50 = arith.constant 0 : i32
      %dma_wait3A_51 = tpu.memref_slice %arg2[%add3A, %dma_wait3A_49, %dma_wait3A_50] : memref<32x80x128xi32, #tpu.memory_space<hbm>> -> memref<1x80x128xi32, #tpu.memory_space<hbm>>
      %dma_wait3A_52 = tpu.memref_squeeze %dma_wait3A_51 : memref<1x80x128xi32, #tpu.memory_space<hbm>> -> memref<80x128xi32, #tpu.memory_space<hbm>>
      %dma_wait3A_53 = arith.constant 0 : i32
      %dma_wait3A_54 = arith.constant 0 : i32
      %dma_wait3A_55 = tpu.memref_slice %arg2[%add3A, %dma_wait3A_53, %dma_wait3A_54] : memref<32x80x128xi32, #tpu.memory_space<hbm>> -> memref<1x80x128xi32, #tpu.memory_space<hbm>>
      %dma_wait3A_56 = tpu.memref_squeeze %dma_wait3A_55 : memref<1x80x128xi32, #tpu.memory_space<hbm>> -> memref<80x128xi32, #tpu.memory_space<hbm>>
      tpu.wait_dma2 semaphore(%run_scoped3A : memref<!tpu.dma_semaphore, #tpu.memory_space<semaphore_mem>>) src(%dma_wait3A_56 : memref<80x128xi32, #tpu.memory_space<hbm>>) dst(%arg7 : memref<80x128xi32, #tpu.memory_space<vmem>>)
      tpu.yield
    }) : () -> ()
    %mul3A_1 = arith.constant 640 : i32
    %mul3A_2 = arith.muli %arg1, %mul3A_1 : i32
    %mul3A_3 = arith.constant 640 : i32
    %mul3A_4 = arith.muli %arg1, %mul3A_3 : i32
    "tpu.region"() ({
      %run_scoped3A = tpu.sem_alloc : memref<!tpu.dma_semaphore, #tpu.memory_space<semaphore_mem>>
      %dma_start3A_41 = arith.constant 0 : i32
      %dma_start3A_42 = tpu.memref_slice %arg6[%mul3A_4, %dma_start3A_41] : memref<10240x16xf32, #tpu.memory_space<vmem_shared>> -> memref<640x16xf32, #tpu.memory_space<vmem_shared>>
      %dma_start3A_43 = arith.constant 0 : i32
      %dma_start3A_44 = tpu.memref_slice %arg3[%mul3A_2, %dma_start3A_43] : memref<10240x16xf32, #tpu.memory_space<hbm>> -> memref<640x16xf32, #tpu.memory_space<hbm>>
      tpu.enqueue_dma source(%dma_start3A_44 : memref<640x16xf32, #tpu.memory_space<hbm>>) target(%dma_start3A_42 : memref<640x16xf32, #tpu.memory_space<vmem_shared>>) target_semaphore(%run_scoped3A : memref<!tpu.dma_semaphore, #tpu.memory_space<semaphore_mem>>)
      %dma_wait3A_45 = arith.constant 0 : i32
      %dma_wait3A_46 = tpu.memref_slice %arg6[%mul3A_4, %dma_wait3A_45] : memref<10240x16xf32, #tpu.memory_space<vmem_shared>> -> memref<640x16xf32, #tpu.memory_space<vmem_shared>>
      %dma_wait3A_47 = arith.constant 0 : i32
      %dma_wait3A_48 = tpu.memref_slice %arg3[%mul3A_2, %dma_wait3A_47] : memref<10240x16xf32, #tpu.memory_space<hbm>> -> memref<640x16xf32, #tpu.memory_space<hbm>>
      tpu.wait_dma2 semaphore(%run_scoped3A : memref<!tpu.dma_semaphore, #tpu.memory_space<semaphore_mem>>) src(%dma_wait3A_48 : memref<640x16xf32, #tpu.memory_space<hbm>>) dst(%dma_wait3A_46 : memref<640x16xf32, #tpu.memory_space<vmem_shared>>)
      tpu.yield
    }) : () -> ()
    %barrier3A = arith.constant 0 : index
    tpu.barrier barrier_id(%barrier3A)
    %dma_start3A = arith.constant 0 : i32
    %dma_start3A_5 = arith.constant 0 : i32
    %dma_start3A_6 = tpu.memref_slice %arg7[%dma_start3A, %dma_start3A_5] : memref<80x128xi32, #tpu.memory_space<vmem>> -> memref<1x128xi32, #tpu.memory_space<vmem>>
    %dma_start3A_7 = tpu.memref_squeeze %dma_start3A_6 : memref<1x128xi32, #tpu.memory_space<vmem>> -> memref<128xi32, #tpu.memory_space<vmem>>
    %dma_start3A_8 = arith.constant 0 : i32
    %dma_start3A_9 = arith.constant 0 : i32
    %dma_start3A_10 = tpu.memref_slice %arg6[%dma_start3A_8, %dma_start3A_9] : memref<10240x16xf32, #tpu.memory_space<vmem_shared>> -> memref<10240x16xf32, #tpu.memory_space<vmem_shared>>
    tpu.enqueue_indirect_dma source(%arg8 : memref<128x16xf32, #tpu.memory_space<vmem>>) target(%dma_start3A_10 : memref<10240x16xf32, #tpu.memory_space<vmem_shared>>) offsets(%dma_start3A_7 : memref<128xi32, #tpu.memory_space<vmem>>) semaphore(%arg9 : memref<!tpu.dma_semaphore, #tpu.memory_space<semaphore_mem>>) {add = true}
    %dma_start3A_11 = arith.constant 1 : i32
    %dma_start3A_12 = arith.constant 0 : i32
    %dma_start3A_13 = tpu.memref_slice %arg7[%dma_start3A_11, %dma_start3A_12] : memref<80x128xi32, #tpu.memory_space<vmem>> -> memref<1x128xi32, #tpu.memory_space<vmem>>
    %dma_start3A_14 = tpu.memref_squeeze %dma_start3A_13 : memref<1x128xi32, #tpu.memory_space<vmem>> -> memref<128xi32, #tpu.memory_space<vmem>>
    %dma_start3A_15 = arith.constant 0 : i32
    %dma_start3A_16 = arith.constant 0 : i32
    %dma_start3A_17 = tpu.memref_slice %arg6[%dma_start3A_15, %dma_start3A_16] : memref<10240x16xf32, #tpu.memory_space<vmem_shared>> -> memref<10240x16xf32, #tpu.memory_space<vmem_shared>>
    tpu.enqueue_indirect_dma source(%arg8 : memref<128x16xf32, #tpu.memory_space<vmem>>) target(%dma_start3A_17 : memref<10240x16xf32, #tpu.memory_space<vmem_shared>>) offsets(%dma_start3A_14 : memref<128xi32, #tpu.memory_space<vmem>>) semaphore(%arg10 : memref<!tpu.dma_semaphore, #tpu.memory_space<semaphore_mem>>) {add = true}
    %scan3A = arith.constant 0 : i32
    %scan3A_18 = arith.constant 0 : i32
    %scan3A_19 = arith.constant 39 : i32
    %scan3A_20 = arith.addi %scan3A_18, %scan3A_19 : i32
    %scan3A_21 = arith.constant 1 : i32
    scf.for %scan3A_41 = %scan3A_18 to %scan3A_20 step %scan3A_21  : i32 {
      %mul3A_42 = arith.constant 2 : i32
      %mul3A_43 = arith.muli %mul3A_42, %scan3A_41 : i32
      %dma_wait3A_44 = arith.constant 0 : i32
      %dma_wait3A_45 = tpu.memref_slice %arg7[%mul3A_43, %dma_wait3A_44] : memref<80x128xi32, #tpu.memory_space<vmem>> -> memref<1x128xi32, #tpu.memory_space<vmem>>
      %dma_wait3A_46 = tpu.memref_squeeze %dma_wait3A_45 : memref<1x128xi32, #tpu.memory_space<vmem>> -> memref<128xi32, #tpu.memory_space<vmem>>
      %dma_wait3A_47 = arith.constant 0 : i32
      %dma_wait3A_48 = arith.constant 0 : i32
      %dma_wait3A_49 = tpu.memref_slice %arg6[%dma_wait3A_47, %dma_wait3A_48] : memref<10240x16xf32, #tpu.memory_space<vmem_shared>> -> memref<10240x16xf32, #tpu.memory_space<vmem_shared>>
      tpu.wait_indirect_dma semaphore(%arg9 : memref<!tpu.dma_semaphore, #tpu.memory_space<semaphore_mem>>) src(%arg8 : memref<128x16xf32, #tpu.memory_space<vmem>>) dst(%dma_wait3A_49 : memref<10240x16xf32, #tpu.memory_space<vmem_shared>>)
      %add3A_50 = arith.constant 2 : i32
      %add3A_51 = arith.addi %mul3A_43, %add3A_50 : i32
      %dma_start3A_52 = arith.constant 0 : i32
      %dma_start3A_53 = tpu.memref_slice %arg7[%add3A_51, %dma_start3A_52] : memref<80x128xi32, #tpu.memory_space<vmem>> -> memref<1x128xi32, #tpu.memory_space<vmem>>
      %dma_start3A_54 = tpu.memref_squeeze %dma_start3A_53 : memref<1x128xi32, #tpu.memory_space<vmem>> -> memref<128xi32, #tpu.memory_space<vmem>>
      %dma_start3A_55 = arith.constant 0 : i32
      %dma_start3A_56 = arith.constant 0 : i32
      %dma_start3A_57 = tpu.memref_slice %arg6[%dma_start3A_55, %dma_start3A_56] : memref<10240x16xf32, #tpu.memory_space<vmem_shared>> -> memref<10240x16xf32, #tpu.memory_space<vmem_shared>>
      tpu.enqueue_indirect_dma source(%arg8 : memref<128x16xf32, #tpu.memory_space<vmem>>) target(%dma_start3A_57 : memref<10240x16xf32, #tpu.memory_space<vmem_shared>>) offsets(%dma_start3A_54 : memref<128xi32, #tpu.memory_space<vmem>>) semaphore(%arg9 : memref<!tpu.dma_semaphore, #tpu.memory_space<semaphore_mem>>) {add = true}
      %add3A_58 = arith.constant 1 : i32
      %add3A_59 = arith.addi %mul3A_43, %add3A_58 : i32
      %dma_wait3A_60 = arith.constant 0 : i32
      %dma_wait3A_61 = tpu.memref_slice %arg7[%add3A_59, %dma_wait3A_60] : memref<80x128xi32, #tpu.memory_space<vmem>> -> memref<1x128xi32, #tpu.memory_space<vmem>>
      %dma_wait3A_62 = tpu.memref_squeeze %dma_wait3A_61 : memref<1x128xi32, #tpu.memory_space<vmem>> -> memref<128xi32, #tpu.memory_space<vmem>>
      %dma_wait3A_63 = arith.constant 0 : i32
      %dma_wait3A_64 = arith.constant 0 : i32
      %dma_wait3A_65 = tpu.memref_slice %arg6[%dma_wait3A_63, %dma_wait3A_64] : memref<10240x16xf32, #tpu.memory_space<vmem_shared>> -> memref<10240x16xf32, #tpu.memory_space<vmem_shared>>
      tpu.wait_indirect_dma semaphore(%arg10 : memref<!tpu.dma_semaphore, #tpu.memory_space<semaphore_mem>>) src(%arg8 : memref<128x16xf32, #tpu.memory_space<vmem>>) dst(%dma_wait3A_65 : memref<10240x16xf32, #tpu.memory_space<vmem_shared>>)
      %add3A_66 = arith.constant 3 : i32
      %add3A_67 = arith.addi %mul3A_43, %add3A_66 : i32
      %dma_start3A_68 = arith.constant 0 : i32
      %dma_start3A_69 = tpu.memref_slice %arg7[%add3A_67, %dma_start3A_68] : memref<80x128xi32, #tpu.memory_space<vmem>> -> memref<1x128xi32, #tpu.memory_space<vmem>>
      %dma_start3A_70 = tpu.memref_squeeze %dma_start3A_69 : memref<1x128xi32, #tpu.memory_space<vmem>> -> memref<128xi32, #tpu.memory_space<vmem>>
      %dma_start3A_71 = arith.constant 0 : i32
      %dma_start3A_72 = arith.constant 0 : i32
      %dma_start3A_73 = tpu.memref_slice %arg6[%dma_start3A_71, %dma_start3A_72] : memref<10240x16xf32, #tpu.memory_space<vmem_shared>> -> memref<10240x16xf32, #tpu.memory_space<vmem_shared>>
      tpu.enqueue_indirect_dma source(%arg8 : memref<128x16xf32, #tpu.memory_space<vmem>>) target(%dma_start3A_73 : memref<10240x16xf32, #tpu.memory_space<vmem_shared>>) offsets(%dma_start3A_70 : memref<128xi32, #tpu.memory_space<vmem>>) semaphore(%arg10 : memref<!tpu.dma_semaphore, #tpu.memory_space<semaphore_mem>>) {add = true}
    }
    %scan3A_22 = arith.constant 39 : i32
    %dma_wait3A = arith.constant 78 : i32
    %dma_wait3A_23 = arith.constant 0 : i32
    %dma_wait3A_24 = tpu.memref_slice %arg7[%dma_wait3A, %dma_wait3A_23] : memref<80x128xi32, #tpu.memory_space<vmem>> -> memref<1x128xi32, #tpu.memory_space<vmem>>
    %dma_wait3A_25 = tpu.memref_squeeze %dma_wait3A_24 : memref<1x128xi32, #tpu.memory_space<vmem>> -> memref<128xi32, #tpu.memory_space<vmem>>
    %dma_wait3A_26 = arith.constant 0 : i32
    %dma_wait3A_27 = arith.constant 0 : i32
    %dma_wait3A_28 = tpu.memref_slice %arg6[%dma_wait3A_26, %dma_wait3A_27] : memref<10240x16xf32, #tpu.memory_space<vmem_shared>> -> memref<10240x16xf32, #tpu.memory_space<vmem_shared>>
    tpu.wait_indirect_dma semaphore(%arg9 : memref<!tpu.dma_semaphore, #tpu.memory_space<semaphore_mem>>) src(%arg8 : memref<128x16xf32, #tpu.memory_space<vmem>>) dst(%dma_wait3A_28 : memref<10240x16xf32, #tpu.memory_space<vmem_shared>>)
    %dma_wait3A_29 = arith.constant 79 : i32
    %dma_wait3A_30 = arith.constant 0 : i32
    %dma_wait3A_31 = tpu.memref_slice %arg7[%dma_wait3A_29, %dma_wait3A_30] : memref<80x128xi32, #tpu.memory_space<vmem>> -> memref<1x128xi32, #tpu.memory_space<vmem>>
    %dma_wait3A_32 = tpu.memref_squeeze %dma_wait3A_31 : memref<1x128xi32, #tpu.memory_space<vmem>> -> memref<128xi32, #tpu.memory_space<vmem>>
    %dma_wait3A_33 = arith.constant 0 : i32
    %dma_wait3A_34 = arith.constant 0 : i32
    %dma_wait3A_35 = tpu.memref_slice %arg6[%dma_wait3A_33, %dma_wait3A_34] : memref<10240x16xf32, #tpu.memory_space<vmem_shared>> -> memref<10240x16xf32, #tpu.memory_space<vmem_shared>>
    tpu.wait_indirect_dma semaphore(%arg10 : memref<!tpu.dma_semaphore, #tpu.memory_space<semaphore_mem>>) src(%arg8 : memref<128x16xf32, #tpu.memory_space<vmem>>) dst(%dma_wait3A_35 : memref<10240x16xf32, #tpu.memory_space<vmem_shared>>)
    %barrier3A_36 = arith.constant 0 : index
    tpu.barrier barrier_id(%barrier3A_36)
    %mul3A_37 = arith.constant 640 : i32
    %mul3A_38 = arith.muli %arg1, %mul3A_37 : i32
    %mul3A_39 = arith.constant 640 : i32
    %mul3A_40 = arith.muli %arg1, %mul3A_39 : i32
    "tpu.region"() ({
      %run_scoped3A = tpu.sem_alloc : memref<!tpu.dma_semaphore, #tpu.memory_space<semaphore_mem>>
      %dma_start3A_41 = arith.constant 0 : i32
      %dma_start3A_42 = tpu.memref_slice %arg5[%arg0, %mul3A_40, %dma_start3A_41] : memref<2x10240x16xf32, #tpu.memory_space<hbm>> -> memref<1x640x16xf32, #tpu.memory_space<hbm>>
      %dma_start3A_43 = tpu.memref_squeeze %dma_start3A_42 : memref<1x640x16xf32, #tpu.memory_space<hbm>> -> memref<640x16xf32, #tpu.memory_space<hbm>>
      %dma_start3A_44 = arith.constant 0 : i32
      %dma_start3A_45 = tpu.memref_slice %arg6[%mul3A_38, %dma_start3A_44] : memref<10240x16xf32, #tpu.memory_space<vmem_shared>> -> memref<640x16xf32, #tpu.memory_space<vmem_shared>>
      tpu.enqueue_dma source(%dma_start3A_45 : memref<640x16xf32, #tpu.memory_space<vmem_shared>>) target(%dma_start3A_43 : memref<640x16xf32, #tpu.memory_space<hbm>>) target_semaphore(%run_scoped3A : memref<!tpu.dma_semaphore, #tpu.memory_space<semaphore_mem>>)
      %dma_wait3A_46 = arith.constant 0 : i32
      %dma_wait3A_47 = tpu.memref_slice %arg5[%arg0, %mul3A_40, %dma_wait3A_46] : memref<2x10240x16xf32, #tpu.memory_space<hbm>> -> memref<1x640x16xf32, #tpu.memory_space<hbm>>
      %dma_wait3A_48 = tpu.memref_squeeze %dma_wait3A_47 : memref<1x640x16xf32, #tpu.memory_space<hbm>> -> memref<640x16xf32, #tpu.memory_space<hbm>>
      %dma_wait3A_49 = arith.constant 0 : i32
      %dma_wait3A_50 = tpu.memref_slice %arg6[%mul3A_38, %dma_wait3A_49] : memref<10240x16xf32, #tpu.memory_space<vmem_shared>> -> memref<640x16xf32, #tpu.memory_space<vmem_shared>>
      tpu.wait_dma2 semaphore(%run_scoped3A : memref<!tpu.dma_semaphore, #tpu.memory_space<semaphore_mem>>) src(%dma_wait3A_50 : memref<640x16xf32, #tpu.memory_space<vmem_shared>>) dst(%dma_wait3A_48 : memref<640x16xf32, #tpu.memory_space<hbm>>)
      tpu.yield
    }) : () -> ()
    return
  }
}

#map = affine_map<(d0, d1) -> (0, 0)>
#map1 = affine_map<(d0, d1) -> (0, 0, 0, 0)>
#map2 = affine_map<(d0, d1) -> (0, 0, 0)>
module attributes {stable_mosaic.version = 14 : i64} {
  func.func @_scatter_body(%arg0: i32, %arg1: i32, %arg2: memref<10000x128xf32, #tpu.memory_space<hbm>>, %arg3: memref<32x80x2x128xi32, #tpu.memory_space<hbm>>, %arg4: memref<10240x128xf32, #tpu.memory_space<hbm>>, %arg5: memref<2x10240x128xf32, #tpu.memory_space<hbm>>, %arg6: memref<10240x128xf32, #tpu.memory_space<vmem_shared>>, %arg7: memref<2x128xi32, #tpu.memory_space<vmem>>, %arg8: memref<2x128xi32, #tpu.memory_space<vmem>>, %arg9: memref<2x128xi32, #tpu.memory_space<vmem>>, %arg10: memref<2x128xi32, #tpu.memory_space<vmem>>, %arg11: memref<128x128xf32, #tpu.memory_space<vmem>>, %arg12: memref<128x128xf32, #tpu.memory_space<vmem>>, %arg13: memref<!tpu.dma_semaphore, #tpu.memory_space<semaphore_mem>>, %arg14: memref<!tpu.dma_semaphore, #tpu.memory_space<semaphore_mem>>, %arg15: memref<!tpu.dma_semaphore, #tpu.memory_space<semaphore_mem>>, %arg16: memref<!tpu.dma_semaphore, #tpu.memory_space<semaphore_mem>>, %arg17: memref<!tpu.dma_semaphore, #tpu.memory_space<semaphore_mem>>, %arg18: memref<!tpu.dma_semaphore, #tpu.memory_space<semaphore_mem>>, %arg19: memref<!tpu.dma_semaphore, #tpu.memory_space<semaphore_mem>>, %arg20: memref<!tpu.dma_semaphore, #tpu.memory_space<semaphore_mem>>) attributes {dimension_semantics = [#tpu.dimension_semantics<core_parallel>, #tpu.dimension_semantics<subcore_parallel>], iteration_bounds = array<i64: 2, 16>, scalar_prefetch = 0 : i64, scratch_operands = 15 : i64, tpu.core_type = #tpu.core_type<sc_vector_subcore>, window_params = [{transform_indices = #map}, {transform_indices = #map1}, {transform_indices = #map}, {transform_indices = #map2}]} {
    %mul3A = arith.constant 16 : i32
    %mul3A_0 = arith.muli %arg0, %mul3A : i32
    %add3A = arith.addi %mul3A_0, %arg1 : i32
    %run_scoped3A = arith.constant 0 : i32
    "tpu.region"() ({
      %run_scoped3A_363 = tpu.sem_alloc : memref<!tpu.dma_semaphore, #tpu.memory_space<semaphore_mem>>
      %dma_start3A_364 = arith.constant 0 : i32
      %dma_start3A_365 = arith.constant 0 : i32
      %dma_start3A_366 = tpu.memref_slice %arg3[%add3A, %run_scoped3A, %dma_start3A_364, %dma_start3A_365] : memref<32x80x2x128xi32, #tpu.memory_space<hbm>> -> memref<1x1x2x128xi32, #tpu.memory_space<hbm>>
      %dma_start3A_367 = tpu.memref_squeeze %dma_start3A_366 : memref<1x1x2x128xi32, #tpu.memory_space<hbm>> -> memref<2x128xi32, #tpu.memory_space<hbm>>
      %dma_start3A_368 = arith.constant 0 : i32
      %dma_start3A_369 = arith.constant 0 : i32
      %dma_start3A_370 = tpu.memref_slice %arg3[%add3A, %run_scoped3A, %dma_start3A_368, %dma_start3A_369] : memref<32x80x2x128xi32, #tpu.memory_space<hbm>> -> memref<1x1x2x128xi32, #tpu.memory_space<hbm>>
      %dma_start3A_371 = tpu.memref_squeeze %dma_start3A_370 : memref<1x1x2x128xi32, #tpu.memory_space<hbm>> -> memref<2x128xi32, #tpu.memory_space<hbm>>
      tpu.enqueue_dma source(%dma_start3A_371 : memref<2x128xi32, #tpu.memory_space<hbm>>) target(%arg7 : memref<2x128xi32, #tpu.memory_space<vmem>>) target_semaphore(%run_scoped3A_363 : memref<!tpu.dma_semaphore, #tpu.memory_space<semaphore_mem>>)
      %dma_wait3A_372 = arith.constant 0 : i32
      %dma_wait3A_373 = arith.constant 0 : i32
      %dma_wait3A_374 = tpu.memref_slice %arg3[%add3A, %run_scoped3A, %dma_wait3A_372, %dma_wait3A_373] : memref<32x80x2x128xi32, #tpu.memory_space<hbm>> -> memref<1x1x2x128xi32, #tpu.memory_space<hbm>>
      %dma_wait3A_375 = tpu.memref_squeeze %dma_wait3A_374 : memref<1x1x2x128xi32, #tpu.memory_space<hbm>> -> memref<2x128xi32, #tpu.memory_space<hbm>>
      %dma_wait3A_376 = arith.constant 0 : i32
      %dma_wait3A_377 = arith.constant 0 : i32
      %dma_wait3A_378 = tpu.memref_slice %arg3[%add3A, %run_scoped3A, %dma_wait3A_376, %dma_wait3A_377] : memref<32x80x2x128xi32, #tpu.memory_space<hbm>> -> memref<1x1x2x128xi32, #tpu.memory_space<hbm>>
      %dma_wait3A_379 = tpu.memref_squeeze %dma_wait3A_378 : memref<1x1x2x128xi32, #tpu.memory_space<hbm>> -> memref<2x128xi32, #tpu.memory_space<hbm>>
      tpu.wait_dma2 semaphore(%run_scoped3A_363 : memref<!tpu.dma_semaphore, #tpu.memory_space<semaphore_mem>>) src(%dma_wait3A_379 : memref<2x128xi32, #tpu.memory_space<hbm>>) dst(%arg7 : memref<2x128xi32, #tpu.memory_space<vmem>>)
      tpu.yield
    }) : () -> ()
    %dma_start3A = arith.constant 0 : i32
    %dma_start3A_1 = arith.constant 0 : i32
    %dma_start3A_2 = tpu.memref_slice %arg7[%dma_start3A, %dma_start3A_1] : memref<2x128xi32, #tpu.memory_space<vmem>> -> memref<1x128xi32, #tpu.memory_space<vmem>>
    %dma_start3A_3 = tpu.memref_squeeze %dma_start3A_2 : memref<1x128xi32, #tpu.memory_space<vmem>> -> memref<128xi32, #tpu.memory_space<vmem>>
    %dma_start3A_4 = arith.constant 0 : i32
    %dma_start3A_5 = arith.constant 0 : i32
    %dma_start3A_6 = tpu.memref_slice %arg2[%dma_start3A_4, %dma_start3A_5] : memref<10000x128xf32, #tpu.memory_space<hbm>> -> memref<10000x128xf32, #tpu.memory_space<hbm>>
    tpu.enqueue_indirect_dma source(%dma_start3A_6 : memref<10000x128xf32, #tpu.memory_space<hbm>>) target(%arg11 : memref<128x128xf32, #tpu.memory_space<vmem>>) offsets(%dma_start3A_3 : memref<128xi32, #tpu.memory_space<vmem>>) semaphore(%arg13 : memref<!tpu.dma_semaphore, #tpu.memory_space<semaphore_mem>>)
    %dma_start3A_7 = arith.constant 1 : i32
    %dma_start3A_8 = arith.constant 0 : i32
    %dma_start3A_9 = arith.constant 0 : i32
    %dma_start3A_10 = tpu.memref_slice %arg3[%add3A, %dma_start3A_7, %dma_start3A_8, %dma_start3A_9] : memref<32x80x2x128xi32, #tpu.memory_space<hbm>> -> memref<1x1x2x128xi32, #tpu.memory_space<hbm>>
    %dma_start3A_11 = tpu.memref_squeeze %dma_start3A_10 : memref<1x1x2x128xi32, #tpu.memory_space<hbm>> -> memref<2x128xi32, #tpu.memory_space<hbm>>
    %dma_start3A_12 = arith.constant 0 : i32
    %dma_start3A_13 = arith.constant 0 : i32
    %dma_start3A_14 = tpu.memref_slice %arg3[%add3A, %dma_start3A_7, %dma_start3A_12, %dma_start3A_13] : memref<32x80x2x128xi32, #tpu.memory_space<hbm>> -> memref<1x1x2x128xi32, #tpu.memory_space<hbm>>
    %dma_start3A_15 = tpu.memref_squeeze %dma_start3A_14 : memref<1x1x2x128xi32, #tpu.memory_space<hbm>> -> memref<2x128xi32, #tpu.memory_space<hbm>>
    tpu.enqueue_dma source(%dma_start3A_15 : memref<2x128xi32, #tpu.memory_space<hbm>>) target(%arg8 : memref<2x128xi32, #tpu.memory_space<vmem>>) target_semaphore(%arg18 : memref<!tpu.dma_semaphore, #tpu.memory_space<semaphore_mem>>)
    %mul3A_16 = arith.constant 640 : i32
    %mul3A_17 = arith.muli %arg1, %mul3A_16 : i32
    %mul3A_18 = arith.constant 640 : i32
    %mul3A_19 = arith.muli %arg1, %mul3A_18 : i32
    "tpu.region"() ({
      %run_scoped3A_363 = tpu.sem_alloc : memref<!tpu.dma_semaphore, #tpu.memory_space<semaphore_mem>>
      %dma_start3A_364 = arith.constant 0 : i32
      %dma_start3A_365 = tpu.memref_slice %arg6[%mul3A_19, %dma_start3A_364] : memref<10240x128xf32, #tpu.memory_space<vmem_shared>> -> memref<640x128xf32, #tpu.memory_space<vmem_shared>>
      %dma_start3A_366 = arith.constant 0 : i32
      %dma_start3A_367 = tpu.memref_slice %arg4[%mul3A_17, %dma_start3A_366] : memref<10240x128xf32, #tpu.memory_space<hbm>> -> memref<640x128xf32, #tpu.memory_space<hbm>>
      tpu.enqueue_dma source(%dma_start3A_367 : memref<640x128xf32, #tpu.memory_space<hbm>>) target(%dma_start3A_365 : memref<640x128xf32, #tpu.memory_space<vmem_shared>>) target_semaphore(%run_scoped3A_363 : memref<!tpu.dma_semaphore, #tpu.memory_space<semaphore_mem>>)
      %dma_wait3A_368 = arith.constant 0 : i32
      %dma_wait3A_369 = tpu.memref_slice %arg6[%mul3A_19, %dma_wait3A_368] : memref<10240x128xf32, #tpu.memory_space<vmem_shared>> -> memref<640x128xf32, #tpu.memory_space<vmem_shared>>
      %dma_wait3A_370 = arith.constant 0 : i32
      %dma_wait3A_371 = tpu.memref_slice %arg4[%mul3A_17, %dma_wait3A_370] : memref<10240x128xf32, #tpu.memory_space<hbm>> -> memref<640x128xf32, #tpu.memory_space<hbm>>
      tpu.wait_dma2 semaphore(%run_scoped3A_363 : memref<!tpu.dma_semaphore, #tpu.memory_space<semaphore_mem>>) src(%dma_wait3A_371 : memref<640x128xf32, #tpu.memory_space<hbm>>) dst(%dma_wait3A_369 : memref<640x128xf32, #tpu.memory_space<vmem_shared>>)
      tpu.yield
    }) : () -> ()
    %barrier3A = arith.constant 0 : index
    tpu.barrier barrier_id(%barrier3A)
    %dma_wait3A = arith.constant 0 : i32
    %dma_wait3A_20 = arith.constant 0 : i32
    %dma_wait3A_21 = tpu.memref_slice %arg7[%dma_wait3A, %dma_wait3A_20] : memref<2x128xi32, #tpu.memory_space<vmem>> -> memref<1x128xi32, #tpu.memory_space<vmem>>
    %dma_wait3A_22 = tpu.memref_squeeze %dma_wait3A_21 : memref<1x128xi32, #tpu.memory_space<vmem>> -> memref<128xi32, #tpu.memory_space<vmem>>
    %dma_wait3A_23 = arith.constant 0 : i32
    %dma_wait3A_24 = arith.constant 0 : i32
    %dma_wait3A_25 = tpu.memref_slice %arg2[%dma_wait3A_23, %dma_wait3A_24] : memref<10000x128xf32, #tpu.memory_space<hbm>> -> memref<10000x128xf32, #tpu.memory_space<hbm>>
    tpu.wait_indirect_dma semaphore(%arg13 : memref<!tpu.dma_semaphore, #tpu.memory_space<semaphore_mem>>) src(%dma_wait3A_25 : memref<10000x128xf32, #tpu.memory_space<hbm>>) dst(%arg11 : memref<128x128xf32, #tpu.memory_space<vmem>>)
    %dma_start3A_26 = arith.constant 1 : i32
    %dma_start3A_27 = arith.constant 0 : i32
    %dma_start3A_28 = tpu.memref_slice %arg7[%dma_start3A_26, %dma_start3A_27] : memref<2x128xi32, #tpu.memory_space<vmem>> -> memref<1x128xi32, #tpu.memory_space<vmem>>
    %dma_start3A_29 = tpu.memref_squeeze %dma_start3A_28 : memref<1x128xi32, #tpu.memory_space<vmem>> -> memref<128xi32, #tpu.memory_space<vmem>>
    %dma_start3A_30 = arith.constant 0 : i32
    %dma_start3A_31 = arith.constant 0 : i32
    %dma_start3A_32 = tpu.memref_slice %arg6[%dma_start3A_30, %dma_start3A_31] : memref<10240x128xf32, #tpu.memory_space<vmem_shared>> -> memref<10240x128xf32, #tpu.memory_space<vmem_shared>>
    tpu.enqueue_indirect_dma source(%arg11 : memref<128x128xf32, #tpu.memory_space<vmem>>) target(%dma_start3A_32 : memref<10240x128xf32, #tpu.memory_space<vmem_shared>>) offsets(%dma_start3A_29 : memref<128xi32, #tpu.memory_space<vmem>>) semaphore(%arg15 : memref<!tpu.dma_semaphore, #tpu.memory_space<semaphore_mem>>) {add = true}
    %dma_wait3A_33 = arith.constant 0 : i32
    %dma_wait3A_34 = arith.constant 0 : i32
    %dma_wait3A_35 = arith.constant 0 : i32
    %dma_wait3A_36 = tpu.memref_slice %arg3[%add3A, %dma_wait3A_33, %dma_wait3A_34, %dma_wait3A_35] : memref<32x80x2x128xi32, #tpu.memory_space<hbm>> -> memref<1x1x2x128xi32, #tpu.memory_space<hbm>>
    %dma_wait3A_37 = tpu.memref_squeeze %dma_wait3A_36 : memref<1x1x2x128xi32, #tpu.memory_space<hbm>> -> memref<2x128xi32, #tpu.memory_space<hbm>>
    %dma_wait3A_38 = arith.constant 0 : i32
    %dma_wait3A_39 = arith.constant 0 : i32
    %dma_wait3A_40 = tpu.memref_slice %arg3[%add3A, %dma_wait3A_33, %dma_wait3A_38, %dma_wait3A_39] : memref<32x80x2x128xi32, #tpu.memory_space<hbm>> -> memref<1x1x2x128xi32, #tpu.memory_space<hbm>>
    %dma_wait3A_41 = tpu.memref_squeeze %dma_wait3A_40 : memref<1x1x2x128xi32, #tpu.memory_space<hbm>> -> memref<2x128xi32, #tpu.memory_space<hbm>>
    tpu.wait_dma2 semaphore(%arg18 : memref<!tpu.dma_semaphore, #tpu.memory_space<semaphore_mem>>) src(%dma_wait3A_41 : memref<2x128xi32, #tpu.memory_space<hbm>>) dst(%arg8 : memref<2x128xi32, #tpu.memory_space<vmem>>)
    %dma_start3A_42 = arith.constant 0 : i32
    %dma_start3A_43 = arith.constant 0 : i32
    %dma_start3A_44 = tpu.memref_slice %arg8[%dma_start3A_42, %dma_start3A_43] : memref<2x128xi32, #tpu.memory_space<vmem>> -> memref<1x128xi32, #tpu.memory_space<vmem>>
    %dma_start3A_45 = tpu.memref_squeeze %dma_start3A_44 : memref<1x128xi32, #tpu.memory_space<vmem>> -> memref<128xi32, #tpu.memory_space<vmem>>
    %dma_start3A_46 = arith.constant 0 : i32
    %dma_start3A_47 = arith.constant 0 : i32
    %dma_start3A_48 = tpu.memref_slice %arg2[%dma_start3A_46, %dma_start3A_47] : memref<10000x128xf32, #tpu.memory_space<hbm>> -> memref<10000x128xf32, #tpu.memory_space<hbm>>
    tpu.enqueue_indirect_dma source(%dma_start3A_48 : memref<10000x128xf32, #tpu.memory_space<hbm>>) target(%arg12 : memref<128x128xf32, #tpu.memory_space<vmem>>) offsets(%dma_start3A_45 : memref<128xi32, #tpu.memory_space<vmem>>) semaphore(%arg14 : memref<!tpu.dma_semaphore, #tpu.memory_space<semaphore_mem>>)
    %dma_start3A_49 = arith.constant 2 : i32
    %dma_start3A_50 = arith.constant 0 : i32
    %dma_start3A_51 = arith.constant 0 : i32
    %dma_start3A_52 = tpu.memref_slice %arg3[%add3A, %dma_start3A_49, %dma_start3A_50, %dma_start3A_51] : memref<32x80x2x128xi32, #tpu.memory_space<hbm>> -> memref<1x1x2x128xi32, #tpu.memory_space<hbm>>
    %dma_start3A_53 = tpu.memref_squeeze %dma_start3A_52 : memref<1x1x2x128xi32, #tpu.memory_space<hbm>> -> memref<2x128xi32, #tpu.memory_space<hbm>>
    %dma_start3A_54 = arith.constant 0 : i32
    %dma_start3A_55 = arith.constant 0 : i32
    %dma_start3A_56 = tpu.memref_slice %arg3[%add3A, %dma_start3A_49, %dma_start3A_54, %dma_start3A_55] : memref<32x80x2x128xi32, #tpu.memory_space<hbm>> -> memref<1x1x2x128xi32, #tpu.memory_space<hbm>>
    %dma_start3A_57 = tpu.memref_squeeze %dma_start3A_56 : memref<1x1x2x128xi32, #tpu.memory_space<hbm>> -> memref<2x128xi32, #tpu.memory_space<hbm>>
    tpu.enqueue_dma source(%dma_start3A_57 : memref<2x128xi32, #tpu.memory_space<hbm>>) target(%arg9 : memref<2x128xi32, #tpu.memory_space<vmem>>) target_semaphore(%arg19 : memref<!tpu.dma_semaphore, #tpu.memory_space<semaphore_mem>>)
    %dma_wait3A_58 = arith.constant 0 : i32
    %dma_wait3A_59 = arith.constant 0 : i32
    %dma_wait3A_60 = tpu.memref_slice %arg8[%dma_wait3A_58, %dma_wait3A_59] : memref<2x128xi32, #tpu.memory_space<vmem>> -> memref<1x128xi32, #tpu.memory_space<vmem>>
    %dma_wait3A_61 = tpu.memref_squeeze %dma_wait3A_60 : memref<1x128xi32, #tpu.memory_space<vmem>> -> memref<128xi32, #tpu.memory_space<vmem>>
    %dma_wait3A_62 = arith.constant 0 : i32
    %dma_wait3A_63 = arith.constant 0 : i32
    %dma_wait3A_64 = tpu.memref_slice %arg2[%dma_wait3A_62, %dma_wait3A_63] : memref<10000x128xf32, #tpu.memory_space<hbm>> -> memref<10000x128xf32, #tpu.memory_space<hbm>>
    tpu.wait_indirect_dma semaphore(%arg14 : memref<!tpu.dma_semaphore, #tpu.memory_space<semaphore_mem>>) src(%dma_wait3A_64 : memref<10000x128xf32, #tpu.memory_space<hbm>>) dst(%arg12 : memref<128x128xf32, #tpu.memory_space<vmem>>)
    %dma_start3A_65 = arith.constant 1 : i32
    %dma_start3A_66 = arith.constant 0 : i32
    %dma_start3A_67 = tpu.memref_slice %arg8[%dma_start3A_65, %dma_start3A_66] : memref<2x128xi32, #tpu.memory_space<vmem>> -> memref<1x128xi32, #tpu.memory_space<vmem>>
    %dma_start3A_68 = tpu.memref_squeeze %dma_start3A_67 : memref<1x128xi32, #tpu.memory_space<vmem>> -> memref<128xi32, #tpu.memory_space<vmem>>
    %dma_start3A_69 = arith.constant 0 : i32
    %dma_start3A_70 = arith.constant 0 : i32
    %dma_start3A_71 = tpu.memref_slice %arg6[%dma_start3A_69, %dma_start3A_70] : memref<10240x128xf32, #tpu.memory_space<vmem_shared>> -> memref<10240x128xf32, #tpu.memory_space<vmem_shared>>
    tpu.enqueue_indirect_dma source(%arg12 : memref<128x128xf32, #tpu.memory_space<vmem>>) target(%dma_start3A_71 : memref<10240x128xf32, #tpu.memory_space<vmem_shared>>) offsets(%dma_start3A_68 : memref<128xi32, #tpu.memory_space<vmem>>) semaphore(%arg16 : memref<!tpu.dma_semaphore, #tpu.memory_space<semaphore_mem>>) {add = true}
    %dma_wait3A_72 = arith.constant 0 : i32
    %dma_wait3A_73 = arith.constant 0 : i32
    %dma_wait3A_74 = arith.constant 0 : i32
    %dma_wait3A_75 = tpu.memref_slice %arg3[%add3A, %dma_wait3A_72, %dma_wait3A_73, %dma_wait3A_74] : memref<32x80x2x128xi32, #tpu.memory_space<hbm>> -> memref<1x1x2x128xi32, #tpu.memory_space<hbm>>
    %dma_wait3A_76 = tpu.memref_squeeze %dma_wait3A_75 : memref<1x1x2x128xi32, #tpu.memory_space<hbm>> -> memref<2x128xi32, #tpu.memory_space<hbm>>
    %dma_wait3A_77 = arith.constant 0 : i32
    %dma_wait3A_78 = arith.constant 0 : i32
    %dma_wait3A_79 = tpu.memref_slice %arg3[%add3A, %dma_wait3A_72, %dma_wait3A_77, %dma_wait3A_78] : memref<32x80x2x128xi32, #tpu.memory_space<hbm>> -> memref<1x1x2x128xi32, #tpu.memory_space<hbm>>
    %dma_wait3A_80 = tpu.memref_squeeze %dma_wait3A_79 : memref<1x1x2x128xi32, #tpu.memory_space<hbm>> -> memref<2x128xi32, #tpu.memory_space<hbm>>
    tpu.wait_dma2 semaphore(%arg19 : memref<!tpu.dma_semaphore, #tpu.memory_space<semaphore_mem>>) src(%dma_wait3A_80 : memref<2x128xi32, #tpu.memory_space<hbm>>) dst(%arg9 : memref<2x128xi32, #tpu.memory_space<vmem>>)
    %dma_wait3A_81 = arith.constant 1 : i32
    %dma_wait3A_82 = arith.constant 0 : i32
    %dma_wait3A_83 = tpu.memref_slice %arg9[%dma_wait3A_81, %dma_wait3A_82] : memref<2x128xi32, #tpu.memory_space<vmem>> -> memref<1x128xi32, #tpu.memory_space<vmem>>
    %dma_wait3A_84 = tpu.memref_squeeze %dma_wait3A_83 : memref<1x128xi32, #tpu.memory_space<vmem>> -> memref<128xi32, #tpu.memory_space<vmem>>
    %dma_wait3A_85 = arith.constant 0 : i32
    %dma_wait3A_86 = arith.constant 0 : i32
    %dma_wait3A_87 = tpu.memref_slice %arg6[%dma_wait3A_85, %dma_wait3A_86] : memref<10240x128xf32, #tpu.memory_space<vmem_shared>> -> memref<10240x128xf32, #tpu.memory_space<vmem_shared>>
    tpu.wait_indirect_dma semaphore(%arg15 : memref<!tpu.dma_semaphore, #tpu.memory_space<semaphore_mem>>) src(%arg11 : memref<128x128xf32, #tpu.memory_space<vmem>>) dst(%dma_wait3A_87 : memref<10240x128xf32, #tpu.memory_space<vmem_shared>>)
    %dma_start3A_88 = arith.constant 0 : i32
    %dma_start3A_89 = arith.constant 0 : i32
    %dma_start3A_90 = tpu.memref_slice %arg9[%dma_start3A_88, %dma_start3A_89] : memref<2x128xi32, #tpu.memory_space<vmem>> -> memref<1x128xi32, #tpu.memory_space<vmem>>
    %dma_start3A_91 = tpu.memref_squeeze %dma_start3A_90 : memref<1x128xi32, #tpu.memory_space<vmem>> -> memref<128xi32, #tpu.memory_space<vmem>>
    %dma_start3A_92 = arith.constant 0 : i32
    %dma_start3A_93 = arith.constant 0 : i32
    %dma_start3A_94 = tpu.memref_slice %arg2[%dma_start3A_92, %dma_start3A_93] : memref<10000x128xf32, #tpu.memory_space<hbm>> -> memref<10000x128xf32, #tpu.memory_space<hbm>>
    tpu.enqueue_indirect_dma source(%dma_start3A_94 : memref<10000x128xf32, #tpu.memory_space<hbm>>) target(%arg11 : memref<128x128xf32, #tpu.memory_space<vmem>>) offsets(%dma_start3A_91 : memref<128xi32, #tpu.memory_space<vmem>>) semaphore(%arg13 : memref<!tpu.dma_semaphore, #tpu.memory_space<semaphore_mem>>)
    %dma_start3A_95 = arith.constant 3 : i32
    %dma_start3A_96 = arith.constant 0 : i32
    %dma_start3A_97 = arith.constant 0 : i32
    %dma_start3A_98 = tpu.memref_slice %arg3[%add3A, %dma_start3A_95, %dma_start3A_96, %dma_start3A_97] : memref<32x80x2x128xi32, #tpu.memory_space<hbm>> -> memref<1x1x2x128xi32, #tpu.memory_space<hbm>>
    %dma_start3A_99 = tpu.memref_squeeze %dma_start3A_98 : memref<1x1x2x128xi32, #tpu.memory_space<hbm>> -> memref<2x128xi32, #tpu.memory_space<hbm>>
    %dma_start3A_100 = arith.constant 0 : i32
    %dma_start3A_101 = arith.constant 0 : i32
    %dma_start3A_102 = tpu.memref_slice %arg3[%add3A, %dma_start3A_95, %dma_start3A_100, %dma_start3A_101] : memref<32x80x2x128xi32, #tpu.memory_space<hbm>> -> memref<1x1x2x128xi32, #tpu.memory_space<hbm>>
    %dma_start3A_103 = tpu.memref_squeeze %dma_start3A_102 : memref<1x1x2x128xi32, #tpu.memory_space<hbm>> -> memref<2x128xi32, #tpu.memory_space<hbm>>
    tpu.enqueue_dma source(%dma_start3A_103 : memref<2x128xi32, #tpu.memory_space<hbm>>) target(%arg10 : memref<2x128xi32, #tpu.memory_space<vmem>>) target_semaphore(%arg20 : memref<!tpu.dma_semaphore, #tpu.memory_space<semaphore_mem>>)
    %dma_wait3A_104 = arith.constant 0 : i32
    %dma_wait3A_105 = arith.constant 0 : i32
    %dma_wait3A_106 = tpu.memref_slice %arg9[%dma_wait3A_104, %dma_wait3A_105] : memref<2x128xi32, #tpu.memory_space<vmem>> -> memref<1x128xi32, #tpu.memory_space<vmem>>
    %dma_wait3A_107 = tpu.memref_squeeze %dma_wait3A_106 : memref<1x128xi32, #tpu.memory_space<vmem>> -> memref<128xi32, #tpu.memory_space<vmem>>
    %dma_wait3A_108 = arith.constant 0 : i32
    %dma_wait3A_109 = arith.constant 0 : i32
    %dma_wait3A_110 = tpu.memref_slice %arg2[%dma_wait3A_108, %dma_wait3A_109] : memref<10000x128xf32, #tpu.memory_space<hbm>> -> memref<10000x128xf32, #tpu.memory_space<hbm>>
    tpu.wait_indirect_dma semaphore(%arg13 : memref<!tpu.dma_semaphore, #tpu.memory_space<semaphore_mem>>) src(%dma_wait3A_110 : memref<10000x128xf32, #tpu.memory_space<hbm>>) dst(%arg11 : memref<128x128xf32, #tpu.memory_space<vmem>>)
    %dma_start3A_111 = arith.constant 1 : i32
    %dma_start3A_112 = arith.constant 0 : i32
    %dma_start3A_113 = tpu.memref_slice %arg9[%dma_start3A_111, %dma_start3A_112] : memref<2x128xi32, #tpu.memory_space<vmem>> -> memref<1x128xi32, #tpu.memory_space<vmem>>
    %dma_start3A_114 = tpu.memref_squeeze %dma_start3A_113 : memref<1x128xi32, #tpu.memory_space<vmem>> -> memref<128xi32, #tpu.memory_space<vmem>>
    %dma_start3A_115 = arith.constant 0 : i32
    %dma_start3A_116 = arith.constant 0 : i32
    %dma_start3A_117 = tpu.memref_slice %arg6[%dma_start3A_115, %dma_start3A_116] : memref<10240x128xf32, #tpu.memory_space<vmem_shared>> -> memref<10240x128xf32, #tpu.memory_space<vmem_shared>>
    tpu.enqueue_indirect_dma source(%arg11 : memref<128x128xf32, #tpu.memory_space<vmem>>) target(%dma_start3A_117 : memref<10240x128xf32, #tpu.memory_space<vmem_shared>>) offsets(%dma_start3A_114 : memref<128xi32, #tpu.memory_space<vmem>>) semaphore(%arg15 : memref<!tpu.dma_semaphore, #tpu.memory_space<semaphore_mem>>) {add = true}
    %dma_wait3A_118 = arith.constant 0 : i32
    %dma_wait3A_119 = arith.constant 0 : i32
    %dma_wait3A_120 = arith.constant 0 : i32
    %dma_wait3A_121 = tpu.memref_slice %arg3[%add3A, %dma_wait3A_118, %dma_wait3A_119, %dma_wait3A_120] : memref<32x80x2x128xi32, #tpu.memory_space<hbm>> -> memref<1x1x2x128xi32, #tpu.memory_space<hbm>>
    %dma_wait3A_122 = tpu.memref_squeeze %dma_wait3A_121 : memref<1x1x2x128xi32, #tpu.memory_space<hbm>> -> memref<2x128xi32, #tpu.memory_space<hbm>>
    %dma_wait3A_123 = arith.constant 0 : i32
    %dma_wait3A_124 = arith.constant 0 : i32
    %dma_wait3A_125 = tpu.memref_slice %arg3[%add3A, %dma_wait3A_118, %dma_wait3A_123, %dma_wait3A_124] : memref<32x80x2x128xi32, #tpu.memory_space<hbm>> -> memref<1x1x2x128xi32, #tpu.memory_space<hbm>>
    %dma_wait3A_126 = tpu.memref_squeeze %dma_wait3A_125 : memref<1x1x2x128xi32, #tpu.memory_space<hbm>> -> memref<2x128xi32, #tpu.memory_space<hbm>>
    tpu.wait_dma2 semaphore(%arg20 : memref<!tpu.dma_semaphore, #tpu.memory_space<semaphore_mem>>) src(%dma_wait3A_126 : memref<2x128xi32, #tpu.memory_space<hbm>>) dst(%arg10 : memref<2x128xi32, #tpu.memory_space<vmem>>)
    %dma_wait3A_127 = arith.constant 1 : i32
    %dma_wait3A_128 = arith.constant 0 : i32
    %dma_wait3A_129 = tpu.memref_slice %arg10[%dma_wait3A_127, %dma_wait3A_128] : memref<2x128xi32, #tpu.memory_space<vmem>> -> memref<1x128xi32, #tpu.memory_space<vmem>>
    %dma_wait3A_130 = tpu.memref_squeeze %dma_wait3A_129 : memref<1x128xi32, #tpu.memory_space<vmem>> -> memref<128xi32, #tpu.memory_space<vmem>>
    %dma_wait3A_131 = arith.constant 0 : i32
    %dma_wait3A_132 = arith.constant 0 : i32
    %dma_wait3A_133 = tpu.memref_slice %arg6[%dma_wait3A_131, %dma_wait3A_132] : memref<10240x128xf32, #tpu.memory_space<vmem_shared>> -> memref<10240x128xf32, #tpu.memory_space<vmem_shared>>
    tpu.wait_indirect_dma semaphore(%arg16 : memref<!tpu.dma_semaphore, #tpu.memory_space<semaphore_mem>>) src(%arg12 : memref<128x128xf32, #tpu.memory_space<vmem>>) dst(%dma_wait3A_133 : memref<10240x128xf32, #tpu.memory_space<vmem_shared>>)
    %dma_start3A_134 = arith.constant 0 : i32
    %dma_start3A_135 = arith.constant 0 : i32
    %dma_start3A_136 = tpu.memref_slice %arg10[%dma_start3A_134, %dma_start3A_135] : memref<2x128xi32, #tpu.memory_space<vmem>> -> memref<1x128xi32, #tpu.memory_space<vmem>>
    %dma_start3A_137 = tpu.memref_squeeze %dma_start3A_136 : memref<1x128xi32, #tpu.memory_space<vmem>> -> memref<128xi32, #tpu.memory_space<vmem>>
    %dma_start3A_138 = arith.constant 0 : i32
    %dma_start3A_139 = arith.constant 0 : i32
    %dma_start3A_140 = tpu.memref_slice %arg2[%dma_start3A_138, %dma_start3A_139] : memref<10000x128xf32, #tpu.memory_space<hbm>> -> memref<10000x128xf32, #tpu.memory_space<hbm>>
    tpu.enqueue_indirect_dma source(%dma_start3A_140 : memref<10000x128xf32, #tpu.memory_space<hbm>>) target(%arg12 : memref<128x128xf32, #tpu.memory_space<vmem>>) offsets(%dma_start3A_137 : memref<128xi32, #tpu.memory_space<vmem>>) semaphore(%arg14 : memref<!tpu.dma_semaphore, #tpu.memory_space<semaphore_mem>>)
    %dma_start3A_141 = arith.constant 4 : i32
    %dma_start3A_142 = arith.constant 0 : i32
    %dma_start3A_143 = arith.constant 0 : i32
    %dma_start3A_144 = tpu.memref_slice %arg3[%add3A, %dma_start3A_141, %dma_start3A_142, %dma_start3A_143] : memref<32x80x2x128xi32, #tpu.memory_space<hbm>> -> memref<1x1x2x128xi32, #tpu.memory_space<hbm>>
    %dma_start3A_145 = tpu.memref_squeeze %dma_start3A_144 : memref<1x1x2x128xi32, #tpu.memory_space<hbm>> -> memref<2x128xi32, #tpu.memory_space<hbm>>
    %dma_start3A_146 = arith.constant 0 : i32
    %dma_start3A_147 = arith.constant 0 : i32
    %dma_start3A_148 = tpu.memref_slice %arg3[%add3A, %dma_start3A_141, %dma_start3A_146, %dma_start3A_147] : memref<32x80x2x128xi32, #tpu.memory_space<hbm>> -> memref<1x1x2x128xi32, #tpu.memory_space<hbm>>
    %dma_start3A_149 = tpu.memref_squeeze %dma_start3A_148 : memref<1x1x2x128xi32, #tpu.memory_space<hbm>> -> memref<2x128xi32, #tpu.memory_space<hbm>>
    tpu.enqueue_dma source(%dma_start3A_149 : memref<2x128xi32, #tpu.memory_space<hbm>>) target(%arg7 : memref<2x128xi32, #tpu.memory_space<vmem>>) target_semaphore(%arg17 : memref<!tpu.dma_semaphore, #tpu.memory_space<semaphore_mem>>)
    %dma_wait3A_150 = arith.constant 0 : i32
    %dma_wait3A_151 = arith.constant 0 : i32
    %dma_wait3A_152 = tpu.memref_slice %arg10[%dma_wait3A_150, %dma_wait3A_151] : memref<2x128xi32, #tpu.memory_space<vmem>> -> memref<1x128xi32, #tpu.memory_space<vmem>>
    %dma_wait3A_153 = tpu.memref_squeeze %dma_wait3A_152 : memref<1x128xi32, #tpu.memory_space<vmem>> -> memref<128xi32, #tpu.memory_space<vmem>>
    %dma_wait3A_154 = arith.constant 0 : i32
    %dma_wait3A_155 = arith.constant 0 : i32
    %dma_wait3A_156 = tpu.memref_slice %arg2[%dma_wait3A_154, %dma_wait3A_155] : memref<10000x128xf32, #tpu.memory_space<hbm>> -> memref<10000x128xf32, #tpu.memory_space<hbm>>
    tpu.wait_indirect_dma semaphore(%arg14 : memref<!tpu.dma_semaphore, #tpu.memory_space<semaphore_mem>>) src(%dma_wait3A_156 : memref<10000x128xf32, #tpu.memory_space<hbm>>) dst(%arg12 : memref<128x128xf32, #tpu.memory_space<vmem>>)
    %dma_start3A_157 = arith.constant 1 : i32
    %dma_start3A_158 = arith.constant 0 : i32
    %dma_start3A_159 = tpu.memref_slice %arg10[%dma_start3A_157, %dma_start3A_158] : memref<2x128xi32, #tpu.memory_space<vmem>> -> memref<1x128xi32, #tpu.memory_space<vmem>>
    %dma_start3A_160 = tpu.memref_squeeze %dma_start3A_159 : memref<1x128xi32, #tpu.memory_space<vmem>> -> memref<128xi32, #tpu.memory_space<vmem>>
    %dma_start3A_161 = arith.constant 0 : i32
    %dma_start3A_162 = arith.constant 0 : i32
    %dma_start3A_163 = tpu.memref_slice %arg6[%dma_start3A_161, %dma_start3A_162] : memref<10240x128xf32, #tpu.memory_space<vmem_shared>> -> memref<10240x128xf32, #tpu.memory_space<vmem_shared>>
    tpu.enqueue_indirect_dma source(%arg12 : memref<128x128xf32, #tpu.memory_space<vmem>>) target(%dma_start3A_163 : memref<10240x128xf32, #tpu.memory_space<vmem_shared>>) offsets(%dma_start3A_160 : memref<128xi32, #tpu.memory_space<vmem>>) semaphore(%arg16 : memref<!tpu.dma_semaphore, #tpu.memory_space<semaphore_mem>>) {add = true}
    %dma_wait3A_164 = arith.constant 0 : i32
    %dma_wait3A_165 = arith.constant 0 : i32
    %dma_wait3A_166 = arith.constant 0 : i32
    %dma_wait3A_167 = tpu.memref_slice %arg3[%add3A, %dma_wait3A_164, %dma_wait3A_165, %dma_wait3A_166] : memref<32x80x2x128xi32, #tpu.memory_space<hbm>> -> memref<1x1x2x128xi32, #tpu.memory_space<hbm>>
    %dma_wait3A_168 = tpu.memref_squeeze %dma_wait3A_167 : memref<1x1x2x128xi32, #tpu.memory_space<hbm>> -> memref<2x128xi32, #tpu.memory_space<hbm>>
    %dma_wait3A_169 = arith.constant 0 : i32
    %dma_wait3A_170 = arith.constant 0 : i32
    %dma_wait3A_171 = tpu.memref_slice %arg3[%add3A, %dma_wait3A_164, %dma_wait3A_169, %dma_wait3A_170] : memref<32x80x2x128xi32, #tpu.memory_space<hbm>> -> memref<1x1x2x128xi32, #tpu.memory_space<hbm>>
    %dma_wait3A_172 = tpu.memref_squeeze %dma_wait3A_171 : memref<1x1x2x128xi32, #tpu.memory_space<hbm>> -> memref<2x128xi32, #tpu.memory_space<hbm>>
    tpu.wait_dma2 semaphore(%arg17 : memref<!tpu.dma_semaphore, #tpu.memory_space<semaphore_mem>>) src(%dma_wait3A_172 : memref<2x128xi32, #tpu.memory_space<hbm>>) dst(%arg7 : memref<2x128xi32, #tpu.memory_space<vmem>>)
    %dma_wait3A_173 = arith.constant 1 : i32
    %dma_wait3A_174 = arith.constant 0 : i32
    %dma_wait3A_175 = tpu.memref_slice %arg7[%dma_wait3A_173, %dma_wait3A_174] : memref<2x128xi32, #tpu.memory_space<vmem>> -> memref<1x128xi32, #tpu.memory_space<vmem>>
    %dma_wait3A_176 = tpu.memref_squeeze %dma_wait3A_175 : memref<1x128xi32, #tpu.memory_space<vmem>> -> memref<128xi32, #tpu.memory_space<vmem>>
    %dma_wait3A_177 = arith.constant 0 : i32
    %dma_wait3A_178 = arith.constant 0 : i32
    %dma_wait3A_179 = tpu.memref_slice %arg6[%dma_wait3A_177, %dma_wait3A_178] : memref<10240x128xf32, #tpu.memory_space<vmem_shared>> -> memref<10240x128xf32, #tpu.memory_space<vmem_shared>>
    tpu.wait_indirect_dma semaphore(%arg15 : memref<!tpu.dma_semaphore, #tpu.memory_space<semaphore_mem>>) src(%arg11 : memref<128x128xf32, #tpu.memory_space<vmem>>) dst(%dma_wait3A_179 : memref<10240x128xf32, #tpu.memory_space<vmem_shared>>)
    %dma_start3A_180 = arith.constant 0 : i32
    %dma_start3A_181 = arith.constant 0 : i32
    %dma_start3A_182 = tpu.memref_slice %arg7[%dma_start3A_180, %dma_start3A_181] : memref<2x128xi32, #tpu.memory_space<vmem>> -> memref<1x128xi32, #tpu.memory_space<vmem>>
    %dma_start3A_183 = tpu.memref_squeeze %dma_start3A_182 : memref<1x128xi32, #tpu.memory_space<vmem>> -> memref<128xi32, #tpu.memory_space<vmem>>
    %dma_start3A_184 = arith.constant 0 : i32
    %dma_start3A_185 = arith.constant 0 : i32
    %dma_start3A_186 = tpu.memref_slice %arg2[%dma_start3A_184, %dma_start3A_185] : memref<10000x128xf32, #tpu.memory_space<hbm>> -> memref<10000x128xf32, #tpu.memory_space<hbm>>
    tpu.enqueue_indirect_dma source(%dma_start3A_186 : memref<10000x128xf32, #tpu.memory_space<hbm>>) target(%arg11 : memref<128x128xf32, #tpu.memory_space<vmem>>) offsets(%dma_start3A_183 : memref<128xi32, #tpu.memory_space<vmem>>) semaphore(%arg13 : memref<!tpu.dma_semaphore, #tpu.memory_space<semaphore_mem>>)
    %dma_start3A_187 = arith.constant 5 : i32
    %dma_start3A_188 = arith.constant 0 : i32
    %dma_start3A_189 = arith.constant 0 : i32
    %dma_start3A_190 = tpu.memref_slice %arg3[%add3A, %dma_start3A_187, %dma_start3A_188, %dma_start3A_189] : memref<32x80x2x128xi32, #tpu.memory_space<hbm>> -> memref<1x1x2x128xi32, #tpu.memory_space<hbm>>
    %dma_start3A_191 = tpu.memref_squeeze %dma_start3A_190 : memref<1x1x2x128xi32, #tpu.memory_space<hbm>> -> memref<2x128xi32, #tpu.memory_space<hbm>>
    %dma_start3A_192 = arith.constant 0 : i32
    %dma_start3A_193 = arith.constant 0 : i32
    %dma_start3A_194 = tpu.memref_slice %arg3[%add3A, %dma_start3A_187, %dma_start3A_192, %dma_start3A_193] : memref<32x80x2x128xi32, #tpu.memory_space<hbm>> -> memref<1x1x2x128xi32, #tpu.memory_space<hbm>>
    %dma_start3A_195 = tpu.memref_squeeze %dma_start3A_194 : memref<1x1x2x128xi32, #tpu.memory_space<hbm>> -> memref<2x128xi32, #tpu.memory_space<hbm>>
    tpu.enqueue_dma source(%dma_start3A_195 : memref<2x128xi32, #tpu.memory_space<hbm>>) target(%arg8 : memref<2x128xi32, #tpu.memory_space<vmem>>) target_semaphore(%arg18 : memref<!tpu.dma_semaphore, #tpu.memory_space<semaphore_mem>>)
    %scan3A = arith.constant 0 : i32
    %scan3A_196 = arith.constant 1 : i32
    %scan3A_197 = arith.constant 18 : i32
    %scan3A_198 = arith.addi %scan3A_196, %scan3A_197 : i32
    %scan3A_199 = arith.constant 1 : i32
    scf.for %scan3A_363 = %scan3A_196 to %scan3A_198 step %scan3A_199  : i32 {
      %mul3A_364 = arith.constant 4 : i32
      %mul3A_365 = arith.muli %mul3A_364, %scan3A_363 : i32
      %add3A_366 = arith.constant 0 : i32
      %add3A_367 = arith.addi %mul3A_365, %add3A_366 : i32
      %dma_wait3A_368 = arith.constant 0 : i32
      %dma_wait3A_369 = arith.constant 0 : i32
      %dma_wait3A_370 = tpu.memref_slice %arg7[%dma_wait3A_368, %dma_wait3A_369] : memref<2x128xi32, #tpu.memory_space<vmem>> -> memref<1x128xi32, #tpu.memory_space<vmem>>
      %dma_wait3A_371 = tpu.memref_squeeze %dma_wait3A_370 : memref<1x128xi32, #tpu.memory_space<vmem>> -> memref<128xi32, #tpu.memory_space<vmem>>
      %dma_wait3A_372 = arith.constant 0 : i32
      %dma_wait3A_373 = arith.constant 0 : i32
      %dma_wait3A_374 = tpu.memref_slice %arg2[%dma_wait3A_372, %dma_wait3A_373] : memref<10000x128xf32, #tpu.memory_space<hbm>> -> memref<10000x128xf32, #tpu.memory_space<hbm>>
      tpu.wait_indirect_dma semaphore(%arg13 : memref<!tpu.dma_semaphore, #tpu.memory_space<semaphore_mem>>) src(%dma_wait3A_374 : memref<10000x128xf32, #tpu.memory_space<hbm>>) dst(%arg11 : memref<128x128xf32, #tpu.memory_space<vmem>>)
      %dma_start3A_375 = arith.constant 1 : i32
      %dma_start3A_376 = arith.constant 0 : i32
      %dma_start3A_377 = tpu.memref_slice %arg7[%dma_start3A_375, %dma_start3A_376] : memref<2x128xi32, #tpu.memory_space<vmem>> -> memref<1x128xi32, #tpu.memory_space<vmem>>
      %dma_start3A_378 = tpu.memref_squeeze %dma_start3A_377 : memref<1x128xi32, #tpu.memory_space<vmem>> -> memref<128xi32, #tpu.memory_space<vmem>>
      %dma_start3A_379 = arith.constant 0 : i32
      %dma_start3A_380 = arith.constant 0 : i32
      %dma_start3A_381 = tpu.memref_slice %arg6[%dma_start3A_379, %dma_start3A_380] : memref<10240x128xf32, #tpu.memory_space<vmem_shared>> -> memref<10240x128xf32, #tpu.memory_space<vmem_shared>>
      tpu.enqueue_indirect_dma source(%arg11 : memref<128x128xf32, #tpu.memory_space<vmem>>) target(%dma_start3A_381 : memref<10240x128xf32, #tpu.memory_space<vmem_shared>>) offsets(%dma_start3A_378 : memref<128xi32, #tpu.memory_space<vmem>>) semaphore(%arg15 : memref<!tpu.dma_semaphore, #tpu.memory_space<semaphore_mem>>) {add = true}
      %dma_wait3A_382 = arith.constant 0 : i32
      %dma_wait3A_383 = arith.constant 0 : i32
      %dma_wait3A_384 = arith.constant 0 : i32
      %dma_wait3A_385 = tpu.memref_slice %arg3[%add3A, %dma_wait3A_382, %dma_wait3A_383, %dma_wait3A_384] : memref<32x80x2x128xi32, #tpu.memory_space<hbm>> -> memref<1x1x2x128xi32, #tpu.memory_space<hbm>>
      %dma_wait3A_386 = tpu.memref_squeeze %dma_wait3A_385 : memref<1x1x2x128xi32, #tpu.memory_space<hbm>> -> memref<2x128xi32, #tpu.memory_space<hbm>>
      %dma_wait3A_387 = arith.constant 0 : i32
      %dma_wait3A_388 = arith.constant 0 : i32
      %dma_wait3A_389 = tpu.memref_slice %arg3[%add3A, %dma_wait3A_382, %dma_wait3A_387, %dma_wait3A_388] : memref<32x80x2x128xi32, #tpu.memory_space<hbm>> -> memref<1x1x2x128xi32, #tpu.memory_space<hbm>>
      %dma_wait3A_390 = tpu.memref_squeeze %dma_wait3A_389 : memref<1x1x2x128xi32, #tpu.memory_space<hbm>> -> memref<2x128xi32, #tpu.memory_space<hbm>>
      tpu.wait_dma2 semaphore(%arg18 : memref<!tpu.dma_semaphore, #tpu.memory_space<semaphore_mem>>) src(%dma_wait3A_390 : memref<2x128xi32, #tpu.memory_space<hbm>>) dst(%arg8 : memref<2x128xi32, #tpu.memory_space<vmem>>)
      %dma_wait3A_391 = arith.constant 1 : i32
      %dma_wait3A_392 = arith.constant 0 : i32
      %dma_wait3A_393 = tpu.memref_slice %arg8[%dma_wait3A_391, %dma_wait3A_392] : memref<2x128xi32, #tpu.memory_space<vmem>> -> memref<1x128xi32, #tpu.memory_space<vmem>>
      %dma_wait3A_394 = tpu.memref_squeeze %dma_wait3A_393 : memref<1x128xi32, #tpu.memory_space<vmem>> -> memref<128xi32, #tpu.memory_space<vmem>>
      %dma_wait3A_395 = arith.constant 0 : i32
      %dma_wait3A_396 = arith.constant 0 : i32
      %dma_wait3A_397 = tpu.memref_slice %arg6[%dma_wait3A_395, %dma_wait3A_396] : memref<10240x128xf32, #tpu.memory_space<vmem_shared>> -> memref<10240x128xf32, #tpu.memory_space<vmem_shared>>
      tpu.wait_indirect_dma semaphore(%arg16 : memref<!tpu.dma_semaphore, #tpu.memory_space<semaphore_mem>>) src(%arg12 : memref<128x128xf32, #tpu.memory_space<vmem>>) dst(%dma_wait3A_397 : memref<10240x128xf32, #tpu.memory_space<vmem_shared>>)
      %dma_start3A_398 = arith.constant 0 : i32
      %dma_start3A_399 = arith.constant 0 : i32
      %dma_start3A_400 = tpu.memref_slice %arg8[%dma_start3A_398, %dma_start3A_399] : memref<2x128xi32, #tpu.memory_space<vmem>> -> memref<1x128xi32, #tpu.memory_space<vmem>>
      %dma_start3A_401 = tpu.memref_squeeze %dma_start3A_400 : memref<1x128xi32, #tpu.memory_space<vmem>> -> memref<128xi32, #tpu.memory_space<vmem>>
      %dma_start3A_402 = arith.constant 0 : i32
      %dma_start3A_403 = arith.constant 0 : i32
      %dma_start3A_404 = tpu.memref_slice %arg2[%dma_start3A_402, %dma_start3A_403] : memref<10000x128xf32, #tpu.memory_space<hbm>> -> memref<10000x128xf32, #tpu.memory_space<hbm>>
      tpu.enqueue_indirect_dma source(%dma_start3A_404 : memref<10000x128xf32, #tpu.memory_space<hbm>>) target(%arg12 : memref<128x128xf32, #tpu.memory_space<vmem>>) offsets(%dma_start3A_401 : memref<128xi32, #tpu.memory_space<vmem>>) semaphore(%arg14 : memref<!tpu.dma_semaphore, #tpu.memory_space<semaphore_mem>>)
      %add3A_405 = arith.constant 2 : i32
      %add3A_406 = arith.addi %add3A_367, %add3A_405 : i32
      %dma_start3A_407 = arith.constant 0 : i32
      %dma_start3A_408 = arith.constant 0 : i32
      %dma_start3A_409 = tpu.memref_slice %arg3[%add3A, %add3A_406, %dma_start3A_407, %dma_start3A_408] : memref<32x80x2x128xi32, #tpu.memory_space<hbm>> -> memref<1x1x2x128xi32, #tpu.memory_space<hbm>>
      %dma_start3A_410 = tpu.memref_squeeze %dma_start3A_409 : memref<1x1x2x128xi32, #tpu.memory_space<hbm>> -> memref<2x128xi32, #tpu.memory_space<hbm>>
      %dma_start3A_411 = arith.constant 0 : i32
      %dma_start3A_412 = arith.constant 0 : i32
      %dma_start3A_413 = tpu.memref_slice %arg3[%add3A, %add3A_406, %dma_start3A_411, %dma_start3A_412] : memref<32x80x2x128xi32, #tpu.memory_space<hbm>> -> memref<1x1x2x128xi32, #tpu.memory_space<hbm>>
      %dma_start3A_414 = tpu.memref_squeeze %dma_start3A_413 : memref<1x1x2x128xi32, #tpu.memory_space<hbm>> -> memref<2x128xi32, #tpu.memory_space<hbm>>
      tpu.enqueue_dma source(%dma_start3A_414 : memref<2x128xi32, #tpu.memory_space<hbm>>) target(%arg9 : memref<2x128xi32, #tpu.memory_space<vmem>>) target_semaphore(%arg19 : memref<!tpu.dma_semaphore, #tpu.memory_space<semaphore_mem>>)
      %add3A_415 = arith.constant 1 : i32
      %add3A_416 = arith.addi %mul3A_365, %add3A_415 : i32
      %dma_wait3A_417 = arith.constant 0 : i32
      %dma_wait3A_418 = arith.constant 0 : i32
      %dma_wait3A_419 = tpu.memref_slice %arg8[%dma_wait3A_417, %dma_wait3A_418] : memref<2x128xi32, #tpu.memory_space<vmem>> -> memref<1x128xi32, #tpu.memory_space<vmem>>
      %dma_wait3A_420 = tpu.memref_squeeze %dma_wait3A_419 : memref<1x128xi32, #tpu.memory_space<vmem>> -> memref<128xi32, #tpu.memory_space<vmem>>
      %dma_wait3A_421 = arith.constant 0 : i32
      %dma_wait3A_422 = arith.constant 0 : i32
      %dma_wait3A_423 = tpu.memref_slice %arg2[%dma_wait3A_421, %dma_wait3A_422] : memref<10000x128xf32, #tpu.memory_space<hbm>> -> memref<10000x128xf32, #tpu.memory_space<hbm>>
      tpu.wait_indirect_dma semaphore(%arg14 : memref<!tpu.dma_semaphore, #tpu.memory_space<semaphore_mem>>) src(%dma_wait3A_423 : memref<10000x128xf32, #tpu.memory_space<hbm>>) dst(%arg12 : memref<128x128xf32, #tpu.memory_space<vmem>>)
      %dma_start3A_424 = arith.constant 1 : i32
      %dma_start3A_425 = arith.constant 0 : i32
      %dma_start3A_426 = tpu.memref_slice %arg8[%dma_start3A_424, %dma_start3A_425] : memref<2x128xi32, #tpu.memory_space<vmem>> -> memref<1x128xi32, #tpu.memory_space<vmem>>
      %dma_start3A_427 = tpu.memref_squeeze %dma_start3A_426 : memref<1x128xi32, #tpu.memory_space<vmem>> -> memref<128xi32, #tpu.memory_space<vmem>>
      %dma_start3A_428 = arith.constant 0 : i32
      %dma_start3A_429 = arith.constant 0 : i32
      %dma_start3A_430 = tpu.memref_slice %arg6[%dma_start3A_428, %dma_start3A_429] : memref<10240x128xf32, #tpu.memory_space<vmem_shared>> -> memref<10240x128xf32, #tpu.memory_space<vmem_shared>>
      tpu.enqueue_indirect_dma source(%arg12 : memref<128x128xf32, #tpu.memory_space<vmem>>) target(%dma_start3A_430 : memref<10240x128xf32, #tpu.memory_space<vmem_shared>>) offsets(%dma_start3A_427 : memref<128xi32, #tpu.memory_space<vmem>>) semaphore(%arg16 : memref<!tpu.dma_semaphore, #tpu.memory_space<semaphore_mem>>) {add = true}
      %dma_wait3A_431 = arith.constant 0 : i32
      %dma_wait3A_432 = arith.constant 0 : i32
      %dma_wait3A_433 = arith.constant 0 : i32
      %dma_wait3A_434 = tpu.memref_slice %arg3[%add3A, %dma_wait3A_431, %dma_wait3A_432, %dma_wait3A_433] : memref<32x80x2x128xi32, #tpu.memory_space<hbm>> -> memref<1x1x2x128xi32, #tpu.memory_space<hbm>>
      %dma_wait3A_435 = tpu.memref_squeeze %dma_wait3A_434 : memref<1x1x2x128xi32, #tpu.memory_space<hbm>> -> memref<2x128xi32, #tpu.memory_space<hbm>>
      %dma_wait3A_436 = arith.constant 0 : i32
      %dma_wait3A_437 = arith.constant 0 : i32
      %dma_wait3A_438 = tpu.memref_slice %arg3[%add3A, %dma_wait3A_431, %dma_wait3A_436, %dma_wait3A_437] : memref<32x80x2x128xi32, #tpu.memory_space<hbm>> -> memref<1x1x2x128xi32, #tpu.memory_space<hbm>>
      %dma_wait3A_439 = tpu.memref_squeeze %dma_wait3A_438 : memref<1x1x2x128xi32, #tpu.memory_space<hbm>> -> memref<2x128xi32, #tpu.memory_space<hbm>>
      tpu.wait_dma2 semaphore(%arg19 : memref<!tpu.dma_semaphore, #tpu.memory_space<semaphore_mem>>) src(%dma_wait3A_439 : memref<2x128xi32, #tpu.memory_space<hbm>>) dst(%arg9 : memref<2x128xi32, #tpu.memory_space<vmem>>)
      %dma_wait3A_440 = arith.constant 1 : i32
      %dma_wait3A_441 = arith.constant 0 : i32
      %dma_wait3A_442 = tpu.memref_slice %arg9[%dma_wait3A_440, %dma_wait3A_441] : memref<2x128xi32, #tpu.memory_space<vmem>> -> memref<1x128xi32, #tpu.memory_space<vmem>>
      %dma_wait3A_443 = tpu.memref_squeeze %dma_wait3A_442 : memref<1x128xi32, #tpu.memory_space<vmem>> -> memref<128xi32, #tpu.memory_space<vmem>>
      %dma_wait3A_444 = arith.constant 0 : i32
      %dma_wait3A_445 = arith.constant 0 : i32
      %dma_wait3A_446 = tpu.memref_slice %arg6[%dma_wait3A_444, %dma_wait3A_445] : memref<10240x128xf32, #tpu.memory_space<vmem_shared>> -> memref<10240x128xf32, #tpu.memory_space<vmem_shared>>
      tpu.wait_indirect_dma semaphore(%arg15 : memref<!tpu.dma_semaphore, #tpu.memory_space<semaphore_mem>>) src(%arg11 : memref<128x128xf32, #tpu.memory_space<vmem>>) dst(%dma_wait3A_446 : memref<10240x128xf32, #tpu.memory_space<vmem_shared>>)
      %dma_start3A_447 = arith.constant 0 : i32
      %dma_start3A_448 = arith.constant 0 : i32
      %dma_start3A_449 = tpu.memref_slice %arg9[%dma_start3A_447, %dma_start3A_448] : memref<2x128xi32, #tpu.memory_space<vmem>> -> memref<1x128xi32, #tpu.memory_space<vmem>>
      %dma_start3A_450 = tpu.memref_squeeze %dma_start3A_449 : memref<1x128xi32, #tpu.memory_space<vmem>> -> memref<128xi32, #tpu.memory_space<vmem>>
      %dma_start3A_451 = arith.constant 0 : i32
      %dma_start3A_452 = arith.constant 0 : i32
      %dma_start3A_453 = tpu.memref_slice %arg2[%dma_start3A_451, %dma_start3A_452] : memref<10000x128xf32, #tpu.memory_space<hbm>> -> memref<10000x128xf32, #tpu.memory_space<hbm>>
      tpu.enqueue_indirect_dma source(%dma_start3A_453 : memref<10000x128xf32, #tpu.memory_space<hbm>>) target(%arg11 : memref<128x128xf32, #tpu.memory_space<vmem>>) offsets(%dma_start3A_450 : memref<128xi32, #tpu.memory_space<vmem>>) semaphore(%arg13 : memref<!tpu.dma_semaphore, #tpu.memory_space<semaphore_mem>>)
      %add3A_454 = arith.constant 2 : i32
      %add3A_455 = arith.addi %add3A_416, %add3A_454 : i32
      %dma_start3A_456 = arith.constant 0 : i32
      %dma_start3A_457 = arith.constant 0 : i32
      %dma_start3A_458 = tpu.memref_slice %arg3[%add3A, %add3A_455, %dma_start3A_456, %dma_start3A_457] : memref<32x80x2x128xi32, #tpu.memory_space<hbm>> -> memref<1x1x2x128xi32, #tpu.memory_space<hbm>>
      %dma_start3A_459 = tpu.memref_squeeze %dma_start3A_458 : memref<1x1x2x128xi32, #tpu.memory_space<hbm>> -> memref<2x128xi32, #tpu.memory_space<hbm>>
      %dma_start3A_460 = arith.constant 0 : i32
      %dma_start3A_461 = arith.constant 0 : i32
      %dma_start3A_462 = tpu.memref_slice %arg3[%add3A, %add3A_455, %dma_start3A_460, %dma_start3A_461] : memref<32x80x2x128xi32, #tpu.memory_space<hbm>> -> memref<1x1x2x128xi32, #tpu.memory_space<hbm>>
      %dma_start3A_463 = tpu.memref_squeeze %dma_start3A_462 : memref<1x1x2x128xi32, #tpu.memory_space<hbm>> -> memref<2x128xi32, #tpu.memory_space<hbm>>
      tpu.enqueue_dma source(%dma_start3A_463 : memref<2x128xi32, #tpu.memory_space<hbm>>) target(%arg10 : memref<2x128xi32, #tpu.memory_space<vmem>>) target_semaphore(%arg20 : memref<!tpu.dma_semaphore, #tpu.memory_space<semaphore_mem>>)
      %add3A_464 = arith.constant 2 : i32
      %add3A_465 = arith.addi %mul3A_365, %add3A_464 : i32
      %dma_wait3A_466 = arith.constant 0 : i32
      %dma_wait3A_467 = arith.constant 0 : i32
      %dma_wait3A_468 = tpu.memref_slice %arg9[%dma_wait3A_466, %dma_wait3A_467] : memref<2x128xi32, #tpu.memory_space<vmem>> -> memref<1x128xi32, #tpu.memory_space<vmem>>
      %dma_wait3A_469 = tpu.memref_squeeze %dma_wait3A_468 : memref<1x128xi32, #tpu.memory_space<vmem>> -> memref<128xi32, #tpu.memory_space<vmem>>
      %dma_wait3A_470 = arith.constant 0 : i32
      %dma_wait3A_471 = arith.constant 0 : i32
      %dma_wait3A_472 = tpu.memref_slice %arg2[%dma_wait3A_470, %dma_wait3A_471] : memref<10000x128xf32, #tpu.memory_space<hbm>> -> memref<10000x128xf32, #tpu.memory_space<hbm>>
      tpu.wait_indirect_dma semaphore(%arg13 : memref<!tpu.dma_semaphore, #tpu.memory_space<semaphore_mem>>) src(%dma_wait3A_472 : memref<10000x128xf32, #tpu.memory_space<hbm>>) dst(%arg11 : memref<128x128xf32, #tpu.memory_space<vmem>>)
      %dma_start3A_473 = arith.constant 1 : i32
      %dma_start3A_474 = arith.constant 0 : i32
      %dma_start3A_475 = tpu.memref_slice %arg9[%dma_start3A_473, %dma_start3A_474] : memref<2x128xi32, #tpu.memory_space<vmem>> -> memref<1x128xi32, #tpu.memory_space<vmem>>
      %dma_start3A_476 = tpu.memref_squeeze %dma_start3A_475 : memref<1x128xi32, #tpu.memory_space<vmem>> -> memref<128xi32, #tpu.memory_space<vmem>>
      %dma_start3A_477 = arith.constant 0 : i32
      %dma_start3A_478 = arith.constant 0 : i32
      %dma_start3A_479 = tpu.memref_slice %arg6[%dma_start3A_477, %dma_start3A_478] : memref<10240x128xf32, #tpu.memory_space<vmem_shared>> -> memref<10240x128xf32, #tpu.memory_space<vmem_shared>>
      tpu.enqueue_indirect_dma source(%arg11 : memref<128x128xf32, #tpu.memory_space<vmem>>) target(%dma_start3A_479 : memref<10240x128xf32, #tpu.memory_space<vmem_shared>>) offsets(%dma_start3A_476 : memref<128xi32, #tpu.memory_space<vmem>>) semaphore(%arg15 : memref<!tpu.dma_semaphore, #tpu.memory_space<semaphore_mem>>) {add = true}
      %dma_wait3A_480 = arith.constant 0 : i32
      %dma_wait3A_481 = arith.constant 0 : i32
      %dma_wait3A_482 = arith.constant 0 : i32
      %dma_wait3A_483 = tpu.memref_slice %arg3[%add3A, %dma_wait3A_480, %dma_wait3A_481, %dma_wait3A_482] : memref<32x80x2x128xi32, #tpu.memory_space<hbm>> -> memref<1x1x2x128xi32, #tpu.memory_space<hbm>>
      %dma_wait3A_484 = tpu.memref_squeeze %dma_wait3A_483 : memref<1x1x2x128xi32, #tpu.memory_space<hbm>> -> memref<2x128xi32, #tpu.memory_space<hbm>>
      %dma_wait3A_485 = arith.constant 0 : i32
      %dma_wait3A_486 = arith.constant 0 : i32
      %dma_wait3A_487 = tpu.memref_slice %arg3[%add3A, %dma_wait3A_480, %dma_wait3A_485, %dma_wait3A_486] : memref<32x80x2x128xi32, #tpu.memory_space<hbm>> -> memref<1x1x2x128xi32, #tpu.memory_space<hbm>>
      %dma_wait3A_488 = tpu.memref_squeeze %dma_wait3A_487 : memref<1x1x2x128xi32, #tpu.memory_space<hbm>> -> memref<2x128xi32, #tpu.memory_space<hbm>>
      tpu.wait_dma2 semaphore(%arg20 : memref<!tpu.dma_semaphore, #tpu.memory_space<semaphore_mem>>) src(%dma_wait3A_488 : memref<2x128xi32, #tpu.memory_space<hbm>>) dst(%arg10 : memref<2x128xi32, #tpu.memory_space<vmem>>)
      %dma_wait3A_489 = arith.constant 1 : i32
      %dma_wait3A_490 = arith.constant 0 : i32
      %dma_wait3A_491 = tpu.memref_slice %arg10[%dma_wait3A_489, %dma_wait3A_490] : memref<2x128xi32, #tpu.memory_space<vmem>> -> memref<1x128xi32, #tpu.memory_space<vmem>>
      %dma_wait3A_492 = tpu.memref_squeeze %dma_wait3A_491 : memref<1x128xi32, #tpu.memory_space<vmem>> -> memref<128xi32, #tpu.memory_space<vmem>>
      %dma_wait3A_493 = arith.constant 0 : i32
      %dma_wait3A_494 = arith.constant 0 : i32
      %dma_wait3A_495 = tpu.memref_slice %arg6[%dma_wait3A_493, %dma_wait3A_494] : memref<10240x128xf32, #tpu.memory_space<vmem_shared>> -> memref<10240x128xf32, #tpu.memory_space<vmem_shared>>
      tpu.wait_indirect_dma semaphore(%arg16 : memref<!tpu.dma_semaphore, #tpu.memory_space<semaphore_mem>>) src(%arg12 : memref<128x128xf32, #tpu.memory_space<vmem>>) dst(%dma_wait3A_495 : memref<10240x128xf32, #tpu.memory_space<vmem_shared>>)
      %dma_start3A_496 = arith.constant 0 : i32
      %dma_start3A_497 = arith.constant 0 : i32
      %dma_start3A_498 = tpu.memref_slice %arg10[%dma_start3A_496, %dma_start3A_497] : memref<2x128xi32, #tpu.memory_space<vmem>> -> memref<1x128xi32, #tpu.memory_space<vmem>>
      %dma_start3A_499 = tpu.memref_squeeze %dma_start3A_498 : memref<1x128xi32, #tpu.memory_space<vmem>> -> memref<128xi32, #tpu.memory_space<vmem>>
      %dma_start3A_500 = arith.constant 0 : i32
      %dma_start3A_501 = arith.constant 0 : i32
      %dma_start3A_502 = tpu.memref_slice %arg2[%dma_start3A_500, %dma_start3A_501] : memref<10000x128xf32, #tpu.memory_space<hbm>> -> memref<10000x128xf32, #tpu.memory_space<hbm>>
      tpu.enqueue_indirect_dma source(%dma_start3A_502 : memref<10000x128xf32, #tpu.memory_space<hbm>>) target(%arg12 : memref<128x128xf32, #tpu.memory_space<vmem>>) offsets(%dma_start3A_499 : memref<128xi32, #tpu.memory_space<vmem>>) semaphore(%arg14 : memref<!tpu.dma_semaphore, #tpu.memory_space<semaphore_mem>>)
      %add3A_503 = arith.constant 2 : i32
      %add3A_504 = arith.addi %add3A_465, %add3A_503 : i32
      %dma_start3A_505 = arith.constant 0 : i32
      %dma_start3A_506 = arith.constant 0 : i32
      %dma_start3A_507 = tpu.memref_slice %arg3[%add3A, %add3A_504, %dma_start3A_505, %dma_start3A_506] : memref<32x80x2x128xi32, #tpu.memory_space<hbm>> -> memref<1x1x2x128xi32, #tpu.memory_space<hbm>>
      %dma_start3A_508 = tpu.memref_squeeze %dma_start3A_507 : memref<1x1x2x128xi32, #tpu.memory_space<hbm>> -> memref<2x128xi32, #tpu.memory_space<hbm>>
      %dma_start3A_509 = arith.constant 0 : i32
      %dma_start3A_510 = arith.constant 0 : i32
      %dma_start3A_511 = tpu.memref_slice %arg3[%add3A, %add3A_504, %dma_start3A_509, %dma_start3A_510] : memref<32x80x2x128xi32, #tpu.memory_space<hbm>> -> memref<1x1x2x128xi32, #tpu.memory_space<hbm>>
      %dma_start3A_512 = tpu.memref_squeeze %dma_start3A_511 : memref<1x1x2x128xi32, #tpu.memory_space<hbm>> -> memref<2x128xi32, #tpu.memory_space<hbm>>
      tpu.enqueue_dma source(%dma_start3A_512 : memref<2x128xi32, #tpu.memory_space<hbm>>) target(%arg7 : memref<2x128xi32, #tpu.memory_space<vmem>>) target_semaphore(%arg17 : memref<!tpu.dma_semaphore, #tpu.memory_space<semaphore_mem>>)
      %add3A_513 = arith.constant 3 : i32
      %add3A_514 = arith.addi %mul3A_365, %add3A_513 : i32
      %dma_wait3A_515 = arith.constant 0 : i32
      %dma_wait3A_516 = arith.constant 0 : i32
      %dma_wait3A_517 = tpu.memref_slice %arg10[%dma_wait3A_515, %dma_wait3A_516] : memref<2x128xi32, #tpu.memory_space<vmem>> -> memref<1x128xi32, #tpu.memory_space<vmem>>
      %dma_wait3A_518 = tpu.memref_squeeze %dma_wait3A_517 : memref<1x128xi32, #tpu.memory_space<vmem>> -> memref<128xi32, #tpu.memory_space<vmem>>
      %dma_wait3A_519 = arith.constant 0 : i32
      %dma_wait3A_520 = arith.constant 0 : i32
      %dma_wait3A_521 = tpu.memref_slice %arg2[%dma_wait3A_519, %dma_wait3A_520] : memref<10000x128xf32, #tpu.memory_space<hbm>> -> memref<10000x128xf32, #tpu.memory_space<hbm>>
      tpu.wait_indirect_dma semaphore(%arg14 : memref<!tpu.dma_semaphore, #tpu.memory_space<semaphore_mem>>) src(%dma_wait3A_521 : memref<10000x128xf32, #tpu.memory_space<hbm>>) dst(%arg12 : memref<128x128xf32, #tpu.memory_space<vmem>>)
      %dma_start3A_522 = arith.constant 1 : i32
      %dma_start3A_523 = arith.constant 0 : i32
      %dma_start3A_524 = tpu.memref_slice %arg10[%dma_start3A_522, %dma_start3A_523] : memref<2x128xi32, #tpu.memory_space<vmem>> -> memref<1x128xi32, #tpu.memory_space<vmem>>
      %dma_start3A_525 = tpu.memref_squeeze %dma_start3A_524 : memref<1x128xi32, #tpu.memory_space<vmem>> -> memref<128xi32, #tpu.memory_space<vmem>>
      %dma_start3A_526 = arith.constant 0 : i32
      %dma_start3A_527 = arith.constant 0 : i32
      %dma_start3A_528 = tpu.memref_slice %arg6[%dma_start3A_526, %dma_start3A_527] : memref<10240x128xf32, #tpu.memory_space<vmem_shared>> -> memref<10240x128xf32, #tpu.memory_space<vmem_shared>>
      tpu.enqueue_indirect_dma source(%arg12 : memref<128x128xf32, #tpu.memory_space<vmem>>) target(%dma_start3A_528 : memref<10240x128xf32, #tpu.memory_space<vmem_shared>>) offsets(%dma_start3A_525 : memref<128xi32, #tpu.memory_space<vmem>>) semaphore(%arg16 : memref<!tpu.dma_semaphore, #tpu.memory_space<semaphore_mem>>) {add = true}
      %dma_wait3A_529 = arith.constant 0 : i32
      %dma_wait3A_530 = arith.constant 0 : i32
      %dma_wait3A_531 = arith.constant 0 : i32
      %dma_wait3A_532 = tpu.memref_slice %arg3[%add3A, %dma_wait3A_529, %dma_wait3A_530, %dma_wait3A_531] : memref<32x80x2x128xi32, #tpu.memory_space<hbm>> -> memref<1x1x2x128xi32, #tpu.memory_space<hbm>>
      %dma_wait3A_533 = tpu.memref_squeeze %dma_wait3A_532 : memref<1x1x2x128xi32, #tpu.memory_space<hbm>> -> memref<2x128xi32, #tpu.memory_space<hbm>>
      %dma_wait3A_534 = arith.constant 0 : i32
      %dma_wait3A_535 = arith.constant 0 : i32
      %dma_wait3A_536 = tpu.memref_slice %arg3[%add3A, %dma_wait3A_529, %dma_wait3A_534, %dma_wait3A_535] : memref<32x80x2x128xi32, #tpu.memory_space<hbm>> -> memref<1x1x2x128xi32, #tpu.memory_space<hbm>>
      %dma_wait3A_537 = tpu.memref_squeeze %dma_wait3A_536 : memref<1x1x2x128xi32, #tpu.memory_space<hbm>> -> memref<2x128xi32, #tpu.memory_space<hbm>>
      tpu.wait_dma2 semaphore(%arg17 : memref<!tpu.dma_semaphore, #tpu.memory_space<semaphore_mem>>) src(%dma_wait3A_537 : memref<2x128xi32, #tpu.memory_space<hbm>>) dst(%arg7 : memref<2x128xi32, #tpu.memory_space<vmem>>)
      %dma_wait3A_538 = arith.constant 1 : i32
      %dma_wait3A_539 = arith.constant 0 : i32
      %dma_wait3A_540 = tpu.memref_slice %arg7[%dma_wait3A_538, %dma_wait3A_539] : memref<2x128xi32, #tpu.memory_space<vmem>> -> memref<1x128xi32, #tpu.memory_space<vmem>>
      %dma_wait3A_541 = tpu.memref_squeeze %dma_wait3A_540 : memref<1x128xi32, #tpu.memory_space<vmem>> -> memref<128xi32, #tpu.memory_space<vmem>>
      %dma_wait3A_542 = arith.constant 0 : i32
      %dma_wait3A_543 = arith.constant 0 : i32
      %dma_wait3A_544 = tpu.memref_slice %arg6[%dma_wait3A_542, %dma_wait3A_543] : memref<10240x128xf32, #tpu.memory_space<vmem_shared>> -> memref<10240x128xf32, #tpu.memory_space<vmem_shared>>
      tpu.wait_indirect_dma semaphore(%arg15 : memref<!tpu.dma_semaphore, #tpu.memory_space<semaphore_mem>>) src(%arg11 : memref<128x128xf32, #tpu.memory_space<vmem>>) dst(%dma_wait3A_544 : memref<10240x128xf32, #tpu.memory_space<vmem_shared>>)
      %dma_start3A_545 = arith.constant 0 : i32
      %dma_start3A_546 = arith.constant 0 : i32
      %dma_start3A_547 = tpu.memref_slice %arg7[%dma_start3A_545, %dma_start3A_546] : memref<2x128xi32, #tpu.memory_space<vmem>> -> memref<1x128xi32, #tpu.memory_space<vmem>>
      %dma_start3A_548 = tpu.memref_squeeze %dma_start3A_547 : memref<1x128xi32, #tpu.memory_space<vmem>> -> memref<128xi32, #tpu.memory_space<vmem>>
      %dma_start3A_549 = arith.constant 0 : i32
      %dma_start3A_550 = arith.constant 0 : i32
      %dma_start3A_551 = tpu.memref_slice %arg2[%dma_start3A_549, %dma_start3A_550] : memref<10000x128xf32, #tpu.memory_space<hbm>> -> memref<10000x128xf32, #tpu.memory_space<hbm>>
      tpu.enqueue_indirect_dma source(%dma_start3A_551 : memref<10000x128xf32, #tpu.memory_space<hbm>>) target(%arg11 : memref<128x128xf32, #tpu.memory_space<vmem>>) offsets(%dma_start3A_548 : memref<128xi32, #tpu.memory_space<vmem>>) semaphore(%arg13 : memref<!tpu.dma_semaphore, #tpu.memory_space<semaphore_mem>>)
      %add3A_552 = arith.constant 2 : i32
      %add3A_553 = arith.addi %add3A_514, %add3A_552 : i32
      %dma_start3A_554 = arith.constant 0 : i32
      %dma_start3A_555 = arith.constant 0 : i32
      %dma_start3A_556 = tpu.memref_slice %arg3[%add3A, %add3A_553, %dma_start3A_554, %dma_start3A_555] : memref<32x80x2x128xi32, #tpu.memory_space<hbm>> -> memref<1x1x2x128xi32, #tpu.memory_space<hbm>>
      %dma_start3A_557 = tpu.memref_squeeze %dma_start3A_556 : memref<1x1x2x128xi32, #tpu.memory_space<hbm>> -> memref<2x128xi32, #tpu.memory_space<hbm>>
      %dma_start3A_558 = arith.constant 0 : i32
      %dma_start3A_559 = arith.constant 0 : i32
      %dma_start3A_560 = tpu.memref_slice %arg3[%add3A, %add3A_553, %dma_start3A_558, %dma_start3A_559] : memref<32x80x2x128xi32, #tpu.memory_space<hbm>> -> memref<1x1x2x128xi32, #tpu.memory_space<hbm>>
      %dma_start3A_561 = tpu.memref_squeeze %dma_start3A_560 : memref<1x1x2x128xi32, #tpu.memory_space<hbm>> -> memref<2x128xi32, #tpu.memory_space<hbm>>
      tpu.enqueue_dma source(%dma_start3A_561 : memref<2x128xi32, #tpu.memory_space<hbm>>) target(%arg8 : memref<2x128xi32, #tpu.memory_space<vmem>>) target_semaphore(%arg18 : memref<!tpu.dma_semaphore, #tpu.memory_space<semaphore_mem>>)
    }
    %scan3A_200 = arith.constant 18 : i32
    %dma_wait3A_201 = arith.constant 0 : i32
    %dma_wait3A_202 = arith.constant 0 : i32
    %dma_wait3A_203 = tpu.memref_slice %arg7[%dma_wait3A_201, %dma_wait3A_202] : memref<2x128xi32, #tpu.memory_space<vmem>> -> memref<1x128xi32, #tpu.memory_space<vmem>>
    %dma_wait3A_204 = tpu.memref_squeeze %dma_wait3A_203 : memref<1x128xi32, #tpu.memory_space<vmem>> -> memref<128xi32, #tpu.memory_space<vmem>>
    %dma_wait3A_205 = arith.constant 0 : i32
    %dma_wait3A_206 = arith.constant 0 : i32
    %dma_wait3A_207 = tpu.memref_slice %arg2[%dma_wait3A_205, %dma_wait3A_206] : memref<10000x128xf32, #tpu.memory_space<hbm>> -> memref<10000x128xf32, #tpu.memory_space<hbm>>
    tpu.wait_indirect_dma semaphore(%arg13 : memref<!tpu.dma_semaphore, #tpu.memory_space<semaphore_mem>>) src(%dma_wait3A_207 : memref<10000x128xf32, #tpu.memory_space<hbm>>) dst(%arg11 : memref<128x128xf32, #tpu.memory_space<vmem>>)
    %dma_start3A_208 = arith.constant 1 : i32
    %dma_start3A_209 = arith.constant 0 : i32
    %dma_start3A_210 = tpu.memref_slice %arg7[%dma_start3A_208, %dma_start3A_209] : memref<2x128xi32, #tpu.memory_space<vmem>> -> memref<1x128xi32, #tpu.memory_space<vmem>>
    %dma_start3A_211 = tpu.memref_squeeze %dma_start3A_210 : memref<1x128xi32, #tpu.memory_space<vmem>> -> memref<128xi32, #tpu.memory_space<vmem>>
    %dma_start3A_212 = arith.constant 0 : i32
    %dma_start3A_213 = arith.constant 0 : i32
    %dma_start3A_214 = tpu.memref_slice %arg6[%dma_start3A_212, %dma_start3A_213] : memref<10240x128xf32, #tpu.memory_space<vmem_shared>> -> memref<10240x128xf32, #tpu.memory_space<vmem_shared>>
    tpu.enqueue_indirect_dma source(%arg11 : memref<128x128xf32, #tpu.memory_space<vmem>>) target(%dma_start3A_214 : memref<10240x128xf32, #tpu.memory_space<vmem_shared>>) offsets(%dma_start3A_211 : memref<128xi32, #tpu.memory_space<vmem>>) semaphore(%arg15 : memref<!tpu.dma_semaphore, #tpu.memory_space<semaphore_mem>>) {add = true}
    %dma_wait3A_215 = arith.constant 0 : i32
    %dma_wait3A_216 = arith.constant 0 : i32
    %dma_wait3A_217 = arith.constant 0 : i32
    %dma_wait3A_218 = tpu.memref_slice %arg3[%add3A, %dma_wait3A_215, %dma_wait3A_216, %dma_wait3A_217] : memref<32x80x2x128xi32, #tpu.memory_space<hbm>> -> memref<1x1x2x128xi32, #tpu.memory_space<hbm>>
    %dma_wait3A_219 = tpu.memref_squeeze %dma_wait3A_218 : memref<1x1x2x128xi32, #tpu.memory_space<hbm>> -> memref<2x128xi32, #tpu.memory_space<hbm>>
    %dma_wait3A_220 = arith.constant 0 : i32
    %dma_wait3A_221 = arith.constant 0 : i32
    %dma_wait3A_222 = tpu.memref_slice %arg3[%add3A, %dma_wait3A_215, %dma_wait3A_220, %dma_wait3A_221] : memref<32x80x2x128xi32, #tpu.memory_space<hbm>> -> memref<1x1x2x128xi32, #tpu.memory_space<hbm>>
    %dma_wait3A_223 = tpu.memref_squeeze %dma_wait3A_222 : memref<1x1x2x128xi32, #tpu.memory_space<hbm>> -> memref<2x128xi32, #tpu.memory_space<hbm>>
    tpu.wait_dma2 semaphore(%arg18 : memref<!tpu.dma_semaphore, #tpu.memory_space<semaphore_mem>>) src(%dma_wait3A_223 : memref<2x128xi32, #tpu.memory_space<hbm>>) dst(%arg8 : memref<2x128xi32, #tpu.memory_space<vmem>>)
    %dma_wait3A_224 = arith.constant 1 : i32
    %dma_wait3A_225 = arith.constant 0 : i32
    %dma_wait3A_226 = tpu.memref_slice %arg8[%dma_wait3A_224, %dma_wait3A_225] : memref<2x128xi32, #tpu.memory_space<vmem>> -> memref<1x128xi32, #tpu.memory_space<vmem>>
    %dma_wait3A_227 = tpu.memref_squeeze %dma_wait3A_226 : memref<1x128xi32, #tpu.memory_space<vmem>> -> memref<128xi32, #tpu.memory_space<vmem>>
    %dma_wait3A_228 = arith.constant 0 : i32
    %dma_wait3A_229 = arith.constant 0 : i32
    %dma_wait3A_230 = tpu.memref_slice %arg6[%dma_wait3A_228, %dma_wait3A_229] : memref<10240x128xf32, #tpu.memory_space<vmem_shared>> -> memref<10240x128xf32, #tpu.memory_space<vmem_shared>>
    tpu.wait_indirect_dma semaphore(%arg16 : memref<!tpu.dma_semaphore, #tpu.memory_space<semaphore_mem>>) src(%arg12 : memref<128x128xf32, #tpu.memory_space<vmem>>) dst(%dma_wait3A_230 : memref<10240x128xf32, #tpu.memory_space<vmem_shared>>)
    %dma_start3A_231 = arith.constant 0 : i32
    %dma_start3A_232 = arith.constant 0 : i32
    %dma_start3A_233 = tpu.memref_slice %arg8[%dma_start3A_231, %dma_start3A_232] : memref<2x128xi32, #tpu.memory_space<vmem>> -> memref<1x128xi32, #tpu.memory_space<vmem>>
    %dma_start3A_234 = tpu.memref_squeeze %dma_start3A_233 : memref<1x128xi32, #tpu.memory_space<vmem>> -> memref<128xi32, #tpu.memory_space<vmem>>
    %dma_start3A_235 = arith.constant 0 : i32
    %dma_start3A_236 = arith.constant 0 : i32
    %dma_start3A_237 = tpu.memref_slice %arg2[%dma_start3A_235, %dma_start3A_236] : memref<10000x128xf32, #tpu.memory_space<hbm>> -> memref<10000x128xf32, #tpu.memory_space<hbm>>
    tpu.enqueue_indirect_dma source(%dma_start3A_237 : memref<10000x128xf32, #tpu.memory_space<hbm>>) target(%arg12 : memref<128x128xf32, #tpu.memory_space<vmem>>) offsets(%dma_start3A_234 : memref<128xi32, #tpu.memory_space<vmem>>) semaphore(%arg14 : memref<!tpu.dma_semaphore, #tpu.memory_space<semaphore_mem>>)
    %dma_start3A_238 = arith.constant 78 : i32
    %dma_start3A_239 = arith.constant 0 : i32
    %dma_start3A_240 = arith.constant 0 : i32
    %dma_start3A_241 = tpu.memref_slice %arg3[%add3A, %dma_start3A_238, %dma_start3A_239, %dma_start3A_240] : memref<32x80x2x128xi32, #tpu.memory_space<hbm>> -> memref<1x1x2x128xi32, #tpu.memory_space<hbm>>
    %dma_start3A_242 = tpu.memref_squeeze %dma_start3A_241 : memref<1x1x2x128xi32, #tpu.memory_space<hbm>> -> memref<2x128xi32, #tpu.memory_space<hbm>>
    %dma_start3A_243 = arith.constant 0 : i32
    %dma_start3A_244 = arith.constant 0 : i32
    %dma_start3A_245 = tpu.memref_slice %arg3[%add3A, %dma_start3A_238, %dma_start3A_243, %dma_start3A_244] : memref<32x80x2x128xi32, #tpu.memory_space<hbm>> -> memref<1x1x2x128xi32, #tpu.memory_space<hbm>>
    %dma_start3A_246 = tpu.memref_squeeze %dma_start3A_245 : memref<1x1x2x128xi32, #tpu.memory_space<hbm>> -> memref<2x128xi32, #tpu.memory_space<hbm>>
    tpu.enqueue_dma source(%dma_start3A_246 : memref<2x128xi32, #tpu.memory_space<hbm>>) target(%arg9 : memref<2x128xi32, #tpu.memory_space<vmem>>) target_semaphore(%arg19 : memref<!tpu.dma_semaphore, #tpu.memory_space<semaphore_mem>>)
    %dma_wait3A_247 = arith.constant 0 : i32
    %dma_wait3A_248 = arith.constant 0 : i32
    %dma_wait3A_249 = tpu.memref_slice %arg8[%dma_wait3A_247, %dma_wait3A_248] : memref<2x128xi32, #tpu.memory_space<vmem>> -> memref<1x128xi32, #tpu.memory_space<vmem>>
    %dma_wait3A_250 = tpu.memref_squeeze %dma_wait3A_249 : memref<1x128xi32, #tpu.memory_space<vmem>> -> memref<128xi32, #tpu.memory_space<vmem>>
    %dma_wait3A_251 = arith.constant 0 : i32
    %dma_wait3A_252 = arith.constant 0 : i32
    %dma_wait3A_253 = tpu.memref_slice %arg2[%dma_wait3A_251, %dma_wait3A_252] : memref<10000x128xf32, #tpu.memory_space<hbm>> -> memref<10000x128xf32, #tpu.memory_space<hbm>>
    tpu.wait_indirect_dma semaphore(%arg14 : memref<!tpu.dma_semaphore, #tpu.memory_space<semaphore_mem>>) src(%dma_wait3A_253 : memref<10000x128xf32, #tpu.memory_space<hbm>>) dst(%arg12 : memref<128x128xf32, #tpu.memory_space<vmem>>)
    %dma_start3A_254 = arith.constant 1 : i32
    %dma_start3A_255 = arith.constant 0 : i32
    %dma_start3A_256 = tpu.memref_slice %arg8[%dma_start3A_254, %dma_start3A_255] : memref<2x128xi32, #tpu.memory_space<vmem>> -> memref<1x128xi32, #tpu.memory_space<vmem>>
    %dma_start3A_257 = tpu.memref_squeeze %dma_start3A_256 : memref<1x128xi32, #tpu.memory_space<vmem>> -> memref<128xi32, #tpu.memory_space<vmem>>
    %dma_start3A_258 = arith.constant 0 : i32
    %dma_start3A_259 = arith.constant 0 : i32
    %dma_start3A_260 = tpu.memref_slice %arg6[%dma_start3A_258, %dma_start3A_259] : memref<10240x128xf32, #tpu.memory_space<vmem_shared>> -> memref<10240x128xf32, #tpu.memory_space<vmem_shared>>
    tpu.enqueue_indirect_dma source(%arg12 : memref<128x128xf32, #tpu.memory_space<vmem>>) target(%dma_start3A_260 : memref<10240x128xf32, #tpu.memory_space<vmem_shared>>) offsets(%dma_start3A_257 : memref<128xi32, #tpu.memory_space<vmem>>) semaphore(%arg16 : memref<!tpu.dma_semaphore, #tpu.memory_space<semaphore_mem>>) {add = true}
    %dma_wait3A_261 = arith.constant 0 : i32
    %dma_wait3A_262 = arith.constant 0 : i32
    %dma_wait3A_263 = arith.constant 0 : i32
    %dma_wait3A_264 = tpu.memref_slice %arg3[%add3A, %dma_wait3A_261, %dma_wait3A_262, %dma_wait3A_263] : memref<32x80x2x128xi32, #tpu.memory_space<hbm>> -> memref<1x1x2x128xi32, #tpu.memory_space<hbm>>
    %dma_wait3A_265 = tpu.memref_squeeze %dma_wait3A_264 : memref<1x1x2x128xi32, #tpu.memory_space<hbm>> -> memref<2x128xi32, #tpu.memory_space<hbm>>
    %dma_wait3A_266 = arith.constant 0 : i32
    %dma_wait3A_267 = arith.constant 0 : i32
    %dma_wait3A_268 = tpu.memref_slice %arg3[%add3A, %dma_wait3A_261, %dma_wait3A_266, %dma_wait3A_267] : memref<32x80x2x128xi32, #tpu.memory_space<hbm>> -> memref<1x1x2x128xi32, #tpu.memory_space<hbm>>
    %dma_wait3A_269 = tpu.memref_squeeze %dma_wait3A_268 : memref<1x1x2x128xi32, #tpu.memory_space<hbm>> -> memref<2x128xi32, #tpu.memory_space<hbm>>
    tpu.wait_dma2 semaphore(%arg19 : memref<!tpu.dma_semaphore, #tpu.memory_space<semaphore_mem>>) src(%dma_wait3A_269 : memref<2x128xi32, #tpu.memory_space<hbm>>) dst(%arg9 : memref<2x128xi32, #tpu.memory_space<vmem>>)
    %dma_wait3A_270 = arith.constant 1 : i32
    %dma_wait3A_271 = arith.constant 0 : i32
    %dma_wait3A_272 = tpu.memref_slice %arg9[%dma_wait3A_270, %dma_wait3A_271] : memref<2x128xi32, #tpu.memory_space<vmem>> -> memref<1x128xi32, #tpu.memory_space<vmem>>
    %dma_wait3A_273 = tpu.memref_squeeze %dma_wait3A_272 : memref<1x128xi32, #tpu.memory_space<vmem>> -> memref<128xi32, #tpu.memory_space<vmem>>
    %dma_wait3A_274 = arith.constant 0 : i32
    %dma_wait3A_275 = arith.constant 0 : i32
    %dma_wait3A_276 = tpu.memref_slice %arg6[%dma_wait3A_274, %dma_wait3A_275] : memref<10240x128xf32, #tpu.memory_space<vmem_shared>> -> memref<10240x128xf32, #tpu.memory_space<vmem_shared>>
    tpu.wait_indirect_dma semaphore(%arg15 : memref<!tpu.dma_semaphore, #tpu.memory_space<semaphore_mem>>) src(%arg11 : memref<128x128xf32, #tpu.memory_space<vmem>>) dst(%dma_wait3A_276 : memref<10240x128xf32, #tpu.memory_space<vmem_shared>>)
    %dma_start3A_277 = arith.constant 0 : i32
    %dma_start3A_278 = arith.constant 0 : i32
    %dma_start3A_279 = tpu.memref_slice %arg9[%dma_start3A_277, %dma_start3A_278] : memref<2x128xi32, #tpu.memory_space<vmem>> -> memref<1x128xi32, #tpu.memory_space<vmem>>
    %dma_start3A_280 = tpu.memref_squeeze %dma_start3A_279 : memref<1x128xi32, #tpu.memory_space<vmem>> -> memref<128xi32, #tpu.memory_space<vmem>>
    %dma_start3A_281 = arith.constant 0 : i32
    %dma_start3A_282 = arith.constant 0 : i32
    %dma_start3A_283 = tpu.memref_slice %arg2[%dma_start3A_281, %dma_start3A_282] : memref<10000x128xf32, #tpu.memory_space<hbm>> -> memref<10000x128xf32, #tpu.memory_space<hbm>>
    tpu.enqueue_indirect_dma source(%dma_start3A_283 : memref<10000x128xf32, #tpu.memory_space<hbm>>) target(%arg11 : memref<128x128xf32, #tpu.memory_space<vmem>>) offsets(%dma_start3A_280 : memref<128xi32, #tpu.memory_space<vmem>>) semaphore(%arg13 : memref<!tpu.dma_semaphore, #tpu.memory_space<semaphore_mem>>)
    %dma_start3A_284 = arith.constant 79 : i32
    %dma_start3A_285 = arith.constant 0 : i32
    %dma_start3A_286 = arith.constant 0 : i32
    %dma_start3A_287 = tpu.memref_slice %arg3[%add3A, %dma_start3A_284, %dma_start3A_285, %dma_start3A_286] : memref<32x80x2x128xi32, #tpu.memory_space<hbm>> -> memref<1x1x2x128xi32, #tpu.memory_space<hbm>>
    %dma_start3A_288 = tpu.memref_squeeze %dma_start3A_287 : memref<1x1x2x128xi32, #tpu.memory_space<hbm>> -> memref<2x128xi32, #tpu.memory_space<hbm>>
    %dma_start3A_289 = arith.constant 0 : i32
    %dma_start3A_290 = arith.constant 0 : i32
    %dma_start3A_291 = tpu.memref_slice %arg3[%add3A, %dma_start3A_284, %dma_start3A_289, %dma_start3A_290] : memref<32x80x2x128xi32, #tpu.memory_space<hbm>> -> memref<1x1x2x128xi32, #tpu.memory_space<hbm>>
    %dma_start3A_292 = tpu.memref_squeeze %dma_start3A_291 : memref<1x1x2x128xi32, #tpu.memory_space<hbm>> -> memref<2x128xi32, #tpu.memory_space<hbm>>
    tpu.enqueue_dma source(%dma_start3A_292 : memref<2x128xi32, #tpu.memory_space<hbm>>) target(%arg10 : memref<2x128xi32, #tpu.memory_space<vmem>>) target_semaphore(%arg20 : memref<!tpu.dma_semaphore, #tpu.memory_space<semaphore_mem>>)
    %dma_wait3A_293 = arith.constant 0 : i32
    %dma_wait3A_294 = arith.constant 0 : i32
    %dma_wait3A_295 = tpu.memref_slice %arg9[%dma_wait3A_293, %dma_wait3A_294] : memref<2x128xi32, #tpu.memory_space<vmem>> -> memref<1x128xi32, #tpu.memory_space<vmem>>
    %dma_wait3A_296 = tpu.memref_squeeze %dma_wait3A_295 : memref<1x128xi32, #tpu.memory_space<vmem>> -> memref<128xi32, #tpu.memory_space<vmem>>
    %dma_wait3A_297 = arith.constant 0 : i32
    %dma_wait3A_298 = arith.constant 0 : i32
    %dma_wait3A_299 = tpu.memref_slice %arg2[%dma_wait3A_297, %dma_wait3A_298] : memref<10000x128xf32, #tpu.memory_space<hbm>> -> memref<10000x128xf32, #tpu.memory_space<hbm>>
    tpu.wait_indirect_dma semaphore(%arg13 : memref<!tpu.dma_semaphore, #tpu.memory_space<semaphore_mem>>) src(%dma_wait3A_299 : memref<10000x128xf32, #tpu.memory_space<hbm>>) dst(%arg11 : memref<128x128xf32, #tpu.memory_space<vmem>>)
    %dma_start3A_300 = arith.constant 1 : i32
    %dma_start3A_301 = arith.constant 0 : i32
    %dma_start3A_302 = tpu.memref_slice %arg9[%dma_start3A_300, %dma_start3A_301] : memref<2x128xi32, #tpu.memory_space<vmem>> -> memref<1x128xi32, #tpu.memory_space<vmem>>
    %dma_start3A_303 = tpu.memref_squeeze %dma_start3A_302 : memref<1x128xi32, #tpu.memory_space<vmem>> -> memref<128xi32, #tpu.memory_space<vmem>>
    %dma_start3A_304 = arith.constant 0 : i32
    %dma_start3A_305 = arith.constant 0 : i32
    %dma_start3A_306 = tpu.memref_slice %arg6[%dma_start3A_304, %dma_start3A_305] : memref<10240x128xf32, #tpu.memory_space<vmem_shared>> -> memref<10240x128xf32, #tpu.memory_space<vmem_shared>>
    tpu.enqueue_indirect_dma source(%arg11 : memref<128x128xf32, #tpu.memory_space<vmem>>) target(%dma_start3A_306 : memref<10240x128xf32, #tpu.memory_space<vmem_shared>>) offsets(%dma_start3A_303 : memref<128xi32, #tpu.memory_space<vmem>>) semaphore(%arg15 : memref<!tpu.dma_semaphore, #tpu.memory_space<semaphore_mem>>) {add = true}
    %dma_wait3A_307 = arith.constant 0 : i32
    %dma_wait3A_308 = arith.constant 0 : i32
    %dma_wait3A_309 = arith.constant 0 : i32
    %dma_wait3A_310 = tpu.memref_slice %arg3[%add3A, %dma_wait3A_307, %dma_wait3A_308, %dma_wait3A_309] : memref<32x80x2x128xi32, #tpu.memory_space<hbm>> -> memref<1x1x2x128xi32, #tpu.memory_space<hbm>>
    %dma_wait3A_311 = tpu.memref_squeeze %dma_wait3A_310 : memref<1x1x2x128xi32, #tpu.memory_space<hbm>> -> memref<2x128xi32, #tpu.memory_space<hbm>>
    %dma_wait3A_312 = arith.constant 0 : i32
    %dma_wait3A_313 = arith.constant 0 : i32
    %dma_wait3A_314 = tpu.memref_slice %arg3[%add3A, %dma_wait3A_307, %dma_wait3A_312, %dma_wait3A_313] : memref<32x80x2x128xi32, #tpu.memory_space<hbm>> -> memref<1x1x2x128xi32, #tpu.memory_space<hbm>>
    %dma_wait3A_315 = tpu.memref_squeeze %dma_wait3A_314 : memref<1x1x2x128xi32, #tpu.memory_space<hbm>> -> memref<2x128xi32, #tpu.memory_space<hbm>>
    tpu.wait_dma2 semaphore(%arg20 : memref<!tpu.dma_semaphore, #tpu.memory_space<semaphore_mem>>) src(%dma_wait3A_315 : memref<2x128xi32, #tpu.memory_space<hbm>>) dst(%arg10 : memref<2x128xi32, #tpu.memory_space<vmem>>)
    %dma_wait3A_316 = arith.constant 1 : i32
    %dma_wait3A_317 = arith.constant 0 : i32
    %dma_wait3A_318 = tpu.memref_slice %arg10[%dma_wait3A_316, %dma_wait3A_317] : memref<2x128xi32, #tpu.memory_space<vmem>> -> memref<1x128xi32, #tpu.memory_space<vmem>>
    %dma_wait3A_319 = tpu.memref_squeeze %dma_wait3A_318 : memref<1x128xi32, #tpu.memory_space<vmem>> -> memref<128xi32, #tpu.memory_space<vmem>>
    %dma_wait3A_320 = arith.constant 0 : i32
    %dma_wait3A_321 = arith.constant 0 : i32
    %dma_wait3A_322 = tpu.memref_slice %arg6[%dma_wait3A_320, %dma_wait3A_321] : memref<10240x128xf32, #tpu.memory_space<vmem_shared>> -> memref<10240x128xf32, #tpu.memory_space<vmem_shared>>
    tpu.wait_indirect_dma semaphore(%arg16 : memref<!tpu.dma_semaphore, #tpu.memory_space<semaphore_mem>>) src(%arg12 : memref<128x128xf32, #tpu.memory_space<vmem>>) dst(%dma_wait3A_322 : memref<10240x128xf32, #tpu.memory_space<vmem_shared>>)
    %dma_start3A_323 = arith.constant 0 : i32
    %dma_start3A_324 = arith.constant 0 : i32
    %dma_start3A_325 = tpu.memref_slice %arg10[%dma_start3A_323, %dma_start3A_324] : memref<2x128xi32, #tpu.memory_space<vmem>> -> memref<1x128xi32, #tpu.memory_space<vmem>>
    %dma_start3A_326 = tpu.memref_squeeze %dma_start3A_325 : memref<1x128xi32, #tpu.memory_space<vmem>> -> memref<128xi32, #tpu.memory_space<vmem>>
    %dma_start3A_327 = arith.constant 0 : i32
    %dma_start3A_328 = arith.constant 0 : i32
    %dma_start3A_329 = tpu.memref_slice %arg2[%dma_start3A_327, %dma_start3A_328] : memref<10000x128xf32, #tpu.memory_space<hbm>> -> memref<10000x128xf32, #tpu.memory_space<hbm>>
    tpu.enqueue_indirect_dma source(%dma_start3A_329 : memref<10000x128xf32, #tpu.memory_space<hbm>>) target(%arg12 : memref<128x128xf32, #tpu.memory_space<vmem>>) offsets(%dma_start3A_326 : memref<128xi32, #tpu.memory_space<vmem>>) semaphore(%arg14 : memref<!tpu.dma_semaphore, #tpu.memory_space<semaphore_mem>>)
    %dma_wait3A_330 = arith.constant 0 : i32
    %dma_wait3A_331 = arith.constant 0 : i32
    %dma_wait3A_332 = tpu.memref_slice %arg10[%dma_wait3A_330, %dma_wait3A_331] : memref<2x128xi32, #tpu.memory_space<vmem>> -> memref<1x128xi32, #tpu.memory_space<vmem>>
    %dma_wait3A_333 = tpu.memref_squeeze %dma_wait3A_332 : memref<1x128xi32, #tpu.memory_space<vmem>> -> memref<128xi32, #tpu.memory_space<vmem>>
    %dma_wait3A_334 = arith.constant 0 : i32
    %dma_wait3A_335 = arith.constant 0 : i32
    %dma_wait3A_336 = tpu.memref_slice %arg2[%dma_wait3A_334, %dma_wait3A_335] : memref<10000x128xf32, #tpu.memory_space<hbm>> -> memref<10000x128xf32, #tpu.memory_space<hbm>>
    tpu.wait_indirect_dma semaphore(%arg14 : memref<!tpu.dma_semaphore, #tpu.memory_space<semaphore_mem>>) src(%dma_wait3A_336 : memref<10000x128xf32, #tpu.memory_space<hbm>>) dst(%arg12 : memref<128x128xf32, #tpu.memory_space<vmem>>)
    %dma_start3A_337 = arith.constant 1 : i32
    %dma_start3A_338 = arith.constant 0 : i32
    %dma_start3A_339 = tpu.memref_slice %arg10[%dma_start3A_337, %dma_start3A_338] : memref<2x128xi32, #tpu.memory_space<vmem>> -> memref<1x128xi32, #tpu.memory_space<vmem>>
    %dma_start3A_340 = tpu.memref_squeeze %dma_start3A_339 : memref<1x128xi32, #tpu.memory_space<vmem>> -> memref<128xi32, #tpu.memory_space<vmem>>
    %dma_start3A_341 = arith.constant 0 : i32
    %dma_start3A_342 = arith.constant 0 : i32
    %dma_start3A_343 = tpu.memref_slice %arg6[%dma_start3A_341, %dma_start3A_342] : memref<10240x128xf32, #tpu.memory_space<vmem_shared>> -> memref<10240x128xf32, #tpu.memory_space<vmem_shared>>
    tpu.enqueue_indirect_dma source(%arg12 : memref<128x128xf32, #tpu.memory_space<vmem>>) target(%dma_start3A_343 : memref<10240x128xf32, #tpu.memory_space<vmem_shared>>) offsets(%dma_start3A_340 : memref<128xi32, #tpu.memory_space<vmem>>) semaphore(%arg16 : memref<!tpu.dma_semaphore, #tpu.memory_space<semaphore_mem>>) {add = true}
    %dma_wait3A_344 = arith.constant 1 : i32
    %dma_wait3A_345 = arith.constant 0 : i32
    %dma_wait3A_346 = tpu.memref_slice %arg9[%dma_wait3A_344, %dma_wait3A_345] : memref<2x128xi32, #tpu.memory_space<vmem>> -> memref<1x128xi32, #tpu.memory_space<vmem>>
    %dma_wait3A_347 = tpu.memref_squeeze %dma_wait3A_346 : memref<1x128xi32, #tpu.memory_space<vmem>> -> memref<128xi32, #tpu.memory_space<vmem>>
    %dma_wait3A_348 = arith.constant 0 : i32
    %dma_wait3A_349 = arith.constant 0 : i32
    %dma_wait3A_350 = tpu.memref_slice %arg6[%dma_wait3A_348, %dma_wait3A_349] : memref<10240x128xf32, #tpu.memory_space<vmem_shared>> -> memref<10240x128xf32, #tpu.memory_space<vmem_shared>>
    tpu.wait_indirect_dma semaphore(%arg15 : memref<!tpu.dma_semaphore, #tpu.memory_space<semaphore_mem>>) src(%arg11 : memref<128x128xf32, #tpu.memory_space<vmem>>) dst(%dma_wait3A_350 : memref<10240x128xf32, #tpu.memory_space<vmem_shared>>)
    %dma_wait3A_351 = arith.constant 1 : i32
    %dma_wait3A_352 = arith.constant 0 : i32
    %dma_wait3A_353 = tpu.memref_slice %arg10[%dma_wait3A_351, %dma_wait3A_352] : memref<2x128xi32, #tpu.memory_space<vmem>> -> memref<1x128xi32, #tpu.memory_space<vmem>>
    %dma_wait3A_354 = tpu.memref_squeeze %dma_wait3A_353 : memref<1x128xi32, #tpu.memory_space<vmem>> -> memref<128xi32, #tpu.memory_space<vmem>>
    %dma_wait3A_355 = arith.constant 0 : i32
    %dma_wait3A_356 = arith.constant 0 : i32
    %dma_wait3A_357 = tpu.memref_slice %arg6[%dma_wait3A_355, %dma_wait3A_356] : memref<10240x128xf32, #tpu.memory_space<vmem_shared>> -> memref<10240x128xf32, #tpu.memory_space<vmem_shared>>
    tpu.wait_indirect_dma semaphore(%arg16 : memref<!tpu.dma_semaphore, #tpu.memory_space<semaphore_mem>>) src(%arg12 : memref<128x128xf32, #tpu.memory_space<vmem>>) dst(%dma_wait3A_357 : memref<10240x128xf32, #tpu.memory_space<vmem_shared>>)
    %barrier3A_358 = arith.constant 0 : index
    tpu.barrier barrier_id(%barrier3A_358)
    %mul3A_359 = arith.constant 640 : i32
    %mul3A_360 = arith.muli %arg1, %mul3A_359 : i32
    %mul3A_361 = arith.constant 640 : i32
    %mul3A_362 = arith.muli %arg1, %mul3A_361 : i32
    "tpu.region"() ({
      %run_scoped3A_363 = tpu.sem_alloc : memref<!tpu.dma_semaphore, #tpu.memory_space<semaphore_mem>>
      %dma_start3A_364 = arith.constant 0 : i32
      %dma_start3A_365 = tpu.memref_slice %arg5[%arg0, %mul3A_362, %dma_start3A_364] : memref<2x10240x128xf32, #tpu.memory_space<hbm>> -> memref<1x640x128xf32, #tpu.memory_space<hbm>>
      %dma_start3A_366 = tpu.memref_squeeze %dma_start3A_365 : memref<1x640x128xf32, #tpu.memory_space<hbm>> -> memref<640x128xf32, #tpu.memory_space<hbm>>
      %dma_start3A_367 = arith.constant 0 : i32
      %dma_start3A_368 = tpu.memref_slice %arg6[%mul3A_360, %dma_start3A_367] : memref<10240x128xf32, #tpu.memory_space<vmem_shared>> -> memref<640x128xf32, #tpu.memory_space<vmem_shared>>
      tpu.enqueue_dma source(%dma_start3A_368 : memref<640x128xf32, #tpu.memory_space<vmem_shared>>) target(%dma_start3A_366 : memref<640x128xf32, #tpu.memory_space<hbm>>) target_semaphore(%run_scoped3A_363 : memref<!tpu.dma_semaphore, #tpu.memory_space<semaphore_mem>>)
      %dma_wait3A_369 = arith.constant 0 : i32
      %dma_wait3A_370 = tpu.memref_slice %arg5[%arg0, %mul3A_362, %dma_wait3A_369] : memref<2x10240x128xf32, #tpu.memory_space<hbm>> -> memref<1x640x128xf32, #tpu.memory_space<hbm>>
      %dma_wait3A_371 = tpu.memref_squeeze %dma_wait3A_370 : memref<1x640x128xf32, #tpu.memory_space<hbm>> -> memref<640x128xf32, #tpu.memory_space<hbm>>
      %dma_wait3A_372 = arith.constant 0 : i32
      %dma_wait3A_373 = tpu.memref_slice %arg6[%mul3A_360, %dma_wait3A_372] : memref<10240x128xf32, #tpu.memory_space<vmem_shared>> -> memref<640x128xf32, #tpu.memory_space<vmem_shared>>
      tpu.wait_dma2 semaphore(%run_scoped3A_363 : memref<!tpu.dma_semaphore, #tpu.memory_space<semaphore_mem>>) src(%dma_wait3A_373 : memref<640x128xf32, #tpu.memory_space<vmem_shared>>) dst(%dma_wait3A_371 : memref<640x128xf32, #tpu.memory_space<hbm>>)
      tpu.yield
    }) : () -> ()
    return
  }
}

#map = affine_map<(d0, d1) -> (0, 0)>
#map1 = affine_map<(d0, d1) -> (0, 0, 0, 0)>
#map2 = affine_map<(d0, d1) -> (0, 0, 0)>
module attributes {stable_mosaic.version = 14 : i64} {
  func.func @_scatter_body(%arg0: i32, %arg1: i32, %arg2: memref<10000x128xf32, #tpu.memory_space<hbm>>, %arg3: memref<32x80x2x128xi32, #tpu.memory_space<hbm>>, %arg4: memref<10240x128xf32, #tpu.memory_space<hbm>>, %arg5: memref<2x10240x128xf32, #tpu.memory_space<hbm>>, %arg6: memref<10240x128xf32, #tpu.memory_space<vmem_shared>>, %arg7: memref<2x128xi32, #tpu.memory_space<vmem>>, %arg8: memref<2x128xi32, #tpu.memory_space<vmem>>, %arg9: memref<2x128xi32, #tpu.memory_space<vmem>>, %arg10: memref<2x128xi32, #tpu.memory_space<vmem>>, %arg11: memref<128x128xf32, #tpu.memory_space<vmem>>, %arg12: memref<128x128xf32, #tpu.memory_space<vmem>>, %arg13: memref<!tpu.dma_semaphore, #tpu.memory_space<semaphore_mem>>, %arg14: memref<!tpu.dma_semaphore, #tpu.memory_space<semaphore_mem>>, %arg15: memref<!tpu.dma_semaphore, #tpu.memory_space<semaphore_mem>>, %arg16: memref<!tpu.dma_semaphore, #tpu.memory_space<semaphore_mem>>, %arg17: memref<!tpu.dma_semaphore, #tpu.memory_space<semaphore_mem>>, %arg18: memref<!tpu.dma_semaphore, #tpu.memory_space<semaphore_mem>>, %arg19: memref<!tpu.dma_semaphore, #tpu.memory_space<semaphore_mem>>, %arg20: memref<!tpu.dma_semaphore, #tpu.memory_space<semaphore_mem>>) attributes {dimension_semantics = [#tpu.dimension_semantics<core_parallel>, #tpu.dimension_semantics<subcore_parallel>], iteration_bounds = array<i64: 2, 16>, scalar_prefetch = 0 : i64, scratch_operands = 15 : i64, tpu.core_type = #tpu.core_type<sc_vector_subcore>, window_params = [{transform_indices = #map}, {transform_indices = #map1}, {transform_indices = #map}, {transform_indices = #map2}]} {
    %mul3A = arith.constant 16 : i32
    %mul3A_0 = arith.muli %arg0, %mul3A : i32
    %add3A = arith.addi %mul3A_0, %arg1 : i32
    %run_scoped3A = arith.constant 0 : i32
    "tpu.region"() ({
      %run_scoped3A_363 = tpu.sem_alloc : memref<!tpu.dma_semaphore, #tpu.memory_space<semaphore_mem>>
      %dma_start3A_364 = arith.constant 0 : i32
      %dma_start3A_365 = arith.constant 0 : i32
      %dma_start3A_366 = tpu.memref_slice %arg3[%add3A, %run_scoped3A, %dma_start3A_364, %dma_start3A_365] : memref<32x80x2x128xi32, #tpu.memory_space<hbm>> -> memref<1x1x2x128xi32, #tpu.memory_space<hbm>>
      %dma_start3A_367 = tpu.memref_squeeze %dma_start3A_366 : memref<1x1x2x128xi32, #tpu.memory_space<hbm>> -> memref<2x128xi32, #tpu.memory_space<hbm>>
      %dma_start3A_368 = arith.constant 0 : i32
      %dma_start3A_369 = arith.constant 0 : i32
      %dma_start3A_370 = tpu.memref_slice %arg3[%add3A, %run_scoped3A, %dma_start3A_368, %dma_start3A_369] : memref<32x80x2x128xi32, #tpu.memory_space<hbm>> -> memref<1x1x2x128xi32, #tpu.memory_space<hbm>>
      %dma_start3A_371 = tpu.memref_squeeze %dma_start3A_370 : memref<1x1x2x128xi32, #tpu.memory_space<hbm>> -> memref<2x128xi32, #tpu.memory_space<hbm>>
      tpu.enqueue_dma source(%dma_start3A_371 : memref<2x128xi32, #tpu.memory_space<hbm>>) target(%arg7 : memref<2x128xi32, #tpu.memory_space<vmem>>) target_semaphore(%run_scoped3A_363 : memref<!tpu.dma_semaphore, #tpu.memory_space<semaphore_mem>>)
      %dma_wait3A_372 = arith.constant 0 : i32
      %dma_wait3A_373 = arith.constant 0 : i32
      %dma_wait3A_374 = tpu.memref_slice %arg3[%add3A, %run_scoped3A, %dma_wait3A_372, %dma_wait3A_373] : memref<32x80x2x128xi32, #tpu.memory_space<hbm>> -> memref<1x1x2x128xi32, #tpu.memory_space<hbm>>
      %dma_wait3A_375 = tpu.memref_squeeze %dma_wait3A_374 : memref<1x1x2x128xi32, #tpu.memory_space<hbm>> -> memref<2x128xi32, #tpu.memory_space<hbm>>
      %dma_wait3A_376 = arith.constant 0 : i32
      %dma_wait3A_377 = arith.constant 0 : i32
      %dma_wait3A_378 = tpu.memref_slice %arg3[%add3A, %run_scoped3A, %dma_wait3A_376, %dma_wait3A_377] : memref<32x80x2x128xi32, #tpu.memory_space<hbm>> -> memref<1x1x2x128xi32, #tpu.memory_space<hbm>>
      %dma_wait3A_379 = tpu.memref_squeeze %dma_wait3A_378 : memref<1x1x2x128xi32, #tpu.memory_space<hbm>> -> memref<2x128xi32, #tpu.memory_space<hbm>>
      tpu.wait_dma2 semaphore(%run_scoped3A_363 : memref<!tpu.dma_semaphore, #tpu.memory_space<semaphore_mem>>) src(%dma_wait3A_379 : memref<2x128xi32, #tpu.memory_space<hbm>>) dst(%arg7 : memref<2x128xi32, #tpu.memory_space<vmem>>)
      tpu.yield
    }) : () -> ()
    %dma_start3A = arith.constant 0 : i32
    %dma_start3A_1 = arith.constant 0 : i32
    %dma_start3A_2 = tpu.memref_slice %arg7[%dma_start3A, %dma_start3A_1] : memref<2x128xi32, #tpu.memory_space<vmem>> -> memref<1x128xi32, #tpu.memory_space<vmem>>
    %dma_start3A_3 = tpu.memref_squeeze %dma_start3A_2 : memref<1x128xi32, #tpu.memory_space<vmem>> -> memref<128xi32, #tpu.memory_space<vmem>>
    %dma_start3A_4 = arith.constant 0 : i32
    %dma_start3A_5 = arith.constant 0 : i32
    %dma_start3A_6 = tpu.memref_slice %arg2[%dma_start3A_4, %dma_start3A_5] : memref<10000x128xf32, #tpu.memory_space<hbm>> -> memref<10000x128xf32, #tpu.memory_space<hbm>>
    tpu.enqueue_indirect_dma source(%dma_start3A_6 : memref<10000x128xf32, #tpu.memory_space<hbm>>) target(%arg11 : memref<128x128xf32, #tpu.memory_space<vmem>>) offsets(%dma_start3A_3 : memref<128xi32, #tpu.memory_space<vmem>>) semaphore(%arg13 : memref<!tpu.dma_semaphore, #tpu.memory_space<semaphore_mem>>)
    %dma_start3A_7 = arith.constant 1 : i32
    %dma_start3A_8 = arith.constant 0 : i32
    %dma_start3A_9 = arith.constant 0 : i32
    %dma_start3A_10 = tpu.memref_slice %arg3[%add3A, %dma_start3A_7, %dma_start3A_8, %dma_start3A_9] : memref<32x80x2x128xi32, #tpu.memory_space<hbm>> -> memref<1x1x2x128xi32, #tpu.memory_space<hbm>>
    %dma_start3A_11 = tpu.memref_squeeze %dma_start3A_10 : memref<1x1x2x128xi32, #tpu.memory_space<hbm>> -> memref<2x128xi32, #tpu.memory_space<hbm>>
    %dma_start3A_12 = arith.constant 0 : i32
    %dma_start3A_13 = arith.constant 0 : i32
    %dma_start3A_14 = tpu.memref_slice %arg3[%add3A, %dma_start3A_7, %dma_start3A_12, %dma_start3A_13] : memref<32x80x2x128xi32, #tpu.memory_space<hbm>> -> memref<1x1x2x128xi32, #tpu.memory_space<hbm>>
    %dma_start3A_15 = tpu.memref_squeeze %dma_start3A_14 : memref<1x1x2x128xi32, #tpu.memory_space<hbm>> -> memref<2x128xi32, #tpu.memory_space<hbm>>
    tpu.enqueue_dma source(%dma_start3A_15 : memref<2x128xi32, #tpu.memory_space<hbm>>) target(%arg8 : memref<2x128xi32, #tpu.memory_space<vmem>>) target_semaphore(%arg18 : memref<!tpu.dma_semaphore, #tpu.memory_space<semaphore_mem>>)
    %mul3A_16 = arith.constant 640 : i32
    %mul3A_17 = arith.muli %arg1, %mul3A_16 : i32
    %mul3A_18 = arith.constant 640 : i32
    %mul3A_19 = arith.muli %arg1, %mul3A_18 : i32
    "tpu.region"() ({
      %run_scoped3A_363 = tpu.sem_alloc : memref<!tpu.dma_semaphore, #tpu.memory_space<semaphore_mem>>
      %dma_start3A_364 = arith.constant 0 : i32
      %dma_start3A_365 = tpu.memref_slice %arg6[%mul3A_19, %dma_start3A_364] : memref<10240x128xf32, #tpu.memory_space<vmem_shared>> -> memref<640x128xf32, #tpu.memory_space<vmem_shared>>
      %dma_start3A_366 = arith.constant 0 : i32
      %dma_start3A_367 = tpu.memref_slice %arg4[%mul3A_17, %dma_start3A_366] : memref<10240x128xf32, #tpu.memory_space<hbm>> -> memref<640x128xf32, #tpu.memory_space<hbm>>
      tpu.enqueue_dma source(%dma_start3A_367 : memref<640x128xf32, #tpu.memory_space<hbm>>) target(%dma_start3A_365 : memref<640x128xf32, #tpu.memory_space<vmem_shared>>) target_semaphore(%run_scoped3A_363 : memref<!tpu.dma_semaphore, #tpu.memory_space<semaphore_mem>>)
      %dma_wait3A_368 = arith.constant 0 : i32
      %dma_wait3A_369 = tpu.memref_slice %arg6[%mul3A_19, %dma_wait3A_368] : memref<10240x128xf32, #tpu.memory_space<vmem_shared>> -> memref<640x128xf32, #tpu.memory_space<vmem_shared>>
      %dma_wait3A_370 = arith.constant 0 : i32
      %dma_wait3A_371 = tpu.memref_slice %arg4[%mul3A_17, %dma_wait3A_370] : memref<10240x128xf32, #tpu.memory_space<hbm>> -> memref<640x128xf32, #tpu.memory_space<hbm>>
      tpu.wait_dma2 semaphore(%run_scoped3A_363 : memref<!tpu.dma_semaphore, #tpu.memory_space<semaphore_mem>>) src(%dma_wait3A_371 : memref<640x128xf32, #tpu.memory_space<hbm>>) dst(%dma_wait3A_369 : memref<640x128xf32, #tpu.memory_space<vmem_shared>>)
      tpu.yield
    }) : () -> ()
    %barrier3A = arith.constant 0 : index
    tpu.barrier barrier_id(%barrier3A)
    %dma_wait3A = arith.constant 0 : i32
    %dma_wait3A_20 = arith.constant 0 : i32
    %dma_wait3A_21 = tpu.memref_slice %arg7[%dma_wait3A, %dma_wait3A_20] : memref<2x128xi32, #tpu.memory_space<vmem>> -> memref<1x128xi32, #tpu.memory_space<vmem>>
    %dma_wait3A_22 = tpu.memref_squeeze %dma_wait3A_21 : memref<1x128xi32, #tpu.memory_space<vmem>> -> memref<128xi32, #tpu.memory_space<vmem>>
    %dma_wait3A_23 = arith.constant 0 : i32
    %dma_wait3A_24 = arith.constant 0 : i32
    %dma_wait3A_25 = tpu.memref_slice %arg2[%dma_wait3A_23, %dma_wait3A_24] : memref<10000x128xf32, #tpu.memory_space<hbm>> -> memref<10000x128xf32, #tpu.memory_space<hbm>>
    tpu.wait_indirect_dma semaphore(%arg13 : memref<!tpu.dma_semaphore, #tpu.memory_space<semaphore_mem>>) src(%dma_wait3A_25 : memref<10000x128xf32, #tpu.memory_space<hbm>>) dst(%arg11 : memref<128x128xf32, #tpu.memory_space<vmem>>)
    %dma_start3A_26 = arith.constant 1 : i32
    %dma_start3A_27 = arith.constant 0 : i32
    %dma_start3A_28 = tpu.memref_slice %arg7[%dma_start3A_26, %dma_start3A_27] : memref<2x128xi32, #tpu.memory_space<vmem>> -> memref<1x128xi32, #tpu.memory_space<vmem>>
    %dma_start3A_29 = tpu.memref_squeeze %dma_start3A_28 : memref<1x128xi32, #tpu.memory_space<vmem>> -> memref<128xi32, #tpu.memory_space<vmem>>
    %dma_start3A_30 = arith.constant 0 : i32
    %dma_start3A_31 = arith.constant 0 : i32
    %dma_start3A_32 = tpu.memref_slice %arg6[%dma_start3A_30, %dma_start3A_31] : memref<10240x128xf32, #tpu.memory_space<vmem_shared>> -> memref<10240x128xf32, #tpu.memory_space<vmem_shared>>
    tpu.enqueue_indirect_dma source(%arg11 : memref<128x128xf32, #tpu.memory_space<vmem>>) target(%dma_start3A_32 : memref<10240x128xf32, #tpu.memory_space<vmem_shared>>) offsets(%dma_start3A_29 : memref<128xi32, #tpu.memory_space<vmem>>) semaphore(%arg15 : memref<!tpu.dma_semaphore, #tpu.memory_space<semaphore_mem>>) {add = true}
    %dma_wait3A_33 = arith.constant 0 : i32
    %dma_wait3A_34 = arith.constant 0 : i32
    %dma_wait3A_35 = arith.constant 0 : i32
    %dma_wait3A_36 = tpu.memref_slice %arg3[%add3A, %dma_wait3A_33, %dma_wait3A_34, %dma_wait3A_35] : memref<32x80x2x128xi32, #tpu.memory_space<hbm>> -> memref<1x1x2x128xi32, #tpu.memory_space<hbm>>
    %dma_wait3A_37 = tpu.memref_squeeze %dma_wait3A_36 : memref<1x1x2x128xi32, #tpu.memory_space<hbm>> -> memref<2x128xi32, #tpu.memory_space<hbm>>
    %dma_wait3A_38 = arith.constant 0 : i32
    %dma_wait3A_39 = arith.constant 0 : i32
    %dma_wait3A_40 = tpu.memref_slice %arg3[%add3A, %dma_wait3A_33, %dma_wait3A_38, %dma_wait3A_39] : memref<32x80x2x128xi32, #tpu.memory_space<hbm>> -> memref<1x1x2x128xi32, #tpu.memory_space<hbm>>
    %dma_wait3A_41 = tpu.memref_squeeze %dma_wait3A_40 : memref<1x1x2x128xi32, #tpu.memory_space<hbm>> -> memref<2x128xi32, #tpu.memory_space<hbm>>
    tpu.wait_dma2 semaphore(%arg18 : memref<!tpu.dma_semaphore, #tpu.memory_space<semaphore_mem>>) src(%dma_wait3A_41 : memref<2x128xi32, #tpu.memory_space<hbm>>) dst(%arg8 : memref<2x128xi32, #tpu.memory_space<vmem>>)
    %dma_start3A_42 = arith.constant 0 : i32
    %dma_start3A_43 = arith.constant 0 : i32
    %dma_start3A_44 = tpu.memref_slice %arg8[%dma_start3A_42, %dma_start3A_43] : memref<2x128xi32, #tpu.memory_space<vmem>> -> memref<1x128xi32, #tpu.memory_space<vmem>>
    %dma_start3A_45 = tpu.memref_squeeze %dma_start3A_44 : memref<1x128xi32, #tpu.memory_space<vmem>> -> memref<128xi32, #tpu.memory_space<vmem>>
    %dma_start3A_46 = arith.constant 0 : i32
    %dma_start3A_47 = arith.constant 0 : i32
    %dma_start3A_48 = tpu.memref_slice %arg2[%dma_start3A_46, %dma_start3A_47] : memref<10000x128xf32, #tpu.memory_space<hbm>> -> memref<10000x128xf32, #tpu.memory_space<hbm>>
    tpu.enqueue_indirect_dma source(%dma_start3A_48 : memref<10000x128xf32, #tpu.memory_space<hbm>>) target(%arg12 : memref<128x128xf32, #tpu.memory_space<vmem>>) offsets(%dma_start3A_45 : memref<128xi32, #tpu.memory_space<vmem>>) semaphore(%arg14 : memref<!tpu.dma_semaphore, #tpu.memory_space<semaphore_mem>>)
    %dma_start3A_49 = arith.constant 2 : i32
    %dma_start3A_50 = arith.constant 0 : i32
    %dma_start3A_51 = arith.constant 0 : i32
    %dma_start3A_52 = tpu.memref_slice %arg3[%add3A, %dma_start3A_49, %dma_start3A_50, %dma_start3A_51] : memref<32x80x2x128xi32, #tpu.memory_space<hbm>> -> memref<1x1x2x128xi32, #tpu.memory_space<hbm>>
    %dma_start3A_53 = tpu.memref_squeeze %dma_start3A_52 : memref<1x1x2x128xi32, #tpu.memory_space<hbm>> -> memref<2x128xi32, #tpu.memory_space<hbm>>
    %dma_start3A_54 = arith.constant 0 : i32
    %dma_start3A_55 = arith.constant 0 : i32
    %dma_start3A_56 = tpu.memref_slice %arg3[%add3A, %dma_start3A_49, %dma_start3A_54, %dma_start3A_55] : memref<32x80x2x128xi32, #tpu.memory_space<hbm>> -> memref<1x1x2x128xi32, #tpu.memory_space<hbm>>
    %dma_start3A_57 = tpu.memref_squeeze %dma_start3A_56 : memref<1x1x2x128xi32, #tpu.memory_space<hbm>> -> memref<2x128xi32, #tpu.memory_space<hbm>>
    tpu.enqueue_dma source(%dma_start3A_57 : memref<2x128xi32, #tpu.memory_space<hbm>>) target(%arg9 : memref<2x128xi32, #tpu.memory_space<vmem>>) target_semaphore(%arg19 : memref<!tpu.dma_semaphore, #tpu.memory_space<semaphore_mem>>)
    %dma_wait3A_58 = arith.constant 0 : i32
    %dma_wait3A_59 = arith.constant 0 : i32
    %dma_wait3A_60 = tpu.memref_slice %arg8[%dma_wait3A_58, %dma_wait3A_59] : memref<2x128xi32, #tpu.memory_space<vmem>> -> memref<1x128xi32, #tpu.memory_space<vmem>>
    %dma_wait3A_61 = tpu.memref_squeeze %dma_wait3A_60 : memref<1x128xi32, #tpu.memory_space<vmem>> -> memref<128xi32, #tpu.memory_space<vmem>>
    %dma_wait3A_62 = arith.constant 0 : i32
    %dma_wait3A_63 = arith.constant 0 : i32
    %dma_wait3A_64 = tpu.memref_slice %arg2[%dma_wait3A_62, %dma_wait3A_63] : memref<10000x128xf32, #tpu.memory_space<hbm>> -> memref<10000x128xf32, #tpu.memory_space<hbm>>
    tpu.wait_indirect_dma semaphore(%arg14 : memref<!tpu.dma_semaphore, #tpu.memory_space<semaphore_mem>>) src(%dma_wait3A_64 : memref<10000x128xf32, #tpu.memory_space<hbm>>) dst(%arg12 : memref<128x128xf32, #tpu.memory_space<vmem>>)
    %dma_start3A_65 = arith.constant 1 : i32
    %dma_start3A_66 = arith.constant 0 : i32
    %dma_start3A_67 = tpu.memref_slice %arg8[%dma_start3A_65, %dma_start3A_66] : memref<2x128xi32, #tpu.memory_space<vmem>> -> memref<1x128xi32, #tpu.memory_space<vmem>>
    %dma_start3A_68 = tpu.memref_squeeze %dma_start3A_67 : memref<1x128xi32, #tpu.memory_space<vmem>> -> memref<128xi32, #tpu.memory_space<vmem>>
    %dma_start3A_69 = arith.constant 0 : i32
    %dma_start3A_70 = arith.constant 0 : i32
    %dma_start3A_71 = tpu.memref_slice %arg6[%dma_start3A_69, %dma_start3A_70] : memref<10240x128xf32, #tpu.memory_space<vmem_shared>> -> memref<10240x128xf32, #tpu.memory_space<vmem_shared>>
    tpu.enqueue_indirect_dma source(%arg12 : memref<128x128xf32, #tpu.memory_space<vmem>>) target(%dma_start3A_71 : memref<10240x128xf32, #tpu.memory_space<vmem_shared>>) offsets(%dma_start3A_68 : memref<128xi32, #tpu.memory_space<vmem>>) semaphore(%arg16 : memref<!tpu.dma_semaphore, #tpu.memory_space<semaphore_mem>>) {add = true}
    %dma_wait3A_72 = arith.constant 0 : i32
    %dma_wait3A_73 = arith.constant 0 : i32
    %dma_wait3A_74 = arith.constant 0 : i32
    %dma_wait3A_75 = tpu.memref_slice %arg3[%add3A, %dma_wait3A_72, %dma_wait3A_73, %dma_wait3A_74] : memref<32x80x2x128xi32, #tpu.memory_space<hbm>> -> memref<1x1x2x128xi32, #tpu.memory_space<hbm>>
    %dma_wait3A_76 = tpu.memref_squeeze %dma_wait3A_75 : memref<1x1x2x128xi32, #tpu.memory_space<hbm>> -> memref<2x128xi32, #tpu.memory_space<hbm>>
    %dma_wait3A_77 = arith.constant 0 : i32
    %dma_wait3A_78 = arith.constant 0 : i32
    %dma_wait3A_79 = tpu.memref_slice %arg3[%add3A, %dma_wait3A_72, %dma_wait3A_77, %dma_wait3A_78] : memref<32x80x2x128xi32, #tpu.memory_space<hbm>> -> memref<1x1x2x128xi32, #tpu.memory_space<hbm>>
    %dma_wait3A_80 = tpu.memref_squeeze %dma_wait3A_79 : memref<1x1x2x128xi32, #tpu.memory_space<hbm>> -> memref<2x128xi32, #tpu.memory_space<hbm>>
    tpu.wait_dma2 semaphore(%arg19 : memref<!tpu.dma_semaphore, #tpu.memory_space<semaphore_mem>>) src(%dma_wait3A_80 : memref<2x128xi32, #tpu.memory_space<hbm>>) dst(%arg9 : memref<2x128xi32, #tpu.memory_space<vmem>>)
    %dma_wait3A_81 = arith.constant 1 : i32
    %dma_wait3A_82 = arith.constant 0 : i32
    %dma_wait3A_83 = tpu.memref_slice %arg9[%dma_wait3A_81, %dma_wait3A_82] : memref<2x128xi32, #tpu.memory_space<vmem>> -> memref<1x128xi32, #tpu.memory_space<vmem>>
    %dma_wait3A_84 = tpu.memref_squeeze %dma_wait3A_83 : memref<1x128xi32, #tpu.memory_space<vmem>> -> memref<128xi32, #tpu.memory_space<vmem>>
    %dma_wait3A_85 = arith.constant 0 : i32
    %dma_wait3A_86 = arith.constant 0 : i32
    %dma_wait3A_87 = tpu.memref_slice %arg6[%dma_wait3A_85, %dma_wait3A_86] : memref<10240x128xf32, #tpu.memory_space<vmem_shared>> -> memref<10240x128xf32, #tpu.memory_space<vmem_shared>>
    tpu.wait_indirect_dma semaphore(%arg15 : memref<!tpu.dma_semaphore, #tpu.memory_space<semaphore_mem>>) src(%arg11 : memref<128x128xf32, #tpu.memory_space<vmem>>) dst(%dma_wait3A_87 : memref<10240x128xf32, #tpu.memory_space<vmem_shared>>)
    %dma_start3A_88 = arith.constant 0 : i32
    %dma_start3A_89 = arith.constant 0 : i32
    %dma_start3A_90 = tpu.memref_slice %arg9[%dma_start3A_88, %dma_start3A_89] : memref<2x128xi32, #tpu.memory_space<vmem>> -> memref<1x128xi32, #tpu.memory_space<vmem>>
    %dma_start3A_91 = tpu.memref_squeeze %dma_start3A_90 : memref<1x128xi32, #tpu.memory_space<vmem>> -> memref<128xi32, #tpu.memory_space<vmem>>
    %dma_start3A_92 = arith.constant 0 : i32
    %dma_start3A_93 = arith.constant 0 : i32
    %dma_start3A_94 = tpu.memref_slice %arg2[%dma_start3A_92, %dma_start3A_93] : memref<10000x128xf32, #tpu.memory_space<hbm>> -> memref<10000x128xf32, #tpu.memory_space<hbm>>
    tpu.enqueue_indirect_dma source(%dma_start3A_94 : memref<10000x128xf32, #tpu.memory_space<hbm>>) target(%arg11 : memref<128x128xf32, #tpu.memory_space<vmem>>) offsets(%dma_start3A_91 : memref<128xi32, #tpu.memory_space<vmem>>) semaphore(%arg13 : memref<!tpu.dma_semaphore, #tpu.memory_space<semaphore_mem>>)
    %dma_start3A_95 = arith.constant 3 : i32
    %dma_start3A_96 = arith.constant 0 : i32
    %dma_start3A_97 = arith.constant 0 : i32
    %dma_start3A_98 = tpu.memref_slice %arg3[%add3A, %dma_start3A_95, %dma_start3A_96, %dma_start3A_97] : memref<32x80x2x128xi32, #tpu.memory_space<hbm>> -> memref<1x1x2x128xi32, #tpu.memory_space<hbm>>
    %dma_start3A_99 = tpu.memref_squeeze %dma_start3A_98 : memref<1x1x2x128xi32, #tpu.memory_space<hbm>> -> memref<2x128xi32, #tpu.memory_space<hbm>>
    %dma_start3A_100 = arith.constant 0 : i32
    %dma_start3A_101 = arith.constant 0 : i32
    %dma_start3A_102 = tpu.memref_slice %arg3[%add3A, %dma_start3A_95, %dma_start3A_100, %dma_start3A_101] : memref<32x80x2x128xi32, #tpu.memory_space<hbm>> -> memref<1x1x2x128xi32, #tpu.memory_space<hbm>>
    %dma_start3A_103 = tpu.memref_squeeze %dma_start3A_102 : memref<1x1x2x128xi32, #tpu.memory_space<hbm>> -> memref<2x128xi32, #tpu.memory_space<hbm>>
    tpu.enqueue_dma source(%dma_start3A_103 : memref<2x128xi32, #tpu.memory_space<hbm>>) target(%arg10 : memref<2x128xi32, #tpu.memory_space<vmem>>) target_semaphore(%arg20 : memref<!tpu.dma_semaphore, #tpu.memory_space<semaphore_mem>>)
    %dma_wait3A_104 = arith.constant 0 : i32
    %dma_wait3A_105 = arith.constant 0 : i32
    %dma_wait3A_106 = tpu.memref_slice %arg9[%dma_wait3A_104, %dma_wait3A_105] : memref<2x128xi32, #tpu.memory_space<vmem>> -> memref<1x128xi32, #tpu.memory_space<vmem>>
    %dma_wait3A_107 = tpu.memref_squeeze %dma_wait3A_106 : memref<1x128xi32, #tpu.memory_space<vmem>> -> memref<128xi32, #tpu.memory_space<vmem>>
    %dma_wait3A_108 = arith.constant 0 : i32
    %dma_wait3A_109 = arith.constant 0 : i32
    %dma_wait3A_110 = tpu.memref_slice %arg2[%dma_wait3A_108, %dma_wait3A_109] : memref<10000x128xf32, #tpu.memory_space<hbm>> -> memref<10000x128xf32, #tpu.memory_space<hbm>>
    tpu.wait_indirect_dma semaphore(%arg13 : memref<!tpu.dma_semaphore, #tpu.memory_space<semaphore_mem>>) src(%dma_wait3A_110 : memref<10000x128xf32, #tpu.memory_space<hbm>>) dst(%arg11 : memref<128x128xf32, #tpu.memory_space<vmem>>)
    %dma_start3A_111 = arith.constant 1 : i32
    %dma_start3A_112 = arith.constant 0 : i32
    %dma_start3A_113 = tpu.memref_slice %arg9[%dma_start3A_111, %dma_start3A_112] : memref<2x128xi32, #tpu.memory_space<vmem>> -> memref<1x128xi32, #tpu.memory_space<vmem>>
    %dma_start3A_114 = tpu.memref_squeeze %dma_start3A_113 : memref<1x128xi32, #tpu.memory_space<vmem>> -> memref<128xi32, #tpu.memory_space<vmem>>
    %dma_start3A_115 = arith.constant 0 : i32
    %dma_start3A_116 = arith.constant 0 : i32
    %dma_start3A_117 = tpu.memref_slice %arg6[%dma_start3A_115, %dma_start3A_116] : memref<10240x128xf32, #tpu.memory_space<vmem_shared>> -> memref<10240x128xf32, #tpu.memory_space<vmem_shared>>
    tpu.enqueue_indirect_dma source(%arg11 : memref<128x128xf32, #tpu.memory_space<vmem>>) target(%dma_start3A_117 : memref<10240x128xf32, #tpu.memory_space<vmem_shared>>) offsets(%dma_start3A_114 : memref<128xi32, #tpu.memory_space<vmem>>) semaphore(%arg15 : memref<!tpu.dma_semaphore, #tpu.memory_space<semaphore_mem>>) {add = true}
    %dma_wait3A_118 = arith.constant 0 : i32
    %dma_wait3A_119 = arith.constant 0 : i32
    %dma_wait3A_120 = arith.constant 0 : i32
    %dma_wait3A_121 = tpu.memref_slice %arg3[%add3A, %dma_wait3A_118, %dma_wait3A_119, %dma_wait3A_120] : memref<32x80x2x128xi32, #tpu.memory_space<hbm>> -> memref<1x1x2x128xi32, #tpu.memory_space<hbm>>
    %dma_wait3A_122 = tpu.memref_squeeze %dma_wait3A_121 : memref<1x1x2x128xi32, #tpu.memory_space<hbm>> -> memref<2x128xi32, #tpu.memory_space<hbm>>
    %dma_wait3A_123 = arith.constant 0 : i32
    %dma_wait3A_124 = arith.constant 0 : i32
    %dma_wait3A_125 = tpu.memref_slice %arg3[%add3A, %dma_wait3A_118, %dma_wait3A_123, %dma_wait3A_124] : memref<32x80x2x128xi32, #tpu.memory_space<hbm>> -> memref<1x1x2x128xi32, #tpu.memory_space<hbm>>
    %dma_wait3A_126 = tpu.memref_squeeze %dma_wait3A_125 : memref<1x1x2x128xi32, #tpu.memory_space<hbm>> -> memref<2x128xi32, #tpu.memory_space<hbm>>
    tpu.wait_dma2 semaphore(%arg20 : memref<!tpu.dma_semaphore, #tpu.memory_space<semaphore_mem>>) src(%dma_wait3A_126 : memref<2x128xi32, #tpu.memory_space<hbm>>) dst(%arg10 : memref<2x128xi32, #tpu.memory_space<vmem>>)
    %dma_wait3A_127 = arith.constant 1 : i32
    %dma_wait3A_128 = arith.constant 0 : i32
    %dma_wait3A_129 = tpu.memref_slice %arg10[%dma_wait3A_127, %dma_wait3A_128] : memref<2x128xi32, #tpu.memory_space<vmem>> -> memref<1x128xi32, #tpu.memory_space<vmem>>
    %dma_wait3A_130 = tpu.memref_squeeze %dma_wait3A_129 : memref<1x128xi32, #tpu.memory_space<vmem>> -> memref<128xi32, #tpu.memory_space<vmem>>
    %dma_wait3A_131 = arith.constant 0 : i32
    %dma_wait3A_132 = arith.constant 0 : i32
    %dma_wait3A_133 = tpu.memref_slice %arg6[%dma_wait3A_131, %dma_wait3A_132] : memref<10240x128xf32, #tpu.memory_space<vmem_shared>> -> memref<10240x128xf32, #tpu.memory_space<vmem_shared>>
    tpu.wait_indirect_dma semaphore(%arg16 : memref<!tpu.dma_semaphore, #tpu.memory_space<semaphore_mem>>) src(%arg12 : memref<128x128xf32, #tpu.memory_space<vmem>>) dst(%dma_wait3A_133 : memref<10240x128xf32, #tpu.memory_space<vmem_shared>>)
    %dma_start3A_134 = arith.constant 0 : i32
    %dma_start3A_135 = arith.constant 0 : i32
    %dma_start3A_136 = tpu.memref_slice %arg10[%dma_start3A_134, %dma_start3A_135] : memref<2x128xi32, #tpu.memory_space<vmem>> -> memref<1x128xi32, #tpu.memory_space<vmem>>
    %dma_start3A_137 = tpu.memref_squeeze %dma_start3A_136 : memref<1x128xi32, #tpu.memory_space<vmem>> -> memref<128xi32, #tpu.memory_space<vmem>>
    %dma_start3A_138 = arith.constant 0 : i32
    %dma_start3A_139 = arith.constant 0 : i32
    %dma_start3A_140 = tpu.memref_slice %arg2[%dma_start3A_138, %dma_start3A_139] : memref<10000x128xf32, #tpu.memory_space<hbm>> -> memref<10000x128xf32, #tpu.memory_space<hbm>>
    tpu.enqueue_indirect_dma source(%dma_start3A_140 : memref<10000x128xf32, #tpu.memory_space<hbm>>) target(%arg12 : memref<128x128xf32, #tpu.memory_space<vmem>>) offsets(%dma_start3A_137 : memref<128xi32, #tpu.memory_space<vmem>>) semaphore(%arg14 : memref<!tpu.dma_semaphore, #tpu.memory_space<semaphore_mem>>)
    %dma_start3A_141 = arith.constant 4 : i32
    %dma_start3A_142 = arith.constant 0 : i32
    %dma_start3A_143 = arith.constant 0 : i32
    %dma_start3A_144 = tpu.memref_slice %arg3[%add3A, %dma_start3A_141, %dma_start3A_142, %dma_start3A_143] : memref<32x80x2x128xi32, #tpu.memory_space<hbm>> -> memref<1x1x2x128xi32, #tpu.memory_space<hbm>>
    %dma_start3A_145 = tpu.memref_squeeze %dma_start3A_144 : memref<1x1x2x128xi32, #tpu.memory_space<hbm>> -> memref<2x128xi32, #tpu.memory_space<hbm>>
    %dma_start3A_146 = arith.constant 0 : i32
    %dma_start3A_147 = arith.constant 0 : i32
    %dma_start3A_148 = tpu.memref_slice %arg3[%add3A, %dma_start3A_141, %dma_start3A_146, %dma_start3A_147] : memref<32x80x2x128xi32, #tpu.memory_space<hbm>> -> memref<1x1x2x128xi32, #tpu.memory_space<hbm>>
    %dma_start3A_149 = tpu.memref_squeeze %dma_start3A_148 : memref<1x1x2x128xi32, #tpu.memory_space<hbm>> -> memref<2x128xi32, #tpu.memory_space<hbm>>
    tpu.enqueue_dma source(%dma_start3A_149 : memref<2x128xi32, #tpu.memory_space<hbm>>) target(%arg7 : memref<2x128xi32, #tpu.memory_space<vmem>>) target_semaphore(%arg17 : memref<!tpu.dma_semaphore, #tpu.memory_space<semaphore_mem>>)
    %dma_wait3A_150 = arith.constant 0 : i32
    %dma_wait3A_151 = arith.constant 0 : i32
    %dma_wait3A_152 = tpu.memref_slice %arg10[%dma_wait3A_150, %dma_wait3A_151] : memref<2x128xi32, #tpu.memory_space<vmem>> -> memref<1x128xi32, #tpu.memory_space<vmem>>
    %dma_wait3A_153 = tpu.memref_squeeze %dma_wait3A_152 : memref<1x128xi32, #tpu.memory_space<vmem>> -> memref<128xi32, #tpu.memory_space<vmem>>
    %dma_wait3A_154 = arith.constant 0 : i32
    %dma_wait3A_155 = arith.constant 0 : i32
    %dma_wait3A_156 = tpu.memref_slice %arg2[%dma_wait3A_154, %dma_wait3A_155] : memref<10000x128xf32, #tpu.memory_space<hbm>> -> memref<10000x128xf32, #tpu.memory_space<hbm>>
    tpu.wait_indirect_dma semaphore(%arg14 : memref<!tpu.dma_semaphore, #tpu.memory_space<semaphore_mem>>) src(%dma_wait3A_156 : memref<10000x128xf32, #tpu.memory_space<hbm>>) dst(%arg12 : memref<128x128xf32, #tpu.memory_space<vmem>>)
    %dma_start3A_157 = arith.constant 1 : i32
    %dma_start3A_158 = arith.constant 0 : i32
    %dma_start3A_159 = tpu.memref_slice %arg10[%dma_start3A_157, %dma_start3A_158] : memref<2x128xi32, #tpu.memory_space<vmem>> -> memref<1x128xi32, #tpu.memory_space<vmem>>
    %dma_start3A_160 = tpu.memref_squeeze %dma_start3A_159 : memref<1x128xi32, #tpu.memory_space<vmem>> -> memref<128xi32, #tpu.memory_space<vmem>>
    %dma_start3A_161 = arith.constant 0 : i32
    %dma_start3A_162 = arith.constant 0 : i32
    %dma_start3A_163 = tpu.memref_slice %arg6[%dma_start3A_161, %dma_start3A_162] : memref<10240x128xf32, #tpu.memory_space<vmem_shared>> -> memref<10240x128xf32, #tpu.memory_space<vmem_shared>>
    tpu.enqueue_indirect_dma source(%arg12 : memref<128x128xf32, #tpu.memory_space<vmem>>) target(%dma_start3A_163 : memref<10240x128xf32, #tpu.memory_space<vmem_shared>>) offsets(%dma_start3A_160 : memref<128xi32, #tpu.memory_space<vmem>>) semaphore(%arg16 : memref<!tpu.dma_semaphore, #tpu.memory_space<semaphore_mem>>) {add = true}
    %dma_wait3A_164 = arith.constant 0 : i32
    %dma_wait3A_165 = arith.constant 0 : i32
    %dma_wait3A_166 = arith.constant 0 : i32
    %dma_wait3A_167 = tpu.memref_slice %arg3[%add3A, %dma_wait3A_164, %dma_wait3A_165, %dma_wait3A_166] : memref<32x80x2x128xi32, #tpu.memory_space<hbm>> -> memref<1x1x2x128xi32, #tpu.memory_space<hbm>>
    %dma_wait3A_168 = tpu.memref_squeeze %dma_wait3A_167 : memref<1x1x2x128xi32, #tpu.memory_space<hbm>> -> memref<2x128xi32, #tpu.memory_space<hbm>>
    %dma_wait3A_169 = arith.constant 0 : i32
    %dma_wait3A_170 = arith.constant 0 : i32
    %dma_wait3A_171 = tpu.memref_slice %arg3[%add3A, %dma_wait3A_164, %dma_wait3A_169, %dma_wait3A_170] : memref<32x80x2x128xi32, #tpu.memory_space<hbm>> -> memref<1x1x2x128xi32, #tpu.memory_space<hbm>>
    %dma_wait3A_172 = tpu.memref_squeeze %dma_wait3A_171 : memref<1x1x2x128xi32, #tpu.memory_space<hbm>> -> memref<2x128xi32, #tpu.memory_space<hbm>>
    tpu.wait_dma2 semaphore(%arg17 : memref<!tpu.dma_semaphore, #tpu.memory_space<semaphore_mem>>) src(%dma_wait3A_172 : memref<2x128xi32, #tpu.memory_space<hbm>>) dst(%arg7 : memref<2x128xi32, #tpu.memory_space<vmem>>)
    %dma_wait3A_173 = arith.constant 1 : i32
    %dma_wait3A_174 = arith.constant 0 : i32
    %dma_wait3A_175 = tpu.memref_slice %arg7[%dma_wait3A_173, %dma_wait3A_174] : memref<2x128xi32, #tpu.memory_space<vmem>> -> memref<1x128xi32, #tpu.memory_space<vmem>>
    %dma_wait3A_176 = tpu.memref_squeeze %dma_wait3A_175 : memref<1x128xi32, #tpu.memory_space<vmem>> -> memref<128xi32, #tpu.memory_space<vmem>>
    %dma_wait3A_177 = arith.constant 0 : i32
    %dma_wait3A_178 = arith.constant 0 : i32
    %dma_wait3A_179 = tpu.memref_slice %arg6[%dma_wait3A_177, %dma_wait3A_178] : memref<10240x128xf32, #tpu.memory_space<vmem_shared>> -> memref<10240x128xf32, #tpu.memory_space<vmem_shared>>
    tpu.wait_indirect_dma semaphore(%arg15 : memref<!tpu.dma_semaphore, #tpu.memory_space<semaphore_mem>>) src(%arg11 : memref<128x128xf32, #tpu.memory_space<vmem>>) dst(%dma_wait3A_179 : memref<10240x128xf32, #tpu.memory_space<vmem_shared>>)
    %dma_start3A_180 = arith.constant 0 : i32
    %dma_start3A_181 = arith.constant 0 : i32
    %dma_start3A_182 = tpu.memref_slice %arg7[%dma_start3A_180, %dma_start3A_181] : memref<2x128xi32, #tpu.memory_space<vmem>> -> memref<1x128xi32, #tpu.memory_space<vmem>>
    %dma_start3A_183 = tpu.memref_squeeze %dma_start3A_182 : memref<1x128xi32, #tpu.memory_space<vmem>> -> memref<128xi32, #tpu.memory_space<vmem>>
    %dma_start3A_184 = arith.constant 0 : i32
    %dma_start3A_185 = arith.constant 0 : i32
    %dma_start3A_186 = tpu.memref_slice %arg2[%dma_start3A_184, %dma_start3A_185] : memref<10000x128xf32, #tpu.memory_space<hbm>> -> memref<10000x128xf32, #tpu.memory_space<hbm>>
    tpu.enqueue_indirect_dma source(%dma_start3A_186 : memref<10000x128xf32, #tpu.memory_space<hbm>>) target(%arg11 : memref<128x128xf32, #tpu.memory_space<vmem>>) offsets(%dma_start3A_183 : memref<128xi32, #tpu.memory_space<vmem>>) semaphore(%arg13 : memref<!tpu.dma_semaphore, #tpu.memory_space<semaphore_mem>>)
    %dma_start3A_187 = arith.constant 5 : i32
    %dma_start3A_188 = arith.constant 0 : i32
    %dma_start3A_189 = arith.constant 0 : i32
    %dma_start3A_190 = tpu.memref_slice %arg3[%add3A, %dma_start3A_187, %dma_start3A_188, %dma_start3A_189] : memref<32x80x2x128xi32, #tpu.memory_space<hbm>> -> memref<1x1x2x128xi32, #tpu.memory_space<hbm>>
    %dma_start3A_191 = tpu.memref_squeeze %dma_start3A_190 : memref<1x1x2x128xi32, #tpu.memory_space<hbm>> -> memref<2x128xi32, #tpu.memory_space<hbm>>
    %dma_start3A_192 = arith.constant 0 : i32
    %dma_start3A_193 = arith.constant 0 : i32
    %dma_start3A_194 = tpu.memref_slice %arg3[%add3A, %dma_start3A_187, %dma_start3A_192, %dma_start3A_193] : memref<32x80x2x128xi32, #tpu.memory_space<hbm>> -> memref<1x1x2x128xi32, #tpu.memory_space<hbm>>
    %dma_start3A_195 = tpu.memref_squeeze %dma_start3A_194 : memref<1x1x2x128xi32, #tpu.memory_space<hbm>> -> memref<2x128xi32, #tpu.memory_space<hbm>>
    tpu.enqueue_dma source(%dma_start3A_195 : memref<2x128xi32, #tpu.memory_space<hbm>>) target(%arg8 : memref<2x128xi32, #tpu.memory_space<vmem>>) target_semaphore(%arg18 : memref<!tpu.dma_semaphore, #tpu.memory_space<semaphore_mem>>)
    %scan3A = arith.constant 0 : i32
    %scan3A_196 = arith.constant 1 : i32
    %scan3A_197 = arith.constant 18 : i32
    %scan3A_198 = arith.addi %scan3A_196, %scan3A_197 : i32
    %scan3A_199 = arith.constant 1 : i32
    scf.for %scan3A_363 = %scan3A_196 to %scan3A_198 step %scan3A_199  : i32 {
      %mul3A_364 = arith.constant 4 : i32
      %mul3A_365 = arith.muli %mul3A_364, %scan3A_363 : i32
      %add3A_366 = arith.constant 0 : i32
      %add3A_367 = arith.addi %mul3A_365, %add3A_366 : i32
      %dma_wait3A_368 = arith.constant 0 : i32
      %dma_wait3A_369 = arith.constant 0 : i32
      %dma_wait3A_370 = tpu.memref_slice %arg7[%dma_wait3A_368, %dma_wait3A_369] : memref<2x128xi32, #tpu.memory_space<vmem>> -> memref<1x128xi32, #tpu.memory_space<vmem>>
      %dma_wait3A_371 = tpu.memref_squeeze %dma_wait3A_370 : memref<1x128xi32, #tpu.memory_space<vmem>> -> memref<128xi32, #tpu.memory_space<vmem>>
      %dma_wait3A_372 = arith.constant 0 : i32
      %dma_wait3A_373 = arith.constant 0 : i32
      %dma_wait3A_374 = tpu.memref_slice %arg2[%dma_wait3A_372, %dma_wait3A_373] : memref<10000x128xf32, #tpu.memory_space<hbm>> -> memref<10000x128xf32, #tpu.memory_space<hbm>>
      tpu.wait_indirect_dma semaphore(%arg13 : memref<!tpu.dma_semaphore, #tpu.memory_space<semaphore_mem>>) src(%dma_wait3A_374 : memref<10000x128xf32, #tpu.memory_space<hbm>>) dst(%arg11 : memref<128x128xf32, #tpu.memory_space<vmem>>)
      %dma_start3A_375 = arith.constant 1 : i32
      %dma_start3A_376 = arith.constant 0 : i32
      %dma_start3A_377 = tpu.memref_slice %arg7[%dma_start3A_375, %dma_start3A_376] : memref<2x128xi32, #tpu.memory_space<vmem>> -> memref<1x128xi32, #tpu.memory_space<vmem>>
      %dma_start3A_378 = tpu.memref_squeeze %dma_start3A_377 : memref<1x128xi32, #tpu.memory_space<vmem>> -> memref<128xi32, #tpu.memory_space<vmem>>
      %dma_start3A_379 = arith.constant 0 : i32
      %dma_start3A_380 = arith.constant 0 : i32
      %dma_start3A_381 = tpu.memref_slice %arg6[%dma_start3A_379, %dma_start3A_380] : memref<10240x128xf32, #tpu.memory_space<vmem_shared>> -> memref<10240x128xf32, #tpu.memory_space<vmem_shared>>
      tpu.enqueue_indirect_dma source(%arg11 : memref<128x128xf32, #tpu.memory_space<vmem>>) target(%dma_start3A_381 : memref<10240x128xf32, #tpu.memory_space<vmem_shared>>) offsets(%dma_start3A_378 : memref<128xi32, #tpu.memory_space<vmem>>) semaphore(%arg15 : memref<!tpu.dma_semaphore, #tpu.memory_space<semaphore_mem>>) {add = true}
      %dma_wait3A_382 = arith.constant 0 : i32
      %dma_wait3A_383 = arith.constant 0 : i32
      %dma_wait3A_384 = arith.constant 0 : i32
      %dma_wait3A_385 = tpu.memref_slice %arg3[%add3A, %dma_wait3A_382, %dma_wait3A_383, %dma_wait3A_384] : memref<32x80x2x128xi32, #tpu.memory_space<hbm>> -> memref<1x1x2x128xi32, #tpu.memory_space<hbm>>
      %dma_wait3A_386 = tpu.memref_squeeze %dma_wait3A_385 : memref<1x1x2x128xi32, #tpu.memory_space<hbm>> -> memref<2x128xi32, #tpu.memory_space<hbm>>
      %dma_wait3A_387 = arith.constant 0 : i32
      %dma_wait3A_388 = arith.constant 0 : i32
      %dma_wait3A_389 = tpu.memref_slice %arg3[%add3A, %dma_wait3A_382, %dma_wait3A_387, %dma_wait3A_388] : memref<32x80x2x128xi32, #tpu.memory_space<hbm>> -> memref<1x1x2x128xi32, #tpu.memory_space<hbm>>
      %dma_wait3A_390 = tpu.memref_squeeze %dma_wait3A_389 : memref<1x1x2x128xi32, #tpu.memory_space<hbm>> -> memref<2x128xi32, #tpu.memory_space<hbm>>
      tpu.wait_dma2 semaphore(%arg18 : memref<!tpu.dma_semaphore, #tpu.memory_space<semaphore_mem>>) src(%dma_wait3A_390 : memref<2x128xi32, #tpu.memory_space<hbm>>) dst(%arg8 : memref<2x128xi32, #tpu.memory_space<vmem>>)
      %dma_wait3A_391 = arith.constant 1 : i32
      %dma_wait3A_392 = arith.constant 0 : i32
      %dma_wait3A_393 = tpu.memref_slice %arg8[%dma_wait3A_391, %dma_wait3A_392] : memref<2x128xi32, #tpu.memory_space<vmem>> -> memref<1x128xi32, #tpu.memory_space<vmem>>
      %dma_wait3A_394 = tpu.memref_squeeze %dma_wait3A_393 : memref<1x128xi32, #tpu.memory_space<vmem>> -> memref<128xi32, #tpu.memory_space<vmem>>
      %dma_wait3A_395 = arith.constant 0 : i32
      %dma_wait3A_396 = arith.constant 0 : i32
      %dma_wait3A_397 = tpu.memref_slice %arg6[%dma_wait3A_395, %dma_wait3A_396] : memref<10240x128xf32, #tpu.memory_space<vmem_shared>> -> memref<10240x128xf32, #tpu.memory_space<vmem_shared>>
      tpu.wait_indirect_dma semaphore(%arg16 : memref<!tpu.dma_semaphore, #tpu.memory_space<semaphore_mem>>) src(%arg12 : memref<128x128xf32, #tpu.memory_space<vmem>>) dst(%dma_wait3A_397 : memref<10240x128xf32, #tpu.memory_space<vmem_shared>>)
      %dma_start3A_398 = arith.constant 0 : i32
      %dma_start3A_399 = arith.constant 0 : i32
      %dma_start3A_400 = tpu.memref_slice %arg8[%dma_start3A_398, %dma_start3A_399] : memref<2x128xi32, #tpu.memory_space<vmem>> -> memref<1x128xi32, #tpu.memory_space<vmem>>
      %dma_start3A_401 = tpu.memref_squeeze %dma_start3A_400 : memref<1x128xi32, #tpu.memory_space<vmem>> -> memref<128xi32, #tpu.memory_space<vmem>>
      %dma_start3A_402 = arith.constant 0 : i32
      %dma_start3A_403 = arith.constant 0 : i32
      %dma_start3A_404 = tpu.memref_slice %arg2[%dma_start3A_402, %dma_start3A_403] : memref<10000x128xf32, #tpu.memory_space<hbm>> -> memref<10000x128xf32, #tpu.memory_space<hbm>>
      tpu.enqueue_indirect_dma source(%dma_start3A_404 : memref<10000x128xf32, #tpu.memory_space<hbm>>) target(%arg12 : memref<128x128xf32, #tpu.memory_space<vmem>>) offsets(%dma_start3A_401 : memref<128xi32, #tpu.memory_space<vmem>>) semaphore(%arg14 : memref<!tpu.dma_semaphore, #tpu.memory_space<semaphore_mem>>)
      %add3A_405 = arith.constant 2 : i32
      %add3A_406 = arith.addi %add3A_367, %add3A_405 : i32
      %dma_start3A_407 = arith.constant 0 : i32
      %dma_start3A_408 = arith.constant 0 : i32
      %dma_start3A_409 = tpu.memref_slice %arg3[%add3A, %add3A_406, %dma_start3A_407, %dma_start3A_408] : memref<32x80x2x128xi32, #tpu.memory_space<hbm>> -> memref<1x1x2x128xi32, #tpu.memory_space<hbm>>
      %dma_start3A_410 = tpu.memref_squeeze %dma_start3A_409 : memref<1x1x2x128xi32, #tpu.memory_space<hbm>> -> memref<2x128xi32, #tpu.memory_space<hbm>>
      %dma_start3A_411 = arith.constant 0 : i32
      %dma_start3A_412 = arith.constant 0 : i32
      %dma_start3A_413 = tpu.memref_slice %arg3[%add3A, %add3A_406, %dma_start3A_411, %dma_start3A_412] : memref<32x80x2x128xi32, #tpu.memory_space<hbm>> -> memref<1x1x2x128xi32, #tpu.memory_space<hbm>>
      %dma_start3A_414 = tpu.memref_squeeze %dma_start3A_413 : memref<1x1x2x128xi32, #tpu.memory_space<hbm>> -> memref<2x128xi32, #tpu.memory_space<hbm>>
      tpu.enqueue_dma source(%dma_start3A_414 : memref<2x128xi32, #tpu.memory_space<hbm>>) target(%arg9 : memref<2x128xi32, #tpu.memory_space<vmem>>) target_semaphore(%arg19 : memref<!tpu.dma_semaphore, #tpu.memory_space<semaphore_mem>>)
      %add3A_415 = arith.constant 1 : i32
      %add3A_416 = arith.addi %mul3A_365, %add3A_415 : i32
      %dma_wait3A_417 = arith.constant 0 : i32
      %dma_wait3A_418 = arith.constant 0 : i32
      %dma_wait3A_419 = tpu.memref_slice %arg8[%dma_wait3A_417, %dma_wait3A_418] : memref<2x128xi32, #tpu.memory_space<vmem>> -> memref<1x128xi32, #tpu.memory_space<vmem>>
      %dma_wait3A_420 = tpu.memref_squeeze %dma_wait3A_419 : memref<1x128xi32, #tpu.memory_space<vmem>> -> memref<128xi32, #tpu.memory_space<vmem>>
      %dma_wait3A_421 = arith.constant 0 : i32
      %dma_wait3A_422 = arith.constant 0 : i32
      %dma_wait3A_423 = tpu.memref_slice %arg2[%dma_wait3A_421, %dma_wait3A_422] : memref<10000x128xf32, #tpu.memory_space<hbm>> -> memref<10000x128xf32, #tpu.memory_space<hbm>>
      tpu.wait_indirect_dma semaphore(%arg14 : memref<!tpu.dma_semaphore, #tpu.memory_space<semaphore_mem>>) src(%dma_wait3A_423 : memref<10000x128xf32, #tpu.memory_space<hbm>>) dst(%arg12 : memref<128x128xf32, #tpu.memory_space<vmem>>)
      %dma_start3A_424 = arith.constant 1 : i32
      %dma_start3A_425 = arith.constant 0 : i32
      %dma_start3A_426 = tpu.memref_slice %arg8[%dma_start3A_424, %dma_start3A_425] : memref<2x128xi32, #tpu.memory_space<vmem>> -> memref<1x128xi32, #tpu.memory_space<vmem>>
      %dma_start3A_427 = tpu.memref_squeeze %dma_start3A_426 : memref<1x128xi32, #tpu.memory_space<vmem>> -> memref<128xi32, #tpu.memory_space<vmem>>
      %dma_start3A_428 = arith.constant 0 : i32
      %dma_start3A_429 = arith.constant 0 : i32
      %dma_start3A_430 = tpu.memref_slice %arg6[%dma_start3A_428, %dma_start3A_429] : memref<10240x128xf32, #tpu.memory_space<vmem_shared>> -> memref<10240x128xf32, #tpu.memory_space<vmem_shared>>
      tpu.enqueue_indirect_dma source(%arg12 : memref<128x128xf32, #tpu.memory_space<vmem>>) target(%dma_start3A_430 : memref<10240x128xf32, #tpu.memory_space<vmem_shared>>) offsets(%dma_start3A_427 : memref<128xi32, #tpu.memory_space<vmem>>) semaphore(%arg16 : memref<!tpu.dma_semaphore, #tpu.memory_space<semaphore_mem>>) {add = true}
      %dma_wait3A_431 = arith.constant 0 : i32
      %dma_wait3A_432 = arith.constant 0 : i32
      %dma_wait3A_433 = arith.constant 0 : i32
      %dma_wait3A_434 = tpu.memref_slice %arg3[%add3A, %dma_wait3A_431, %dma_wait3A_432, %dma_wait3A_433] : memref<32x80x2x128xi32, #tpu.memory_space<hbm>> -> memref<1x1x2x128xi32, #tpu.memory_space<hbm>>
      %dma_wait3A_435 = tpu.memref_squeeze %dma_wait3A_434 : memref<1x1x2x128xi32, #tpu.memory_space<hbm>> -> memref<2x128xi32, #tpu.memory_space<hbm>>
      %dma_wait3A_436 = arith.constant 0 : i32
      %dma_wait3A_437 = arith.constant 0 : i32
      %dma_wait3A_438 = tpu.memref_slice %arg3[%add3A, %dma_wait3A_431, %dma_wait3A_436, %dma_wait3A_437] : memref<32x80x2x128xi32, #tpu.memory_space<hbm>> -> memref<1x1x2x128xi32, #tpu.memory_space<hbm>>
      %dma_wait3A_439 = tpu.memref_squeeze %dma_wait3A_438 : memref<1x1x2x128xi32, #tpu.memory_space<hbm>> -> memref<2x128xi32, #tpu.memory_space<hbm>>
      tpu.wait_dma2 semaphore(%arg19 : memref<!tpu.dma_semaphore, #tpu.memory_space<semaphore_mem>>) src(%dma_wait3A_439 : memref<2x128xi32, #tpu.memory_space<hbm>>) dst(%arg9 : memref<2x128xi32, #tpu.memory_space<vmem>>)
      %dma_wait3A_440 = arith.constant 1 : i32
      %dma_wait3A_441 = arith.constant 0 : i32
      %dma_wait3A_442 = tpu.memref_slice %arg9[%dma_wait3A_440, %dma_wait3A_441] : memref<2x128xi32, #tpu.memory_space<vmem>> -> memref<1x128xi32, #tpu.memory_space<vmem>>
      %dma_wait3A_443 = tpu.memref_squeeze %dma_wait3A_442 : memref<1x128xi32, #tpu.memory_space<vmem>> -> memref<128xi32, #tpu.memory_space<vmem>>
      %dma_wait3A_444 = arith.constant 0 : i32
      %dma_wait3A_445 = arith.constant 0 : i32
      %dma_wait3A_446 = tpu.memref_slice %arg6[%dma_wait3A_444, %dma_wait3A_445] : memref<10240x128xf32, #tpu.memory_space<vmem_shared>> -> memref<10240x128xf32, #tpu.memory_space<vmem_shared>>
      tpu.wait_indirect_dma semaphore(%arg15 : memref<!tpu.dma_semaphore, #tpu.memory_space<semaphore_mem>>) src(%arg11 : memref<128x128xf32, #tpu.memory_space<vmem>>) dst(%dma_wait3A_446 : memref<10240x128xf32, #tpu.memory_space<vmem_shared>>)
      %dma_start3A_447 = arith.constant 0 : i32
      %dma_start3A_448 = arith.constant 0 : i32
      %dma_start3A_449 = tpu.memref_slice %arg9[%dma_start3A_447, %dma_start3A_448] : memref<2x128xi32, #tpu.memory_space<vmem>> -> memref<1x128xi32, #tpu.memory_space<vmem>>
      %dma_start3A_450 = tpu.memref_squeeze %dma_start3A_449 : memref<1x128xi32, #tpu.memory_space<vmem>> -> memref<128xi32, #tpu.memory_space<vmem>>
      %dma_start3A_451 = arith.constant 0 : i32
      %dma_start3A_452 = arith.constant 0 : i32
      %dma_start3A_453 = tpu.memref_slice %arg2[%dma_start3A_451, %dma_start3A_452] : memref<10000x128xf32, #tpu.memory_space<hbm>> -> memref<10000x128xf32, #tpu.memory_space<hbm>>
      tpu.enqueue_indirect_dma source(%dma_start3A_453 : memref<10000x128xf32, #tpu.memory_space<hbm>>) target(%arg11 : memref<128x128xf32, #tpu.memory_space<vmem>>) offsets(%dma_start3A_450 : memref<128xi32, #tpu.memory_space<vmem>>) semaphore(%arg13 : memref<!tpu.dma_semaphore, #tpu.memory_space<semaphore_mem>>)
      %add3A_454 = arith.constant 2 : i32
      %add3A_455 = arith.addi %add3A_416, %add3A_454 : i32
      %dma_start3A_456 = arith.constant 0 : i32
      %dma_start3A_457 = arith.constant 0 : i32
      %dma_start3A_458 = tpu.memref_slice %arg3[%add3A, %add3A_455, %dma_start3A_456, %dma_start3A_457] : memref<32x80x2x128xi32, #tpu.memory_space<hbm>> -> memref<1x1x2x128xi32, #tpu.memory_space<hbm>>
      %dma_start3A_459 = tpu.memref_squeeze %dma_start3A_458 : memref<1x1x2x128xi32, #tpu.memory_space<hbm>> -> memref<2x128xi32, #tpu.memory_space<hbm>>
      %dma_start3A_460 = arith.constant 0 : i32
      %dma_start3A_461 = arith.constant 0 : i32
      %dma_start3A_462 = tpu.memref_slice %arg3[%add3A, %add3A_455, %dma_start3A_460, %dma_start3A_461] : memref<32x80x2x128xi32, #tpu.memory_space<hbm>> -> memref<1x1x2x128xi32, #tpu.memory_space<hbm>>
      %dma_start3A_463 = tpu.memref_squeeze %dma_start3A_462 : memref<1x1x2x128xi32, #tpu.memory_space<hbm>> -> memref<2x128xi32, #tpu.memory_space<hbm>>
      tpu.enqueue_dma source(%dma_start3A_463 : memref<2x128xi32, #tpu.memory_space<hbm>>) target(%arg10 : memref<2x128xi32, #tpu.memory_space<vmem>>) target_semaphore(%arg20 : memref<!tpu.dma_semaphore, #tpu.memory_space<semaphore_mem>>)
      %add3A_464 = arith.constant 2 : i32
      %add3A_465 = arith.addi %mul3A_365, %add3A_464 : i32
      %dma_wait3A_466 = arith.constant 0 : i32
      %dma_wait3A_467 = arith.constant 0 : i32
      %dma_wait3A_468 = tpu.memref_slice %arg9[%dma_wait3A_466, %dma_wait3A_467] : memref<2x128xi32, #tpu.memory_space<vmem>> -> memref<1x128xi32, #tpu.memory_space<vmem>>
      %dma_wait3A_469 = tpu.memref_squeeze %dma_wait3A_468 : memref<1x128xi32, #tpu.memory_space<vmem>> -> memref<128xi32, #tpu.memory_space<vmem>>
      %dma_wait3A_470 = arith.constant 0 : i32
      %dma_wait3A_471 = arith.constant 0 : i32
      %dma_wait3A_472 = tpu.memref_slice %arg2[%dma_wait3A_470, %dma_wait3A_471] : memref<10000x128xf32, #tpu.memory_space<hbm>> -> memref<10000x128xf32, #tpu.memory_space<hbm>>
      tpu.wait_indirect_dma semaphore(%arg13 : memref<!tpu.dma_semaphore, #tpu.memory_space<semaphore_mem>>) src(%dma_wait3A_472 : memref<10000x128xf32, #tpu.memory_space<hbm>>) dst(%arg11 : memref<128x128xf32, #tpu.memory_space<vmem>>)
      %dma_start3A_473 = arith.constant 1 : i32
      %dma_start3A_474 = arith.constant 0 : i32
      %dma_start3A_475 = tpu.memref_slice %arg9[%dma_start3A_473, %dma_start3A_474] : memref<2x128xi32, #tpu.memory_space<vmem>> -> memref<1x128xi32, #tpu.memory_space<vmem>>
      %dma_start3A_476 = tpu.memref_squeeze %dma_start3A_475 : memref<1x128xi32, #tpu.memory_space<vmem>> -> memref<128xi32, #tpu.memory_space<vmem>>
      %dma_start3A_477 = arith.constant 0 : i32
      %dma_start3A_478 = arith.constant 0 : i32
      %dma_start3A_479 = tpu.memref_slice %arg6[%dma_start3A_477, %dma_start3A_478] : memref<10240x128xf32, #tpu.memory_space<vmem_shared>> -> memref<10240x128xf32, #tpu.memory_space<vmem_shared>>
      tpu.enqueue_indirect_dma source(%arg11 : memref<128x128xf32, #tpu.memory_space<vmem>>) target(%dma_start3A_479 : memref<10240x128xf32, #tpu.memory_space<vmem_shared>>) offsets(%dma_start3A_476 : memref<128xi32, #tpu.memory_space<vmem>>) semaphore(%arg15 : memref<!tpu.dma_semaphore, #tpu.memory_space<semaphore_mem>>) {add = true}
      %dma_wait3A_480 = arith.constant 0 : i32
      %dma_wait3A_481 = arith.constant 0 : i32
      %dma_wait3A_482 = arith.constant 0 : i32
      %dma_wait3A_483 = tpu.memref_slice %arg3[%add3A, %dma_wait3A_480, %dma_wait3A_481, %dma_wait3A_482] : memref<32x80x2x128xi32, #tpu.memory_space<hbm>> -> memref<1x1x2x128xi32, #tpu.memory_space<hbm>>
      %dma_wait3A_484 = tpu.memref_squeeze %dma_wait3A_483 : memref<1x1x2x128xi32, #tpu.memory_space<hbm>> -> memref<2x128xi32, #tpu.memory_space<hbm>>
      %dma_wait3A_485 = arith.constant 0 : i32
      %dma_wait3A_486 = arith.constant 0 : i32
      %dma_wait3A_487 = tpu.memref_slice %arg3[%add3A, %dma_wait3A_480, %dma_wait3A_485, %dma_wait3A_486] : memref<32x80x2x128xi32, #tpu.memory_space<hbm>> -> memref<1x1x2x128xi32, #tpu.memory_space<hbm>>
      %dma_wait3A_488 = tpu.memref_squeeze %dma_wait3A_487 : memref<1x1x2x128xi32, #tpu.memory_space<hbm>> -> memref<2x128xi32, #tpu.memory_space<hbm>>
      tpu.wait_dma2 semaphore(%arg20 : memref<!tpu.dma_semaphore, #tpu.memory_space<semaphore_mem>>) src(%dma_wait3A_488 : memref<2x128xi32, #tpu.memory_space<hbm>>) dst(%arg10 : memref<2x128xi32, #tpu.memory_space<vmem>>)
      %dma_wait3A_489 = arith.constant 1 : i32
      %dma_wait3A_490 = arith.constant 0 : i32
      %dma_wait3A_491 = tpu.memref_slice %arg10[%dma_wait3A_489, %dma_wait3A_490] : memref<2x128xi32, #tpu.memory_space<vmem>> -> memref<1x128xi32, #tpu.memory_space<vmem>>
      %dma_wait3A_492 = tpu.memref_squeeze %dma_wait3A_491 : memref<1x128xi32, #tpu.memory_space<vmem>> -> memref<128xi32, #tpu.memory_space<vmem>>
      %dma_wait3A_493 = arith.constant 0 : i32
      %dma_wait3A_494 = arith.constant 0 : i32
      %dma_wait3A_495 = tpu.memref_slice %arg6[%dma_wait3A_493, %dma_wait3A_494] : memref<10240x128xf32, #tpu.memory_space<vmem_shared>> -> memref<10240x128xf32, #tpu.memory_space<vmem_shared>>
      tpu.wait_indirect_dma semaphore(%arg16 : memref<!tpu.dma_semaphore, #tpu.memory_space<semaphore_mem>>) src(%arg12 : memref<128x128xf32, #tpu.memory_space<vmem>>) dst(%dma_wait3A_495 : memref<10240x128xf32, #tpu.memory_space<vmem_shared>>)
      %dma_start3A_496 = arith.constant 0 : i32
      %dma_start3A_497 = arith.constant 0 : i32
      %dma_start3A_498 = tpu.memref_slice %arg10[%dma_start3A_496, %dma_start3A_497] : memref<2x128xi32, #tpu.memory_space<vmem>> -> memref<1x128xi32, #tpu.memory_space<vmem>>
      %dma_start3A_499 = tpu.memref_squeeze %dma_start3A_498 : memref<1x128xi32, #tpu.memory_space<vmem>> -> memref<128xi32, #tpu.memory_space<vmem>>
      %dma_start3A_500 = arith.constant 0 : i32
      %dma_start3A_501 = arith.constant 0 : i32
      %dma_start3A_502 = tpu.memref_slice %arg2[%dma_start3A_500, %dma_start3A_501] : memref<10000x128xf32, #tpu.memory_space<hbm>> -> memref<10000x128xf32, #tpu.memory_space<hbm>>
      tpu.enqueue_indirect_dma source(%dma_start3A_502 : memref<10000x128xf32, #tpu.memory_space<hbm>>) target(%arg12 : memref<128x128xf32, #tpu.memory_space<vmem>>) offsets(%dma_start3A_499 : memref<128xi32, #tpu.memory_space<vmem>>) semaphore(%arg14 : memref<!tpu.dma_semaphore, #tpu.memory_space<semaphore_mem>>)
      %add3A_503 = arith.constant 2 : i32
      %add3A_504 = arith.addi %add3A_465, %add3A_503 : i32
      %dma_start3A_505 = arith.constant 0 : i32
      %dma_start3A_506 = arith.constant 0 : i32
      %dma_start3A_507 = tpu.memref_slice %arg3[%add3A, %add3A_504, %dma_start3A_505, %dma_start3A_506] : memref<32x80x2x128xi32, #tpu.memory_space<hbm>> -> memref<1x1x2x128xi32, #tpu.memory_space<hbm>>
      %dma_start3A_508 = tpu.memref_squeeze %dma_start3A_507 : memref<1x1x2x128xi32, #tpu.memory_space<hbm>> -> memref<2x128xi32, #tpu.memory_space<hbm>>
      %dma_start3A_509 = arith.constant 0 : i32
      %dma_start3A_510 = arith.constant 0 : i32
      %dma_start3A_511 = tpu.memref_slice %arg3[%add3A, %add3A_504, %dma_start3A_509, %dma_start3A_510] : memref<32x80x2x128xi32, #tpu.memory_space<hbm>> -> memref<1x1x2x128xi32, #tpu.memory_space<hbm>>
      %dma_start3A_512 = tpu.memref_squeeze %dma_start3A_511 : memref<1x1x2x128xi32, #tpu.memory_space<hbm>> -> memref<2x128xi32, #tpu.memory_space<hbm>>
      tpu.enqueue_dma source(%dma_start3A_512 : memref<2x128xi32, #tpu.memory_space<hbm>>) target(%arg7 : memref<2x128xi32, #tpu.memory_space<vmem>>) target_semaphore(%arg17 : memref<!tpu.dma_semaphore, #tpu.memory_space<semaphore_mem>>)
      %add3A_513 = arith.constant 3 : i32
      %add3A_514 = arith.addi %mul3A_365, %add3A_513 : i32
      %dma_wait3A_515 = arith.constant 0 : i32
      %dma_wait3A_516 = arith.constant 0 : i32
      %dma_wait3A_517 = tpu.memref_slice %arg10[%dma_wait3A_515, %dma_wait3A_516] : memref<2x128xi32, #tpu.memory_space<vmem>> -> memref<1x128xi32, #tpu.memory_space<vmem>>
      %dma_wait3A_518 = tpu.memref_squeeze %dma_wait3A_517 : memref<1x128xi32, #tpu.memory_space<vmem>> -> memref<128xi32, #tpu.memory_space<vmem>>
      %dma_wait3A_519 = arith.constant 0 : i32
      %dma_wait3A_520 = arith.constant 0 : i32
      %dma_wait3A_521 = tpu.memref_slice %arg2[%dma_wait3A_519, %dma_wait3A_520] : memref<10000x128xf32, #tpu.memory_space<hbm>> -> memref<10000x128xf32, #tpu.memory_space<hbm>>
      tpu.wait_indirect_dma semaphore(%arg14 : memref<!tpu.dma_semaphore, #tpu.memory_space<semaphore_mem>>) src(%dma_wait3A_521 : memref<10000x128xf32, #tpu.memory_space<hbm>>) dst(%arg12 : memref<128x128xf32, #tpu.memory_space<vmem>>)
      %dma_start3A_522 = arith.constant 1 : i32
      %dma_start3A_523 = arith.constant 0 : i32
      %dma_start3A_524 = tpu.memref_slice %arg10[%dma_start3A_522, %dma_start3A_523] : memref<2x128xi32, #tpu.memory_space<vmem>> -> memref<1x128xi32, #tpu.memory_space<vmem>>
      %dma_start3A_525 = tpu.memref_squeeze %dma_start3A_524 : memref<1x128xi32, #tpu.memory_space<vmem>> -> memref<128xi32, #tpu.memory_space<vmem>>
      %dma_start3A_526 = arith.constant 0 : i32
      %dma_start3A_527 = arith.constant 0 : i32
      %dma_start3A_528 = tpu.memref_slice %arg6[%dma_start3A_526, %dma_start3A_527] : memref<10240x128xf32, #tpu.memory_space<vmem_shared>> -> memref<10240x128xf32, #tpu.memory_space<vmem_shared>>
      tpu.enqueue_indirect_dma source(%arg12 : memref<128x128xf32, #tpu.memory_space<vmem>>) target(%dma_start3A_528 : memref<10240x128xf32, #tpu.memory_space<vmem_shared>>) offsets(%dma_start3A_525 : memref<128xi32, #tpu.memory_space<vmem>>) semaphore(%arg16 : memref<!tpu.dma_semaphore, #tpu.memory_space<semaphore_mem>>) {add = true}
      %dma_wait3A_529 = arith.constant 0 : i32
      %dma_wait3A_530 = arith.constant 0 : i32
      %dma_wait3A_531 = arith.constant 0 : i32
      %dma_wait3A_532 = tpu.memref_slice %arg3[%add3A, %dma_wait3A_529, %dma_wait3A_530, %dma_wait3A_531] : memref<32x80x2x128xi32, #tpu.memory_space<hbm>> -> memref<1x1x2x128xi32, #tpu.memory_space<hbm>>
      %dma_wait3A_533 = tpu.memref_squeeze %dma_wait3A_532 : memref<1x1x2x128xi32, #tpu.memory_space<hbm>> -> memref<2x128xi32, #tpu.memory_space<hbm>>
      %dma_wait3A_534 = arith.constant 0 : i32
      %dma_wait3A_535 = arith.constant 0 : i32
      %dma_wait3A_536 = tpu.memref_slice %arg3[%add3A, %dma_wait3A_529, %dma_wait3A_534, %dma_wait3A_535] : memref<32x80x2x128xi32, #tpu.memory_space<hbm>> -> memref<1x1x2x128xi32, #tpu.memory_space<hbm>>
      %dma_wait3A_537 = tpu.memref_squeeze %dma_wait3A_536 : memref<1x1x2x128xi32, #tpu.memory_space<hbm>> -> memref<2x128xi32, #tpu.memory_space<hbm>>
      tpu.wait_dma2 semaphore(%arg17 : memref<!tpu.dma_semaphore, #tpu.memory_space<semaphore_mem>>) src(%dma_wait3A_537 : memref<2x128xi32, #tpu.memory_space<hbm>>) dst(%arg7 : memref<2x128xi32, #tpu.memory_space<vmem>>)
      %dma_wait3A_538 = arith.constant 1 : i32
      %dma_wait3A_539 = arith.constant 0 : i32
      %dma_wait3A_540 = tpu.memref_slice %arg7[%dma_wait3A_538, %dma_wait3A_539] : memref<2x128xi32, #tpu.memory_space<vmem>> -> memref<1x128xi32, #tpu.memory_space<vmem>>
      %dma_wait3A_541 = tpu.memref_squeeze %dma_wait3A_540 : memref<1x128xi32, #tpu.memory_space<vmem>> -> memref<128xi32, #tpu.memory_space<vmem>>
      %dma_wait3A_542 = arith.constant 0 : i32
      %dma_wait3A_543 = arith.constant 0 : i32
      %dma_wait3A_544 = tpu.memref_slice %arg6[%dma_wait3A_542, %dma_wait3A_543] : memref<10240x128xf32, #tpu.memory_space<vmem_shared>> -> memref<10240x128xf32, #tpu.memory_space<vmem_shared>>
      tpu.wait_indirect_dma semaphore(%arg15 : memref<!tpu.dma_semaphore, #tpu.memory_space<semaphore_mem>>) src(%arg11 : memref<128x128xf32, #tpu.memory_space<vmem>>) dst(%dma_wait3A_544 : memref<10240x128xf32, #tpu.memory_space<vmem_shared>>)
      %dma_start3A_545 = arith.constant 0 : i32
      %dma_start3A_546 = arith.constant 0 : i32
      %dma_start3A_547 = tpu.memref_slice %arg7[%dma_start3A_545, %dma_start3A_546] : memref<2x128xi32, #tpu.memory_space<vmem>> -> memref<1x128xi32, #tpu.memory_space<vmem>>
      %dma_start3A_548 = tpu.memref_squeeze %dma_start3A_547 : memref<1x128xi32, #tpu.memory_space<vmem>> -> memref<128xi32, #tpu.memory_space<vmem>>
      %dma_start3A_549 = arith.constant 0 : i32
      %dma_start3A_550 = arith.constant 0 : i32
      %dma_start3A_551 = tpu.memref_slice %arg2[%dma_start3A_549, %dma_start3A_550] : memref<10000x128xf32, #tpu.memory_space<hbm>> -> memref<10000x128xf32, #tpu.memory_space<hbm>>
      tpu.enqueue_indirect_dma source(%dma_start3A_551 : memref<10000x128xf32, #tpu.memory_space<hbm>>) target(%arg11 : memref<128x128xf32, #tpu.memory_space<vmem>>) offsets(%dma_start3A_548 : memref<128xi32, #tpu.memory_space<vmem>>) semaphore(%arg13 : memref<!tpu.dma_semaphore, #tpu.memory_space<semaphore_mem>>)
      %add3A_552 = arith.constant 2 : i32
      %add3A_553 = arith.addi %add3A_514, %add3A_552 : i32
      %dma_start3A_554 = arith.constant 0 : i32
      %dma_start3A_555 = arith.constant 0 : i32
      %dma_start3A_556 = tpu.memref_slice %arg3[%add3A, %add3A_553, %dma_start3A_554, %dma_start3A_555] : memref<32x80x2x128xi32, #tpu.memory_space<hbm>> -> memref<1x1x2x128xi32, #tpu.memory_space<hbm>>
      %dma_start3A_557 = tpu.memref_squeeze %dma_start3A_556 : memref<1x1x2x128xi32, #tpu.memory_space<hbm>> -> memref<2x128xi32, #tpu.memory_space<hbm>>
      %dma_start3A_558 = arith.constant 0 : i32
      %dma_start3A_559 = arith.constant 0 : i32
      %dma_start3A_560 = tpu.memref_slice %arg3[%add3A, %add3A_553, %dma_start3A_558, %dma_start3A_559] : memref<32x80x2x128xi32, #tpu.memory_space<hbm>> -> memref<1x1x2x128xi32, #tpu.memory_space<hbm>>
      %dma_start3A_561 = tpu.memref_squeeze %dma_start3A_560 : memref<1x1x2x128xi32, #tpu.memory_space<hbm>> -> memref<2x128xi32, #tpu.memory_space<hbm>>
      tpu.enqueue_dma source(%dma_start3A_561 : memref<2x128xi32, #tpu.memory_space<hbm>>) target(%arg8 : memref<2x128xi32, #tpu.memory_space<vmem>>) target_semaphore(%arg18 : memref<!tpu.dma_semaphore, #tpu.memory_space<semaphore_mem>>)
    }
    %scan3A_200 = arith.constant 18 : i32
    %dma_wait3A_201 = arith.constant 0 : i32
    %dma_wait3A_202 = arith.constant 0 : i32
    %dma_wait3A_203 = tpu.memref_slice %arg7[%dma_wait3A_201, %dma_wait3A_202] : memref<2x128xi32, #tpu.memory_space<vmem>> -> memref<1x128xi32, #tpu.memory_space<vmem>>
    %dma_wait3A_204 = tpu.memref_squeeze %dma_wait3A_203 : memref<1x128xi32, #tpu.memory_space<vmem>> -> memref<128xi32, #tpu.memory_space<vmem>>
    %dma_wait3A_205 = arith.constant 0 : i32
    %dma_wait3A_206 = arith.constant 0 : i32
    %dma_wait3A_207 = tpu.memref_slice %arg2[%dma_wait3A_205, %dma_wait3A_206] : memref<10000x128xf32, #tpu.memory_space<hbm>> -> memref<10000x128xf32, #tpu.memory_space<hbm>>
    tpu.wait_indirect_dma semaphore(%arg13 : memref<!tpu.dma_semaphore, #tpu.memory_space<semaphore_mem>>) src(%dma_wait3A_207 : memref<10000x128xf32, #tpu.memory_space<hbm>>) dst(%arg11 : memref<128x128xf32, #tpu.memory_space<vmem>>)
    %dma_start3A_208 = arith.constant 1 : i32
    %dma_start3A_209 = arith.constant 0 : i32
    %dma_start3A_210 = tpu.memref_slice %arg7[%dma_start3A_208, %dma_start3A_209] : memref<2x128xi32, #tpu.memory_space<vmem>> -> memref<1x128xi32, #tpu.memory_space<vmem>>
    %dma_start3A_211 = tpu.memref_squeeze %dma_start3A_210 : memref<1x128xi32, #tpu.memory_space<vmem>> -> memref<128xi32, #tpu.memory_space<vmem>>
    %dma_start3A_212 = arith.constant 0 : i32
    %dma_start3A_213 = arith.constant 0 : i32
    %dma_start3A_214 = tpu.memref_slice %arg6[%dma_start3A_212, %dma_start3A_213] : memref<10240x128xf32, #tpu.memory_space<vmem_shared>> -> memref<10240x128xf32, #tpu.memory_space<vmem_shared>>
    tpu.enqueue_indirect_dma source(%arg11 : memref<128x128xf32, #tpu.memory_space<vmem>>) target(%dma_start3A_214 : memref<10240x128xf32, #tpu.memory_space<vmem_shared>>) offsets(%dma_start3A_211 : memref<128xi32, #tpu.memory_space<vmem>>) semaphore(%arg15 : memref<!tpu.dma_semaphore, #tpu.memory_space<semaphore_mem>>) {add = true}
    %dma_wait3A_215 = arith.constant 0 : i32
    %dma_wait3A_216 = arith.constant 0 : i32
    %dma_wait3A_217 = arith.constant 0 : i32
    %dma_wait3A_218 = tpu.memref_slice %arg3[%add3A, %dma_wait3A_215, %dma_wait3A_216, %dma_wait3A_217] : memref<32x80x2x128xi32, #tpu.memory_space<hbm>> -> memref<1x1x2x128xi32, #tpu.memory_space<hbm>>
    %dma_wait3A_219 = tpu.memref_squeeze %dma_wait3A_218 : memref<1x1x2x128xi32, #tpu.memory_space<hbm>> -> memref<2x128xi32, #tpu.memory_space<hbm>>
    %dma_wait3A_220 = arith.constant 0 : i32
    %dma_wait3A_221 = arith.constant 0 : i32
    %dma_wait3A_222 = tpu.memref_slice %arg3[%add3A, %dma_wait3A_215, %dma_wait3A_220, %dma_wait3A_221] : memref<32x80x2x128xi32, #tpu.memory_space<hbm>> -> memref<1x1x2x128xi32, #tpu.memory_space<hbm>>
    %dma_wait3A_223 = tpu.memref_squeeze %dma_wait3A_222 : memref<1x1x2x128xi32, #tpu.memory_space<hbm>> -> memref<2x128xi32, #tpu.memory_space<hbm>>
    tpu.wait_dma2 semaphore(%arg18 : memref<!tpu.dma_semaphore, #tpu.memory_space<semaphore_mem>>) src(%dma_wait3A_223 : memref<2x128xi32, #tpu.memory_space<hbm>>) dst(%arg8 : memref<2x128xi32, #tpu.memory_space<vmem>>)
    %dma_wait3A_224 = arith.constant 1 : i32
    %dma_wait3A_225 = arith.constant 0 : i32
    %dma_wait3A_226 = tpu.memref_slice %arg8[%dma_wait3A_224, %dma_wait3A_225] : memref<2x128xi32, #tpu.memory_space<vmem>> -> memref<1x128xi32, #tpu.memory_space<vmem>>
    %dma_wait3A_227 = tpu.memref_squeeze %dma_wait3A_226 : memref<1x128xi32, #tpu.memory_space<vmem>> -> memref<128xi32, #tpu.memory_space<vmem>>
    %dma_wait3A_228 = arith.constant 0 : i32
    %dma_wait3A_229 = arith.constant 0 : i32
    %dma_wait3A_230 = tpu.memref_slice %arg6[%dma_wait3A_228, %dma_wait3A_229] : memref<10240x128xf32, #tpu.memory_space<vmem_shared>> -> memref<10240x128xf32, #tpu.memory_space<vmem_shared>>
    tpu.wait_indirect_dma semaphore(%arg16 : memref<!tpu.dma_semaphore, #tpu.memory_space<semaphore_mem>>) src(%arg12 : memref<128x128xf32, #tpu.memory_space<vmem>>) dst(%dma_wait3A_230 : memref<10240x128xf32, #tpu.memory_space<vmem_shared>>)
    %dma_start3A_231 = arith.constant 0 : i32
    %dma_start3A_232 = arith.constant 0 : i32
    %dma_start3A_233 = tpu.memref_slice %arg8[%dma_start3A_231, %dma_start3A_232] : memref<2x128xi32, #tpu.memory_space<vmem>> -> memref<1x128xi32, #tpu.memory_space<vmem>>
    %dma_start3A_234 = tpu.memref_squeeze %dma_start3A_233 : memref<1x128xi32, #tpu.memory_space<vmem>> -> memref<128xi32, #tpu.memory_space<vmem>>
    %dma_start3A_235 = arith.constant 0 : i32
    %dma_start3A_236 = arith.constant 0 : i32
    %dma_start3A_237 = tpu.memref_slice %arg2[%dma_start3A_235, %dma_start3A_236] : memref<10000x128xf32, #tpu.memory_space<hbm>> -> memref<10000x128xf32, #tpu.memory_space<hbm>>
    tpu.enqueue_indirect_dma source(%dma_start3A_237 : memref<10000x128xf32, #tpu.memory_space<hbm>>) target(%arg12 : memref<128x128xf32, #tpu.memory_space<vmem>>) offsets(%dma_start3A_234 : memref<128xi32, #tpu.memory_space<vmem>>) semaphore(%arg14 : memref<!tpu.dma_semaphore, #tpu.memory_space<semaphore_mem>>)
    %dma_start3A_238 = arith.constant 78 : i32
    %dma_start3A_239 = arith.constant 0 : i32
    %dma_start3A_240 = arith.constant 0 : i32
    %dma_start3A_241 = tpu.memref_slice %arg3[%add3A, %dma_start3A_238, %dma_start3A_239, %dma_start3A_240] : memref<32x80x2x128xi32, #tpu.memory_space<hbm>> -> memref<1x1x2x128xi32, #tpu.memory_space<hbm>>
    %dma_start3A_242 = tpu.memref_squeeze %dma_start3A_241 : memref<1x1x2x128xi32, #tpu.memory_space<hbm>> -> memref<2x128xi32, #tpu.memory_space<hbm>>
    %dma_start3A_243 = arith.constant 0 : i32
    %dma_start3A_244 = arith.constant 0 : i32
    %dma_start3A_245 = tpu.memref_slice %arg3[%add3A, %dma_start3A_238, %dma_start3A_243, %dma_start3A_244] : memref<32x80x2x128xi32, #tpu.memory_space<hbm>> -> memref<1x1x2x128xi32, #tpu.memory_space<hbm>>
    %dma_start3A_246 = tpu.memref_squeeze %dma_start3A_245 : memref<1x1x2x128xi32, #tpu.memory_space<hbm>> -> memref<2x128xi32, #tpu.memory_space<hbm>>
    tpu.enqueue_dma source(%dma_start3A_246 : memref<2x128xi32, #tpu.memory_space<hbm>>) target(%arg9 : memref<2x128xi32, #tpu.memory_space<vmem>>) target_semaphore(%arg19 : memref<!tpu.dma_semaphore, #tpu.memory_space<semaphore_mem>>)
    %dma_wait3A_247 = arith.constant 0 : i32
    %dma_wait3A_248 = arith.constant 0 : i32
    %dma_wait3A_249 = tpu.memref_slice %arg8[%dma_wait3A_247, %dma_wait3A_248] : memref<2x128xi32, #tpu.memory_space<vmem>> -> memref<1x128xi32, #tpu.memory_space<vmem>>
    %dma_wait3A_250 = tpu.memref_squeeze %dma_wait3A_249 : memref<1x128xi32, #tpu.memory_space<vmem>> -> memref<128xi32, #tpu.memory_space<vmem>>
    %dma_wait3A_251 = arith.constant 0 : i32
    %dma_wait3A_252 = arith.constant 0 : i32
    %dma_wait3A_253 = tpu.memref_slice %arg2[%dma_wait3A_251, %dma_wait3A_252] : memref<10000x128xf32, #tpu.memory_space<hbm>> -> memref<10000x128xf32, #tpu.memory_space<hbm>>
    tpu.wait_indirect_dma semaphore(%arg14 : memref<!tpu.dma_semaphore, #tpu.memory_space<semaphore_mem>>) src(%dma_wait3A_253 : memref<10000x128xf32, #tpu.memory_space<hbm>>) dst(%arg12 : memref<128x128xf32, #tpu.memory_space<vmem>>)
    %dma_start3A_254 = arith.constant 1 : i32
    %dma_start3A_255 = arith.constant 0 : i32
    %dma_start3A_256 = tpu.memref_slice %arg8[%dma_start3A_254, %dma_start3A_255] : memref<2x128xi32, #tpu.memory_space<vmem>> -> memref<1x128xi32, #tpu.memory_space<vmem>>
    %dma_start3A_257 = tpu.memref_squeeze %dma_start3A_256 : memref<1x128xi32, #tpu.memory_space<vmem>> -> memref<128xi32, #tpu.memory_space<vmem>>
    %dma_start3A_258 = arith.constant 0 : i32
    %dma_start3A_259 = arith.constant 0 : i32
    %dma_start3A_260 = tpu.memref_slice %arg6[%dma_start3A_258, %dma_start3A_259] : memref<10240x128xf32, #tpu.memory_space<vmem_shared>> -> memref<10240x128xf32, #tpu.memory_space<vmem_shared>>
    tpu.enqueue_indirect_dma source(%arg12 : memref<128x128xf32, #tpu.memory_space<vmem>>) target(%dma_start3A_260 : memref<10240x128xf32, #tpu.memory_space<vmem_shared>>) offsets(%dma_start3A_257 : memref<128xi32, #tpu.memory_space<vmem>>) semaphore(%arg16 : memref<!tpu.dma_semaphore, #tpu.memory_space<semaphore_mem>>) {add = true}
    %dma_wait3A_261 = arith.constant 0 : i32
    %dma_wait3A_262 = arith.constant 0 : i32
    %dma_wait3A_263 = arith.constant 0 : i32
    %dma_wait3A_264 = tpu.memref_slice %arg3[%add3A, %dma_wait3A_261, %dma_wait3A_262, %dma_wait3A_263] : memref<32x80x2x128xi32, #tpu.memory_space<hbm>> -> memref<1x1x2x128xi32, #tpu.memory_space<hbm>>
    %dma_wait3A_265 = tpu.memref_squeeze %dma_wait3A_264 : memref<1x1x2x128xi32, #tpu.memory_space<hbm>> -> memref<2x128xi32, #tpu.memory_space<hbm>>
    %dma_wait3A_266 = arith.constant 0 : i32
    %dma_wait3A_267 = arith.constant 0 : i32
    %dma_wait3A_268 = tpu.memref_slice %arg3[%add3A, %dma_wait3A_261, %dma_wait3A_266, %dma_wait3A_267] : memref<32x80x2x128xi32, #tpu.memory_space<hbm>> -> memref<1x1x2x128xi32, #tpu.memory_space<hbm>>
    %dma_wait3A_269 = tpu.memref_squeeze %dma_wait3A_268 : memref<1x1x2x128xi32, #tpu.memory_space<hbm>> -> memref<2x128xi32, #tpu.memory_space<hbm>>
    tpu.wait_dma2 semaphore(%arg19 : memref<!tpu.dma_semaphore, #tpu.memory_space<semaphore_mem>>) src(%dma_wait3A_269 : memref<2x128xi32, #tpu.memory_space<hbm>>) dst(%arg9 : memref<2x128xi32, #tpu.memory_space<vmem>>)
    %dma_wait3A_270 = arith.constant 1 : i32
    %dma_wait3A_271 = arith.constant 0 : i32
    %dma_wait3A_272 = tpu.memref_slice %arg9[%dma_wait3A_270, %dma_wait3A_271] : memref<2x128xi32, #tpu.memory_space<vmem>> -> memref<1x128xi32, #tpu.memory_space<vmem>>
    %dma_wait3A_273 = tpu.memref_squeeze %dma_wait3A_272 : memref<1x128xi32, #tpu.memory_space<vmem>> -> memref<128xi32, #tpu.memory_space<vmem>>
    %dma_wait3A_274 = arith.constant 0 : i32
    %dma_wait3A_275 = arith.constant 0 : i32
    %dma_wait3A_276 = tpu.memref_slice %arg6[%dma_wait3A_274, %dma_wait3A_275] : memref<10240x128xf32, #tpu.memory_space<vmem_shared>> -> memref<10240x128xf32, #tpu.memory_space<vmem_shared>>
    tpu.wait_indirect_dma semaphore(%arg15 : memref<!tpu.dma_semaphore, #tpu.memory_space<semaphore_mem>>) src(%arg11 : memref<128x128xf32, #tpu.memory_space<vmem>>) dst(%dma_wait3A_276 : memref<10240x128xf32, #tpu.memory_space<vmem_shared>>)
    %dma_start3A_277 = arith.constant 0 : i32
    %dma_start3A_278 = arith.constant 0 : i32
    %dma_start3A_279 = tpu.memref_slice %arg9[%dma_start3A_277, %dma_start3A_278] : memref<2x128xi32, #tpu.memory_space<vmem>> -> memref<1x128xi32, #tpu.memory_space<vmem>>
    %dma_start3A_280 = tpu.memref_squeeze %dma_start3A_279 : memref<1x128xi32, #tpu.memory_space<vmem>> -> memref<128xi32, #tpu.memory_space<vmem>>
    %dma_start3A_281 = arith.constant 0 : i32
    %dma_start3A_282 = arith.constant 0 : i32
    %dma_start3A_283 = tpu.memref_slice %arg2[%dma_start3A_281, %dma_start3A_282] : memref<10000x128xf32, #tpu.memory_space<hbm>> -> memref<10000x128xf32, #tpu.memory_space<hbm>>
    tpu.enqueue_indirect_dma source(%dma_start3A_283 : memref<10000x128xf32, #tpu.memory_space<hbm>>) target(%arg11 : memref<128x128xf32, #tpu.memory_space<vmem>>) offsets(%dma_start3A_280 : memref<128xi32, #tpu.memory_space<vmem>>) semaphore(%arg13 : memref<!tpu.dma_semaphore, #tpu.memory_space<semaphore_mem>>)
    %dma_start3A_284 = arith.constant 79 : i32
    %dma_start3A_285 = arith.constant 0 : i32
    %dma_start3A_286 = arith.constant 0 : i32
    %dma_start3A_287 = tpu.memref_slice %arg3[%add3A, %dma_start3A_284, %dma_start3A_285, %dma_start3A_286] : memref<32x80x2x128xi32, #tpu.memory_space<hbm>> -> memref<1x1x2x128xi32, #tpu.memory_space<hbm>>
    %dma_start3A_288 = tpu.memref_squeeze %dma_start3A_287 : memref<1x1x2x128xi32, #tpu.memory_space<hbm>> -> memref<2x128xi32, #tpu.memory_space<hbm>>
    %dma_start3A_289 = arith.constant 0 : i32
    %dma_start3A_290 = arith.constant 0 : i32
    %dma_start3A_291 = tpu.memref_slice %arg3[%add3A, %dma_start3A_284, %dma_start3A_289, %dma_start3A_290] : memref<32x80x2x128xi32, #tpu.memory_space<hbm>> -> memref<1x1x2x128xi32, #tpu.memory_space<hbm>>
    %dma_start3A_292 = tpu.memref_squeeze %dma_start3A_291 : memref<1x1x2x128xi32, #tpu.memory_space<hbm>> -> memref<2x128xi32, #tpu.memory_space<hbm>>
    tpu.enqueue_dma source(%dma_start3A_292 : memref<2x128xi32, #tpu.memory_space<hbm>>) target(%arg10 : memref<2x128xi32, #tpu.memory_space<vmem>>) target_semaphore(%arg20 : memref<!tpu.dma_semaphore, #tpu.memory_space<semaphore_mem>>)
    %dma_wait3A_293 = arith.constant 0 : i32
    %dma_wait3A_294 = arith.constant 0 : i32
    %dma_wait3A_295 = tpu.memref_slice %arg9[%dma_wait3A_293, %dma_wait3A_294] : memref<2x128xi32, #tpu.memory_space<vmem>> -> memref<1x128xi32, #tpu.memory_space<vmem>>
    %dma_wait3A_296 = tpu.memref_squeeze %dma_wait3A_295 : memref<1x128xi32, #tpu.memory_space<vmem>> -> memref<128xi32, #tpu.memory_space<vmem>>
    %dma_wait3A_297 = arith.constant 0 : i32
    %dma_wait3A_298 = arith.constant 0 : i32
    %dma_wait3A_299 = tpu.memref_slice %arg2[%dma_wait3A_297, %dma_wait3A_298] : memref<10000x128xf32, #tpu.memory_space<hbm>> -> memref<10000x128xf32, #tpu.memory_space<hbm>>
    tpu.wait_indirect_dma semaphore(%arg13 : memref<!tpu.dma_semaphore, #tpu.memory_space<semaphore_mem>>) src(%dma_wait3A_299 : memref<10000x128xf32, #tpu.memory_space<hbm>>) dst(%arg11 : memref<128x128xf32, #tpu.memory_space<vmem>>)
    %dma_start3A_300 = arith.constant 1 : i32
    %dma_start3A_301 = arith.constant 0 : i32
    %dma_start3A_302 = tpu.memref_slice %arg9[%dma_start3A_300, %dma_start3A_301] : memref<2x128xi32, #tpu.memory_space<vmem>> -> memref<1x128xi32, #tpu.memory_space<vmem>>
    %dma_start3A_303 = tpu.memref_squeeze %dma_start3A_302 : memref<1x128xi32, #tpu.memory_space<vmem>> -> memref<128xi32, #tpu.memory_space<vmem>>
    %dma_start3A_304 = arith.constant 0 : i32
    %dma_start3A_305 = arith.constant 0 : i32
    %dma_start3A_306 = tpu.memref_slice %arg6[%dma_start3A_304, %dma_start3A_305] : memref<10240x128xf32, #tpu.memory_space<vmem_shared>> -> memref<10240x128xf32, #tpu.memory_space<vmem_shared>>
    tpu.enqueue_indirect_dma source(%arg11 : memref<128x128xf32, #tpu.memory_space<vmem>>) target(%dma_start3A_306 : memref<10240x128xf32, #tpu.memory_space<vmem_shared>>) offsets(%dma_start3A_303 : memref<128xi32, #tpu.memory_space<vmem>>) semaphore(%arg15 : memref<!tpu.dma_semaphore, #tpu.memory_space<semaphore_mem>>) {add = true}
    %dma_wait3A_307 = arith.constant 0 : i32
    %dma_wait3A_308 = arith.constant 0 : i32
    %dma_wait3A_309 = arith.constant 0 : i32
    %dma_wait3A_310 = tpu.memref_slice %arg3[%add3A, %dma_wait3A_307, %dma_wait3A_308, %dma_wait3A_309] : memref<32x80x2x128xi32, #tpu.memory_space<hbm>> -> memref<1x1x2x128xi32, #tpu.memory_space<hbm>>
    %dma_wait3A_311 = tpu.memref_squeeze %dma_wait3A_310 : memref<1x1x2x128xi32, #tpu.memory_space<hbm>> -> memref<2x128xi32, #tpu.memory_space<hbm>>
    %dma_wait3A_312 = arith.constant 0 : i32
    %dma_wait3A_313 = arith.constant 0 : i32
    %dma_wait3A_314 = tpu.memref_slice %arg3[%add3A, %dma_wait3A_307, %dma_wait3A_312, %dma_wait3A_313] : memref<32x80x2x128xi32, #tpu.memory_space<hbm>> -> memref<1x1x2x128xi32, #tpu.memory_space<hbm>>
    %dma_wait3A_315 = tpu.memref_squeeze %dma_wait3A_314 : memref<1x1x2x128xi32, #tpu.memory_space<hbm>> -> memref<2x128xi32, #tpu.memory_space<hbm>>
    tpu.wait_dma2 semaphore(%arg20 : memref<!tpu.dma_semaphore, #tpu.memory_space<semaphore_mem>>) src(%dma_wait3A_315 : memref<2x128xi32, #tpu.memory_space<hbm>>) dst(%arg10 : memref<2x128xi32, #tpu.memory_space<vmem>>)
    %dma_wait3A_316 = arith.constant 1 : i32
    %dma_wait3A_317 = arith.constant 0 : i32
    %dma_wait3A_318 = tpu.memref_slice %arg10[%dma_wait3A_316, %dma_wait3A_317] : memref<2x128xi32, #tpu.memory_space<vmem>> -> memref<1x128xi32, #tpu.memory_space<vmem>>
    %dma_wait3A_319 = tpu.memref_squeeze %dma_wait3A_318 : memref<1x128xi32, #tpu.memory_space<vmem>> -> memref<128xi32, #tpu.memory_space<vmem>>
    %dma_wait3A_320 = arith.constant 0 : i32
    %dma_wait3A_321 = arith.constant 0 : i32
    %dma_wait3A_322 = tpu.memref_slice %arg6[%dma_wait3A_320, %dma_wait3A_321] : memref<10240x128xf32, #tpu.memory_space<vmem_shared>> -> memref<10240x128xf32, #tpu.memory_space<vmem_shared>>
    tpu.wait_indirect_dma semaphore(%arg16 : memref<!tpu.dma_semaphore, #tpu.memory_space<semaphore_mem>>) src(%arg12 : memref<128x128xf32, #tpu.memory_space<vmem>>) dst(%dma_wait3A_322 : memref<10240x128xf32, #tpu.memory_space<vmem_shared>>)
    %dma_start3A_323 = arith.constant 0 : i32
    %dma_start3A_324 = arith.constant 0 : i32
    %dma_start3A_325 = tpu.memref_slice %arg10[%dma_start3A_323, %dma_start3A_324] : memref<2x128xi32, #tpu.memory_space<vmem>> -> memref<1x128xi32, #tpu.memory_space<vmem>>
    %dma_start3A_326 = tpu.memref_squeeze %dma_start3A_325 : memref<1x128xi32, #tpu.memory_space<vmem>> -> memref<128xi32, #tpu.memory_space<vmem>>
    %dma_start3A_327 = arith.constant 0 : i32
    %dma_start3A_328 = arith.constant 0 : i32
    %dma_start3A_329 = tpu.memref_slice %arg2[%dma_start3A_327, %dma_start3A_328] : memref<10000x128xf32, #tpu.memory_space<hbm>> -> memref<10000x128xf32, #tpu.memory_space<hbm>>
    tpu.enqueue_indirect_dma source(%dma_start3A_329 : memref<10000x128xf32, #tpu.memory_space<hbm>>) target(%arg12 : memref<128x128xf32, #tpu.memory_space<vmem>>) offsets(%dma_start3A_326 : memref<128xi32, #tpu.memory_space<vmem>>) semaphore(%arg14 : memref<!tpu.dma_semaphore, #tpu.memory_space<semaphore_mem>>)
    %dma_wait3A_330 = arith.constant 0 : i32
    %dma_wait3A_331 = arith.constant 0 : i32
    %dma_wait3A_332 = tpu.memref_slice %arg10[%dma_wait3A_330, %dma_wait3A_331] : memref<2x128xi32, #tpu.memory_space<vmem>> -> memref<1x128xi32, #tpu.memory_space<vmem>>
    %dma_wait3A_333 = tpu.memref_squeeze %dma_wait3A_332 : memref<1x128xi32, #tpu.memory_space<vmem>> -> memref<128xi32, #tpu.memory_space<vmem>>
    %dma_wait3A_334 = arith.constant 0 : i32
    %dma_wait3A_335 = arith.constant 0 : i32
    %dma_wait3A_336 = tpu.memref_slice %arg2[%dma_wait3A_334, %dma_wait3A_335] : memref<10000x128xf32, #tpu.memory_space<hbm>> -> memref<10000x128xf32, #tpu.memory_space<hbm>>
    tpu.wait_indirect_dma semaphore(%arg14 : memref<!tpu.dma_semaphore, #tpu.memory_space<semaphore_mem>>) src(%dma_wait3A_336 : memref<10000x128xf32, #tpu.memory_space<hbm>>) dst(%arg12 : memref<128x128xf32, #tpu.memory_space<vmem>>)
    %dma_start3A_337 = arith.constant 1 : i32
    %dma_start3A_338 = arith.constant 0 : i32
    %dma_start3A_339 = tpu.memref_slice %arg10[%dma_start3A_337, %dma_start3A_338] : memref<2x128xi32, #tpu.memory_space<vmem>> -> memref<1x128xi32, #tpu.memory_space<vmem>>
    %dma_start3A_340 = tpu.memref_squeeze %dma_start3A_339 : memref<1x128xi32, #tpu.memory_space<vmem>> -> memref<128xi32, #tpu.memory_space<vmem>>
    %dma_start3A_341 = arith.constant 0 : i32
    %dma_start3A_342 = arith.constant 0 : i32
    %dma_start3A_343 = tpu.memref_slice %arg6[%dma_start3A_341, %dma_start3A_342] : memref<10240x128xf32, #tpu.memory_space<vmem_shared>> -> memref<10240x128xf32, #tpu.memory_space<vmem_shared>>
    tpu.enqueue_indirect_dma source(%arg12 : memref<128x128xf32, #tpu.memory_space<vmem>>) target(%dma_start3A_343 : memref<10240x128xf32, #tpu.memory_space<vmem_shared>>) offsets(%dma_start3A_340 : memref<128xi32, #tpu.memory_space<vmem>>) semaphore(%arg16 : memref<!tpu.dma_semaphore, #tpu.memory_space<semaphore_mem>>) {add = true}
    %dma_wait3A_344 = arith.constant 1 : i32
    %dma_wait3A_345 = arith.constant 0 : i32
    %dma_wait3A_346 = tpu.memref_slice %arg9[%dma_wait3A_344, %dma_wait3A_345] : memref<2x128xi32, #tpu.memory_space<vmem>> -> memref<1x128xi32, #tpu.memory_space<vmem>>
    %dma_wait3A_347 = tpu.memref_squeeze %dma_wait3A_346 : memref<1x128xi32, #tpu.memory_space<vmem>> -> memref<128xi32, #tpu.memory_space<vmem>>
    %dma_wait3A_348 = arith.constant 0 : i32
    %dma_wait3A_349 = arith.constant 0 : i32
    %dma_wait3A_350 = tpu.memref_slice %arg6[%dma_wait3A_348, %dma_wait3A_349] : memref<10240x128xf32, #tpu.memory_space<vmem_shared>> -> memref<10240x128xf32, #tpu.memory_space<vmem_shared>>
    tpu.wait_indirect_dma semaphore(%arg15 : memref<!tpu.dma_semaphore, #tpu.memory_space<semaphore_mem>>) src(%arg11 : memref<128x128xf32, #tpu.memory_space<vmem>>) dst(%dma_wait3A_350 : memref<10240x128xf32, #tpu.memory_space<vmem_shared>>)
    %dma_wait3A_351 = arith.constant 1 : i32
    %dma_wait3A_352 = arith.constant 0 : i32
    %dma_wait3A_353 = tpu.memref_slice %arg10[%dma_wait3A_351, %dma_wait3A_352] : memref<2x128xi32, #tpu.memory_space<vmem>> -> memref<1x128xi32, #tpu.memory_space<vmem>>
    %dma_wait3A_354 = tpu.memref_squeeze %dma_wait3A_353 : memref<1x128xi32, #tpu.memory_space<vmem>> -> memref<128xi32, #tpu.memory_space<vmem>>
    %dma_wait3A_355 = arith.constant 0 : i32
    %dma_wait3A_356 = arith.constant 0 : i32
    %dma_wait3A_357 = tpu.memref_slice %arg6[%dma_wait3A_355, %dma_wait3A_356] : memref<10240x128xf32, #tpu.memory_space<vmem_shared>> -> memref<10240x128xf32, #tpu.memory_space<vmem_shared>>
    tpu.wait_indirect_dma semaphore(%arg16 : memref<!tpu.dma_semaphore, #tpu.memory_space<semaphore_mem>>) src(%arg12 : memref<128x128xf32, #tpu.memory_space<vmem>>) dst(%dma_wait3A_357 : memref<10240x128xf32, #tpu.memory_space<vmem_shared>>)
    %barrier3A_358 = arith.constant 0 : index
    tpu.barrier barrier_id(%barrier3A_358)
    %mul3A_359 = arith.constant 640 : i32
    %mul3A_360 = arith.muli %arg1, %mul3A_359 : i32
    %mul3A_361 = arith.constant 640 : i32
    %mul3A_362 = arith.muli %arg1, %mul3A_361 : i32
    "tpu.region"() ({
      %run_scoped3A_363 = tpu.sem_alloc : memref<!tpu.dma_semaphore, #tpu.memory_space<semaphore_mem>>
      %dma_start3A_364 = arith.constant 0 : i32
      %dma_start3A_365 = tpu.memref_slice %arg5[%arg0, %mul3A_362, %dma_start3A_364] : memref<2x10240x128xf32, #tpu.memory_space<hbm>> -> memref<1x640x128xf32, #tpu.memory_space<hbm>>
      %dma_start3A_366 = tpu.memref_squeeze %dma_start3A_365 : memref<1x640x128xf32, #tpu.memory_space<hbm>> -> memref<640x128xf32, #tpu.memory_space<hbm>>
      %dma_start3A_367 = arith.constant 0 : i32
      %dma_start3A_368 = tpu.memref_slice %arg6[%mul3A_360, %dma_start3A_367] : memref<10240x128xf32, #tpu.memory_space<vmem_shared>> -> memref<640x128xf32, #tpu.memory_space<vmem_shared>>
      tpu.enqueue_dma source(%dma_start3A_368 : memref<640x128xf32, #tpu.memory_space<vmem_shared>>) target(%dma_start3A_366 : memref<640x128xf32, #tpu.memory_space<hbm>>) target_semaphore(%run_scoped3A_363 : memref<!tpu.dma_semaphore, #tpu.memory_space<semaphore_mem>>)
      %dma_wait3A_369 = arith.constant 0 : i32
      %dma_wait3A_370 = tpu.memref_slice %arg5[%arg0, %mul3A_362, %dma_wait3A_369] : memref<2x10240x128xf32, #tpu.memory_space<hbm>> -> memref<1x640x128xf32, #tpu.memory_space<hbm>>
      %dma_wait3A_371 = tpu.memref_squeeze %dma_wait3A_370 : memref<1x640x128xf32, #tpu.memory_space<hbm>> -> memref<640x128xf32, #tpu.memory_space<hbm>>
      %dma_wait3A_372 = arith.constant 0 : i32
      %dma_wait3A_373 = tpu.memref_slice %arg6[%mul3A_360, %dma_wait3A_372] : memref<10240x128xf32, #tpu.memory_space<vmem_shared>> -> memref<640x128xf32, #tpu.memory_space<vmem_shared>>
      tpu.wait_dma2 semaphore(%run_scoped3A_363 : memref<!tpu.dma_semaphore, #tpu.memory_space<semaphore_mem>>) src(%dma_wait3A_373 : memref<640x128xf32, #tpu.memory_space<vmem_shared>>) dst(%dma_wait3A_371 : memref<640x128xf32, #tpu.memory_space<hbm>>)
      tpu.yield
    }) : () -> ()
    return
  }
}

module attributes {stable_mosaic.version = 14 : i64} {
  func.func @_tc1_body(%arg0: i32, %arg1: memref<2000x128xf32, #tpu.memory_space<vmem>>, %arg2: memref<128x128xf32, #tpu.memory_space<vmem>>, %arg3: memref<2x2000x16xf32, #tpu.memory_space<vmem>>, %arg4: memref<2000x128xf32, #tpu.memory_space<vmem>>) attributes {dimension_semantics = [#tpu.dimension_semantics<arbitrary>], iteration_bounds = array<i64: 5>, scalar_prefetch = 0 : i64, scratch_operands = 0 : i64, tpu.core_type = #tpu.core_type<tc>, window_params = [{transform_indices = @transform_0, window_bounds = array<i64: 2000, 128>}, {pipeline_mode = #tpu.pipeline_mode<synchronous>, transform_indices = @transform_1, window_bounds = array<i64: 128, 128>}, {transform_indices = @transform_2, window_bounds = array<i64: 2, 2000, 16>}, {transform_indices = @transform_3, window_bounds = array<i64: 2000, 128>}]} {
    %get3A = arith.constant 0 : index
    %get3A_0 = arith.constant 0 : index
    %get3A_1 = vector.load %arg1[%get3A, %get3A_0] : memref<2000x128xf32, #tpu.memory_space<vmem>>, vector<2000x128xf32>
    %get3A_2 = arith.constant 0 : index
    %get3A_3 = arith.constant 0 : index
    %get3A_4 = vector.load %arg2[%get3A_2, %get3A_3] : memref<128x128xf32, #tpu.memory_space<vmem>>, vector<128x128xf32>
    %dot_general3A = arith.constant dense<0.000000e+00> : vector<2000x128xf32>
    %dot_general3A_5 = tpu.matmul %get3A_1, %get3A_4, %dot_general3A {dimension_numbers = #tpu.dot_dimension_numbers<[1], [0], [0], [1], [0, 0, 1, 1], [], []>, transpose_lhs_hint = false} : vector<2000x128xf32>, vector<128x128xf32>, vector<2000x128xf32> -> vector<2000x128xf32>
    %get3A_6 = arith.constant 0 : index
    %get3A_7 = arith.constant 0 : index
    %get3A_8 = arith.constant 0 : index
    %get3A_9 = vector.load %arg3[%get3A_6, %get3A_7, %get3A_8] : memref<2x2000x16xf32, #tpu.memory_space<vmem>>, vector<1x2000x1xf32>
    %get3A_10 = vector.shape_cast %get3A_9 : vector<1x2000x1xf32> to vector<2000xf32>
    %get3A_11 = arith.constant 1 : index
    %get3A_12 = arith.constant 0 : index
    %get3A_13 = arith.constant 0 : index
    %get3A_14 = vector.load %arg3[%get3A_11, %get3A_12, %get3A_13] : memref<2x2000x16xf32, #tpu.memory_space<vmem>>, vector<1x2000x1xf32>
    %get3A_15 = vector.shape_cast %get3A_14 : vector<1x2000x1xf32> to vector<2000xf32>
    %add3A = arith.addf %get3A_10, %get3A_15 : vector<2000xf32>
    %add3A_16 = arith.constant 1.000000e+00 : f32
    %add3A_17 = vector.broadcast %add3A_16 : f32 to vector<2000xf32>
    %add3A_18 = arith.addf %add3A, %add3A_17 : vector<2000xf32>
    %rsqrt3A = math.rsqrt %add3A_18 : vector<2000xf32>
    %broadcast_in_dim3A = vector.shape_cast %rsqrt3A : vector<2000xf32> to vector<2000x1xf32>
    %mul3A = vector.broadcast %broadcast_in_dim3A : vector<2000x1xf32> to vector<2000x128xf32>
    %mul3A_19 = arith.mulf %dot_general3A_5, %mul3A : vector<2000x128xf32>
    %swap3A = arith.constant 0 : index
    %swap3A_20 = arith.constant 0 : index
    %swap3A_21 = vector.load %arg4[%swap3A, %swap3A_20] : memref<2000x128xf32, #tpu.memory_space<vmem>>, vector<2000x128xf32>
    tpu.vector_store %arg4[%swap3A, %swap3A_20], %mul3A_19 {strides = array<i32>} : memref<2000x128xf32, #tpu.memory_space<vmem>>, vector<2000x128xf32>,
    return
  }
  func.func @transform_0(%arg0: i32) -> (i32, i32) {
    %c0_i32 = arith.constant 0 : i32
    %c0_i32_0 = arith.constant 0 : i32
    return %arg0, %c0_i32 : i32, i32
  }
  func.func @transform_1(%arg0: i32) -> (i32, i32) {
    %c0_i32 = arith.constant 0 : i32
    %c0_i32_0 = arith.constant 0 : i32
    %c0_i32_1 = arith.constant 0 : i32
    return %c0_i32, %c0_i32_0 : i32, i32
  }
  func.func @transform_2(%arg0: i32) -> (i32, i32, i32) {
    %c0_i32 = arith.constant 0 : i32
    %c0_i32_0 = arith.constant 0 : i32
    %c0_i32_1 = arith.constant 0 : i32
    return %c0_i32, %arg0, %c0_i32_0 : i32, i32, i32
  }
  func.func @transform_3(%arg0: i32) -> (i32, i32) {
    %c0_i32 = arith.constant 0 : i32
    %c0_i32_0 = arith.constant 0 : i32
    return %arg0, %c0_i32 : i32, i32
  }
}

module attributes {stable_mosaic.version = 14 : i64} {
  func.func @_tc2_body(%arg0: i32, %arg1: memref<2x2000x128xf32, #tpu.memory_space<vmem>>, %arg2: memref<2000x128xf32, #tpu.memory_space<vmem>>, %arg3: memref<2x2000x16xf32, #tpu.memory_space<vmem>>, %arg4: memref<1x128xf32, #tpu.memory_space<vmem>>, %arg5: memref<1x128xf32, #tpu.memory_space<vmem>>, %arg6: memref<1x128xf32, #tpu.memory_space<vmem>>, %arg7: memref<128x128xf32, #tpu.memory_space<vmem>>, %arg8: memref<2000x128xf32, #tpu.memory_space<vmem>>) attributes {dimension_semantics = [#tpu.dimension_semantics<arbitrary>], iteration_bounds = array<i64: 5>, scalar_prefetch = 0 : i64, scratch_operands = 0 : i64, tpu.core_type = #tpu.core_type<tc>, window_params = [{transform_indices = @transform_0, window_bounds = array<i64: 2, 2000, 128>}, {transform_indices = @transform_1, window_bounds = array<i64: 2000, 128>}, {transform_indices = @transform_2, window_bounds = array<i64: 2, 2000, 16>}, {pipeline_mode = #tpu.pipeline_mode<synchronous>, transform_indices = @transform_3, window_bounds = array<i64: 1, 128>}, {pipeline_mode = #tpu.pipeline_mode<synchronous>, transform_indices = @transform_4, window_bounds = array<i64: 1, 128>}, {pipeline_mode = #tpu.pipeline_mode<synchronous>, transform_indices = @transform_5, window_bounds = array<i64: 1, 128>}, {pipeline_mode = #tpu.pipeline_mode<synchronous>, transform_indices = @transform_6, window_bounds = array<i64: 128, 128>}, {transform_indices = @transform_7, window_bounds = array<i64: 2000, 128>}]} {
    %get3A = arith.constant 0 : index
    %get3A_0 = arith.constant 0 : index
    %get3A_1 = arith.constant 0 : index
    %get3A_2 = vector.load %arg3[%get3A, %get3A_0, %get3A_1] : memref<2x2000x16xf32, #tpu.memory_space<vmem>>, vector<1x2000x1xf32>
    %get3A_3 = vector.shape_cast %get3A_2 : vector<1x2000x1xf32> to vector<2000xf32>
    %get3A_4 = arith.constant 1 : index
    %get3A_5 = arith.constant 0 : index
    %get3A_6 = arith.constant 0 : index
    %get3A_7 = vector.load %arg3[%get3A_4, %get3A_5, %get3A_6] : memref<2x2000x16xf32, #tpu.memory_space<vmem>>, vector<1x2000x1xf32>
    %get3A_8 = vector.shape_cast %get3A_7 : vector<1x2000x1xf32> to vector<2000xf32>
    %add3A = arith.addf %get3A_3, %get3A_8 : vector<2000xf32>
    %add3A_9 = arith.constant 1.000000e+00 : f32
    %add3A_10 = vector.broadcast %add3A_9 : f32 to vector<2000xf32>
    %add3A_11 = arith.addf %add3A, %add3A_10 : vector<2000xf32>
    %rsqrt3A = math.rsqrt %add3A_11 : vector<2000xf32>
    %broadcast_in_dim3A = vector.shape_cast %rsqrt3A : vector<2000xf32> to vector<2000x1xf32>
    %get3A_12 = arith.constant 0 : index
    %get3A_13 = arith.constant 0 : index
    %get3A_14 = arith.constant 0 : index
    %get3A_15 = vector.load %arg1[%get3A_12, %get3A_13, %get3A_14] : memref<2x2000x128xf32, #tpu.memory_space<vmem>>, vector<1x2000x128xf32>
    %get3A_16 = vector.shape_cast %get3A_15 : vector<1x2000x128xf32> to vector<2000x128xf32>
    %get3A_17 = arith.constant 1 : index
    %get3A_18 = arith.constant 0 : index
    %get3A_19 = arith.constant 0 : index
    %get3A_20 = vector.load %arg1[%get3A_17, %get3A_18, %get3A_19] : memref<2x2000x128xf32, #tpu.memory_space<vmem>>, vector<1x2000x128xf32>
    %get3A_21 = vector.shape_cast %get3A_20 : vector<1x2000x128xf32> to vector<2000x128xf32>
    %add3A_22 = arith.addf %get3A_16, %get3A_21 : vector<2000x128xf32>
    %get3A_23 = arith.constant 0 : index
    %get3A_24 = arith.constant 0 : index
    %get3A_25 = vector.load %arg2[%get3A_23, %get3A_24] : memref<2000x128xf32, #tpu.memory_space<vmem>>, vector<2000x128xf32>
    %add3A_26 = arith.addf %add3A_22, %get3A_25 : vector<2000x128xf32>
    %mul3A = vector.broadcast %broadcast_in_dim3A : vector<2000x1xf32> to vector<2000x128xf32>
    %mul3A_27 = arith.mulf %add3A_26, %mul3A : vector<2000x128xf32>
    %get3A_28 = arith.constant 0 : index
    %get3A_29 = arith.constant 0 : index
    %get3A_30 = vector.load %arg4[%get3A_28, %get3A_29] : memref<1x128xf32, #tpu.memory_space<vmem>>, vector<1x128xf32>
    %add3A_31 = vector.broadcast %get3A_30 : vector<1x128xf32> to vector<2000x128xf32>
    %add3A_32 = arith.addf %mul3A_27, %add3A_31 : vector<2000x128xf32>
    %sqrt3A = arith.constant 1.000010e+00 : f32
    %sqrt3A_33 = math.sqrt %sqrt3A : f32
    %div3A = arith.constant 1.000000e+00 : f32
    %div3A_34 = arith.divf %div3A, %sqrt3A_33 : f32
    %get3A_35 = arith.constant 0 : index
    %get3A_36 = arith.constant 0 : index
    %get3A_37 = vector.load %arg5[%get3A_35, %get3A_36] : memref<1x128xf32, #tpu.memory_space<vmem>>, vector<1x128xf32>
    %mul3A_38 = vector.broadcast %div3A_34 : f32 to vector<1x128xf32>
    %mul3A_39 = arith.mulf %get3A_37, %mul3A_38 : vector<1x128xf32>
    %mul3A_40 = vector.broadcast %mul3A_39 : vector<1x128xf32> to vector<2000x128xf32>
    %mul3A_41 = arith.mulf %add3A_32, %mul3A_40 : vector<2000x128xf32>
    %get3A_42 = arith.constant 0 : index
    %get3A_43 = arith.constant 0 : index
    %get3A_44 = vector.load %arg6[%get3A_42, %get3A_43] : memref<1x128xf32, #tpu.memory_space<vmem>>, vector<1x128xf32>
    %add3A_45 = vector.broadcast %get3A_44 : vector<1x128xf32> to vector<2000x128xf32>
    %add3A_46 = arith.addf %mul3A_41, %add3A_45 : vector<2000x128xf32>
    %max3A = arith.constant 0.000000e+00 : f32
    %max3A_47 = vector.broadcast %max3A : f32 to vector<2000x128xf32>
    %max3A_48 = arith.maximumf %add3A_46, %max3A_47 : vector<2000x128xf32>
    %get3A_49 = arith.constant 0 : index
    %get3A_50 = arith.constant 0 : index
    %get3A_51 = vector.load %arg7[%get3A_49, %get3A_50] : memref<128x128xf32, #tpu.memory_space<vmem>>, vector<128x128xf32>
    %dot_general3A = arith.constant dense<0.000000e+00> : vector<2000x128xf32>
    %dot_general3A_52 = tpu.matmul %max3A_48, %get3A_51, %dot_general3A {dimension_numbers = #tpu.dot_dimension_numbers<[1], [0], [0], [1], [0, 0, 1, 1], [], []>, transpose_lhs_hint = false} : vector<2000x128xf32>, vector<128x128xf32>, vector<2000x128xf32> -> vector<2000x128xf32>
    %mul3A_53 = vector.broadcast %broadcast_in_dim3A : vector<2000x1xf32> to vector<2000x128xf32>
    %mul3A_54 = arith.mulf %dot_general3A_52, %mul3A_53 : vector<2000x128xf32>
    %swap3A = arith.constant 0 : index
    %swap3A_55 = arith.constant 0 : index
    %swap3A_56 = vector.load %arg8[%swap3A, %swap3A_55] : memref<2000x128xf32, #tpu.memory_space<vmem>>, vector<2000x128xf32>
    tpu.vector_store %arg8[%swap3A, %swap3A_55], %mul3A_54 {strides = array<i32>} : memref<2000x128xf32, #tpu.memory_space<vmem>>, vector<2000x128xf32>,
    return
  }
  func.func @transform_0(%arg0: i32) -> (i32, i32, i32) {
    %c0_i32 = arith.constant 0 : i32
    %c0_i32_0 = arith.constant 0 : i32
    %c0_i32_1 = arith.constant 0 : i32
    return %c0_i32, %arg0, %c0_i32_0 : i32, i32, i32
  }
  func.func @transform_1(%arg0: i32) -> (i32, i32) {
    %c0_i32 = arith.constant 0 : i32
    %c0_i32_0 = arith.constant 0 : i32
    return %arg0, %c0_i32 : i32, i32
  }
  func.func @transform_2(%arg0: i32) -> (i32, i32, i32) {
    %c0_i32 = arith.constant 0 : i32
    %c0_i32_0 = arith.constant 0 : i32
    %c0_i32_1 = arith.constant 0 : i32
    return %c0_i32, %arg0, %c0_i32_0 : i32, i32, i32
  }
  func.func @transform_3(%arg0: i32) -> (i32, i32) {
    %c0_i32 = arith.constant 0 : i32
    %c0_i32_0 = arith.constant 0 : i32
    %c0_i32_1 = arith.constant 0 : i32
    return %c0_i32, %c0_i32_0 : i32, i32
  }
  func.func @transform_4(%arg0: i32) -> (i32, i32) {
    %c0_i32 = arith.constant 0 : i32
    %c0_i32_0 = arith.constant 0 : i32
    %c0_i32_1 = arith.constant 0 : i32
    return %c0_i32, %c0_i32_0 : i32, i32
  }
  func.func @transform_5(%arg0: i32) -> (i32, i32) {
    %c0_i32 = arith.constant 0 : i32
    %c0_i32_0 = arith.constant 0 : i32
    %c0_i32_1 = arith.constant 0 : i32
    return %c0_i32, %c0_i32_0 : i32, i32
  }
  func.func @transform_6(%arg0: i32) -> (i32, i32) {
    %c0_i32 = arith.constant 0 : i32
    %c0_i32_0 = arith.constant 0 : i32
    %c0_i32_1 = arith.constant 0 : i32
    return %c0_i32, %c0_i32_0 : i32, i32
  }
  func.func @transform_7(%arg0: i32) -> (i32, i32) {
    %c0_i32 = arith.constant 0 : i32
    %c0_i32_0 = arith.constant 0 : i32
    return %arg0, %c0_i32 : i32, i32
  }
}

module attributes {stable_mosaic.version = 14 : i64} {
  func.func @_tc3_body(%arg0: i32, %arg1: memref<2x2000x128xf32, #tpu.memory_space<vmem>>, %arg2: memref<2000x128xf32, #tpu.memory_space<vmem>>, %arg3: memref<2x2000x16xf32, #tpu.memory_space<vmem>>, %arg4: memref<1x128xf32, #tpu.memory_space<vmem>>, %arg5: memref<2000x128xf32, #tpu.memory_space<vmem>>, %arg6: memref<2000x128xf32, #tpu.memory_space<vmem>>) attributes {dimension_semantics = [#tpu.dimension_semantics<arbitrary>], iteration_bounds = array<i64: 5>, scalar_prefetch = 0 : i64, scratch_operands = 0 : i64, tpu.core_type = #tpu.core_type<tc>, window_params = [{transform_indices = @transform_0, window_bounds = array<i64: 2, 2000, 128>}, {transform_indices = @transform_1, window_bounds = array<i64: 2000, 128>}, {transform_indices = @transform_2, window_bounds = array<i64: 2, 2000, 16>}, {pipeline_mode = #tpu.pipeline_mode<synchronous>, transform_indices = @transform_3, window_bounds = array<i64: 1, 128>}, {transform_indices = @transform_4, window_bounds = array<i64: 2000, 128>}, {transform_indices = @transform_5, window_bounds = array<i64: 2000, 128>}]} {
    %get3A = arith.constant 0 : index
    %get3A_0 = arith.constant 0 : index
    %get3A_1 = arith.constant 0 : index
    %get3A_2 = vector.load %arg3[%get3A, %get3A_0, %get3A_1] : memref<2x2000x16xf32, #tpu.memory_space<vmem>>, vector<1x2000x1xf32>
    %get3A_3 = vector.shape_cast %get3A_2 : vector<1x2000x1xf32> to vector<2000xf32>
    %get3A_4 = arith.constant 1 : index
    %get3A_5 = arith.constant 0 : index
    %get3A_6 = arith.constant 0 : index
    %get3A_7 = vector.load %arg3[%get3A_4, %get3A_5, %get3A_6] : memref<2x2000x16xf32, #tpu.memory_space<vmem>>, vector<1x2000x1xf32>
    %get3A_8 = vector.shape_cast %get3A_7 : vector<1x2000x1xf32> to vector<2000xf32>
    %add3A = arith.addf %get3A_3, %get3A_8 : vector<2000xf32>
    %add3A_9 = arith.constant 1.000000e+00 : f32
    %add3A_10 = vector.broadcast %add3A_9 : f32 to vector<2000xf32>
    %add3A_11 = arith.addf %add3A, %add3A_10 : vector<2000xf32>
    %rsqrt3A = math.rsqrt %add3A_11 : vector<2000xf32>
    %broadcast_in_dim3A = vector.shape_cast %rsqrt3A : vector<2000xf32> to vector<2000x1xf32>
    %get3A_12 = arith.constant 0 : index
    %get3A_13 = arith.constant 0 : index
    %get3A_14 = arith.constant 0 : index
    %get3A_15 = vector.load %arg1[%get3A_12, %get3A_13, %get3A_14] : memref<2x2000x128xf32, #tpu.memory_space<vmem>>, vector<1x2000x128xf32>
    %get3A_16 = vector.shape_cast %get3A_15 : vector<1x2000x128xf32> to vector<2000x128xf32>
    %get3A_17 = arith.constant 1 : index
    %get3A_18 = arith.constant 0 : index
    %get3A_19 = arith.constant 0 : index
    %get3A_20 = vector.load %arg1[%get3A_17, %get3A_18, %get3A_19] : memref<2x2000x128xf32, #tpu.memory_space<vmem>>, vector<1x2000x128xf32>
    %get3A_21 = vector.shape_cast %get3A_20 : vector<1x2000x128xf32> to vector<2000x128xf32>
    %add3A_22 = arith.addf %get3A_16, %get3A_21 : vector<2000x128xf32>
    %get3A_23 = arith.constant 0 : index
    %get3A_24 = arith.constant 0 : index
    %get3A_25 = vector.load %arg2[%get3A_23, %get3A_24] : memref<2000x128xf32, #tpu.memory_space<vmem>>, vector<2000x128xf32>
    %add3A_26 = arith.addf %add3A_22, %get3A_25 : vector<2000x128xf32>
    %mul3A = vector.broadcast %broadcast_in_dim3A : vector<2000x1xf32> to vector<2000x128xf32>
    %mul3A_27 = arith.mulf %add3A_26, %mul3A : vector<2000x128xf32>
    %get3A_28 = arith.constant 0 : index
    %get3A_29 = arith.constant 0 : index
    %get3A_30 = vector.load %arg4[%get3A_28, %get3A_29] : memref<1x128xf32, #tpu.memory_space<vmem>>, vector<1x128xf32>
    %add3A_31 = vector.broadcast %get3A_30 : vector<1x128xf32> to vector<2000x128xf32>
    %add3A_32 = arith.addf %mul3A_27, %add3A_31 : vector<2000x128xf32>
    %get3A_33 = arith.constant 0 : index
    %get3A_34 = arith.constant 0 : index
    %get3A_35 = vector.load %arg5[%get3A_33, %get3A_34] : memref<2000x128xf32, #tpu.memory_space<vmem>>, vector<2000x128xf32>
    %add3A_36 = arith.addf %add3A_32, %get3A_35 : vector<2000x128xf32>
    %swap3A = arith.constant 0 : index
    %swap3A_37 = arith.constant 0 : index
    %swap3A_38 = vector.load %arg6[%swap3A, %swap3A_37] : memref<2000x128xf32, #tpu.memory_space<vmem>>, vector<2000x128xf32>
    tpu.vector_store %arg6[%swap3A, %swap3A_37], %add3A_36 {strides = array<i32>} : memref<2000x128xf32, #tpu.memory_space<vmem>>, vector<2000x128xf32>,
    return
  }
  func.func @transform_0(%arg0: i32) -> (i32, i32, i32) {
    %c0_i32 = arith.constant 0 : i32
    %c0_i32_0 = arith.constant 0 : i32
    %c0_i32_1 = arith.constant 0 : i32
    return %c0_i32, %arg0, %c0_i32_0 : i32, i32, i32
  }
  func.func @transform_1(%arg0: i32) -> (i32, i32) {
    %c0_i32 = arith.constant 0 : i32
    %c0_i32_0 = arith.constant 0 : i32
    return %arg0, %c0_i32 : i32, i32
  }
  func.func @transform_2(%arg0: i32) -> (i32, i32, i32) {
    %c0_i32 = arith.constant 0 : i32
    %c0_i32_0 = arith.constant 0 : i32
    %c0_i32_1 = arith.constant 0 : i32
    return %c0_i32, %arg0, %c0_i32_0 : i32, i32, i32
  }
  func.func @transform_3(%arg0: i32) -> (i32, i32) {
    %c0_i32 = arith.constant 0 : i32
    %c0_i32_0 = arith.constant 0 : i32
    %c0_i32_1 = arith.constant 0 : i32
    return %c0_i32, %c0_i32_0 : i32, i32
  }
  func.func @transform_4(%arg0: i32) -> (i32, i32) {
    %c0_i32 = arith.constant 0 : i32
    %c0_i32_0 = arith.constant 0 : i32
    return %arg0, %c0_i32 : i32, i32
  }
  func.func @transform_5(%arg0: i32) -> (i32, i32) {
    %c0_i32 = arith.constant 0 : i32
    %c0_i32_0 = arith.constant 0 : i32
    return %arg0, %c0_i32 : i32, i32
  }
}

</mosaic_0001>

<sc_bundles>
// kernel: kernel.11.cloned.1.call-start
scs
__scs_entry_jumppad:
0x0: {  	(pc) =	sbr.rel $0x88, $3  }
0x1: {  	(tag) =	ssettag $0x0;
	lr =	simm.s32 $0x1  }
0x2: {  	[smem:$0x3F99] =	sst lr;
	_ =	strace $0xD0000000  }
0x3: {  	_ = 	snop  }
0x4: {  	_ = 	snop  }
0x5: {  	_ = 	snop  }
0x6: {  	_ = 	snop  }
0x7: {  	_ = 	snop  }
__scs_overlays_trampoline_lowered:
0x8: {  	[smem:$0x3FA8] =	sst s0  }
0x9: {  	[smem:$0x3FA9] =	sst s1  }
0xa: {  	[smem:$0x3FAA] =	sst s2  }
0xb: {  	[smem:$0x3FAB] =	sst s3  }
0xc: {  	[smem:$0x3FAC] =	sst s4  }
0xd: {  	[smem:$0x3FAD] =	sst s5  }
0xe: {  	[smem:$0x3FAE] =	sst s6  }
0xf: {  	[smem:$0x3FAF] =	sst s7  }
0x10: {  	[smem:$0x3FB0] =	sst s8  }
0x11: {  	[smem:$0x3FB1] =	sst s9;
	s0 =	simm.s32 @!p0 $0x0  }
0x12: {  	s1 =	sld [smem:$0x3F97];
	s0 =	simm.s32 @p0 $0x1  }
0x13: {  	[smem:$0x3FB2] =	sst s0;
	s0 =	simm.s32 @!p1 $0x0  }
0x14: {  	s2 =	sld [smem:$0x3F96];
	s0 =	simm.s32 @p1 $0x1  }
0x15: {  	[smem:$0x3FB3] =	sst s0;
	s0 =	simm.s32 @!p2 $0x0  }
0x16: {  	s3 =	sld [smem:$0x3FDB];
	s0 =	simm.s32 @p2 $0x1  }
0x17: {  	s4 =	simm.s32 $0x1BF5;
	[smem:$0x3FB5] =	sst s0  }
0x18: {  	s0 =	sld [smem:$0x3F98];
	_ =	swait.ge [sflag:s4], $0x0  }
0x19: {  	s7 =	sld [smem:$0x3F99]  }
0x1a: {  	s8 =	sadd.s32 $0xFFFFE003, lr  }
0x1b: {  	s9 =	sadd.s32 $0xFFFFFEF7, lr;
	s5 =	simm.s32 $0xFFFFFFFF;
	p2 =	slt.u32 s8, $0xFFFFF086  }
0x1c: {  	p1 =	slt.u32 s9, $0xF7A;
	s5 =	simm.s32 @!p2 $0x0  }
0x1d: {  	s5 =	simm.s32 @p1 $0x1;
	p0 =	seq.s32 s7, s2  }
0x1e: {  	s7 =	smul.u32 @!p0 $0xF7A, s2;
	p2 =	seq.s32 @!p0 s5, $0x0  }
0x1f: {  	s9 =	smul.u32 $0xF7A, s1;
	s8 =	simm.s32 @!p0 $0x1BF5;
	p2 =	por !p2, p0  }
0x20: {  	[sflag:s8] =	ssyncset.s32 @!p0 $0xFFFFF086;
	s6 =	sadd.s32 @!p0 s3, s7;
	s7 =	simm.s32 @!p0 $0x108  }
0x21: {  	s3 =	sadd.s32 s3, s9;
	s6 =	sadd.s32 @!p0 $0x88, s6;
	s7 =	simm.s32 @p2 $0x1082  }
0x22: {  	[simem:s7], [sflag:s8] =	dma.local @!p0 [hbm:s6], $0xF7A  }
0x23: {  	s9 =	sor.u32 $0xD0000000, s2;
	s6 =	simm.s32 $0x108;
	_ =	swait.ge @!p0 [sflag:s8], $0x0  }
0x24: {  	s3 =	sadd.s32 $0x88, s3;
	s6 =	simm.s32 @!p1 $0x1082;
	[sflag:s4] =	ssyncset.s32 $0xFFFFF086  }
0x25: {  	[simem:s6], [sflag:s4] =	dma.local [hbm:s3], $0xF7A  }
0x26: {  	[smem:$0x3F99] =	sst s1;
	(tag) =	ssettag s2;
	_ =	strace s9  }
0x27: {  	s1 =	sld [smem:$0x3FA9]  }
0x28: {  	s2 =	sld [smem:$0x3FAA]  }
0x29: {  	s4 =	sld [smem:$0x3FAC]  }
0x2a: {  	p0 =	seq.s32 s5, $0x0;
	s5 =	sld [smem:$0x3FAD]  }
0x2b: {  	s6 =	sld [smem:$0x3FAE]  }
0x2c: {  	s7 =	sld [smem:$0x3FAF]  }
0x2d: {  	s3 =	simm.s32 $0x108;
	s8 =	sld [smem:$0x3FB0]  }
0x2e: {  	s3 =	simm.s32 @!p0 $0x1082;
	s9 =	sld [smem:$0x3FB1]  }
0x2f: {  	lr =	sadd.s32 s0, s3;
	s0 =	sld [smem:$0x3FA8]  }
0x30: {  	s3 =	sld [smem:$0x3FAB]  }
0x31: {  	[smem:$0x3FB4] =	sst s10  }
0x32: {  	s10 =	sld [smem:$0x3FB2];
	_ =	sdelay $0x3  }
0x33: {  	p0 =	seq.s32 s10, $0x1;
	s10 =	sld [smem:$0x3FB4];
	_ =	sdelay $0x3  }
0x34: {  	[smem:$0x3FB4] =	sst s10  }
0x35: {  	s10 =	sld [smem:$0x3FB3];
	_ =	sdelay $0x3  }
0x36: {  	p1 =	seq.s32 s10, $0x1;
	s10 =	sld [smem:$0x3FB4];
	_ =	sdelay $0x3  }
0x37: {  	[smem:$0x3FB4] =	sst s10  }
0x38: {  	s10 =	sld [smem:$0x3FB5]  }
0x39: {  	_ = 	snop;
	(pc) =	sbr.ind lr, $3  }
0x3a: {  	_ = 	snop  }
0x3b: {  	_ = 	snop  }
0x3c: {  	p2 =	seq.s32 s10, $0x1;
	s10 =	sld [smem:$0x3FB4]  }
0x3d: {  	_ =	shalt  }
0x3e: {  	_ =	shalt  }
0x3f: {  	_ =	shalt  }
0x40: {  	_ =	shalt  }
0x41: {  	_ =	shalt  }
0x42: {  	_ =	shalt  }
0x43: {  	_ =	shalt  }
0x44: {  	_ =	shalt  }
0x45: {  	_ =	shalt  }
0x46: {  	_ =	shalt  }
0x47: {  	_ =	shalt  }
0x48: {  	_ =	shalt  }
0x49: {  	_ =	shalt  }
0x4a: {  	_ =	shalt  }
0x4b: {  	_ =	shalt  }
0x4c: {  	_ =	shalt  }
0x4d: {  	_ =	shalt  }
0x4e: {  	_ =	shalt  }
0x4f: {  	_ =	shalt  }
0x50: {  	_ =	shalt  }
0x51: {  	_ =	shalt  }
0x52: {  	_ =	shalt  }
0x53: {  	_ =	shalt  }
0x54: {  	_ =	shalt  }
0x55: {  	_ =	shalt  }
0x56: {  	_ =	shalt  }
0x57: {  	_ =	shalt  }
0x58: {  	_ =	shalt  }
0x59: {  	_ =	shalt  }
0x5a: {  	_ =	shalt  }
0x5b: {  	_ =	shalt  }
0x5c: {  	_ =	shalt  }
0x5d: {  	_ =	shalt  }
0x5e: {  	_ =	shalt  }
0x5f: {  	_ =	shalt  }
0x60: {  	_ =	shalt  }
0x61: {  	_ =	shalt  }
0x62: {  	_ =	shalt  }
0x63: {  	_ =	shalt  }
0x64: {  	_ =	shalt  }
0x65: {  	_ =	shalt  }
0x66: {  	_ =	shalt  }
0x67: {  	_ =	shalt  }
0x68: {  	_ =	shalt  }
0x69: {  	_ =	shalt  }
0x6a: {  	_ =	shalt  }
0x6b: {  	_ =	shalt  }
0x6c: {  	_ =	shalt  }
0x6d: {  	_ =	shalt  }
0x6e: {  	_ =	shalt  }
0x6f: {  	_ =	shalt  }
0x70: {  	_ =	shalt  }
0x71: {  	_ =	shalt  }
0x72: {  	_ =	shalt  }
0x73: {  	_ =	shalt  }
0x74: {  	_ =	shalt  }
0x75: {  	_ =	shalt  }
0x76: {  	_ =	shalt  }
0x77: {  	_ =	shalt  }
0x78: {  	_ =	shalt  }
0x79: {  	_ =	shalt  }
0x7a: {  	_ =	shalt  }
0x7b: {  	_ =	shalt  }
0x7c: {  	_ =	shalt  }
0x7d: {  	_ =	shalt  }
0x7e: {  	_ =	shalt  }
0x7f: {  	_ =	shalt  }
0x80: {  	_ =	shalt  }
0x81: {  	_ =	shalt  }
0x82: {  	_ =	shalt  }
0x83: {  	_ =	shalt  }
0x84: {  	_ =	shalt  }
0x85: {  	_ =	shalt  }
0x86: {  	_ =	shalt  }
0x87: {  	_ =	shalt  }
.Lfunc_end0:
.L_simem_size_0:
called_computation.1_lowered:
.L_overlay_start_0:
0x88: {  	s2 =	sld [smem:$0x3FD9]  }
0x89: {  	s3 =	sld [smem:$0x3FFE];
	_ =	sdelay $0x1  }
0x8a: {  	s1 =	srdreg.scid  }
0x8b: {  	s0 =	sand.u32 $0x1, s1  }
0x8c: {  	s17 =	sshll.u32 s0, $0xA;
	s2 =	sadd.s32 s3, s2  }
0x8d: {  	s2 =	sadd.s32 s2, s17  }
0x8e: {  	[smem:$0x3FC0] =	sst s2  }
0x8f: {  	_ = 	snop  }
0x90: {  	s2 =	sld [smem:$0x3FD0];
	(tm) =	ssettm $0x1  }
0x91: {  	s18 =	sld [smem:$0x3FFB];
	_ =	sdelay $0x3  }
0x92: {  	_ =	strace s18  }
0x93: {  	s3 =	sld [smem:$0x3FFC];
	_ =	sdelay $0x3  }
0x94: {  	_ =	strace s3  }
0x95: {  	s3 =	sld [smem:$0x3FFD];
	_ =	sdelay $0x3  }
0x96: {  	_ =	strace s3  }
0x97: {  	_ =	strace $0x8FFFFFFF  }
0x98: {  	s19 =	sld [smem:$0x3FDB];
	_ =	sdelay $0x1  }
0x99: {  	s4 =	simm.s32 $_scs_section_size  }
0x9a: {  	s5 =	simm.s32 $_size__tile_overlayer_lowered;
	s6 =	simm.s32 $_tile_overlayer_lowered  }
0x9b: {  	s22 =	simm.s32 $0x1BFF;
	s21 =	sshll.u32 s6, $0x1;
	s3 =	sadd.s32 s4, s19  }
0x9c: {  	s7 =	simm.s32 $0x0;
	s20 =	sshll.u32 s5, $0x1;
	s5 =	sadd.s32 s21, s3  }
0x9d: {  	[timem:s7], [sflag:s22] =	dma.local [hbm:s5], s20  }
0x9e: {  	_ =	swait.ge [sflag:s22], s20  }
0x9f: {  	s4 =	ssub.s32 $0x0, s20;
	[sflag:s22] =	ssyncset.done $0x0  }
0xa0: {  	[sflag:s22] =	ssyncadd.s32 s4;
	_ =	sdelay $0x1  }
0xa1: {  	s23 =	simm.s32 $0x1B8B  }
0xa2: {  	_ =	swait.ge [sflag:s23], $0x1  }
0xa3: {  	[sflag:s23] =	ssyncset.done $0x0  }
0xa4: {  	s25 =	simm.s32 $0x1B8E;
	s24 =	sld [smem:$0x3FFE];
	[sflag:s23] =	ssyncadd.s32 $0xFFFFFFFF  }
0xa5: {  	s26 =	simm.s32 $execute0_lowered;
	[smem:$0x3FD2] =	sst s25  }
0xa6: {  	s5 =	sshll.u32 s26, $0x1;
	_ =	strace $0x80000049;
	[dreg:$0x1] =	wrdreg $0xFFFFFFFF  }
0xa7: {  	s28 =	simm.s32 $_size_execute0_lowered;
	s3 =	sadd.s32 s3, s5;
	[dreg:$0x0] =	wrdreg $0x0  }
0xa8: {  	s5 =	sshll.u32 s28, $0x1;
	[dreg:$0x2] =	wrdreg s3  }
0xa9: {  	[dreg:$0x3] =	wrdreg s5  }
0xaa: {  	[dreg:$0x4] =	wrdreg $0xC0  }
0xab: {  	_ =	task [dreg:s7], $0x5FFFF  }
0xac: {  	[dreg:$0x1] =	wrdreg $0xFFFFFFFF  }
0xad: {  	[dreg:$0x0] =	wrdreg $0x60  }
0xae: {  	[dreg:$0x2] =	wrdreg s2  }
0xaf: {  	[dreg:$0x3] =	wrdreg s24  }
0xb0: {  	[dreg:$0x4] =	wrdreg $0x0  }
0xb1: {  	[dreg:$0x5] =	wrdreg $0x9  }
0xb2: {  	_ =	task.clear_ibuf [dreg:s7], $0x6FFFF;
	_ =	strace $0x90000049  }
0xb3: {  	s29 =	simm.s32 $0x9;
	_ =	strace $0x8000004B  }
0xb4: {  	_ =	swait.ge [sflag:s29], $0x1  }
0xb5: {  	[sflag:s29] =	ssyncadd.s32 $0xFFFFFFFF  }
0xb6: {  	_ =	strace $0x9000004B  }
0xb7: {  	_ =	sfence  }
0xb8: {  	s30 =	sld [smem:$0x0];
	_ =	sdelay $0x2  }
0xb9: {  	s31 =	sshll.u32 s1, $0xD;
	s1 =	sshrl.u32 s1, $0x2  }
0xba: {  	s3 =	sand.u32 $0x4000, s31;
	s1 =	sadd.s32 s1, s30  }
0xbb: {  	s0 =	sor.u32 s3, s0;
	s1 =	sshll.u32 s1, $0x11  }
0xbc: {  	s0 =	sor.u32 s1, s0  }
0xbd: {  	s0 =	sadd.s32 $0x8F2B, s0  }
0xbe: {  	[sflag:s0] =	ssyncadd.remote.s32 $0x1  }
0xbf: {  	_ =	sfence.sel $0xFFFF  }
0xc0: {  	[dreg:$0x0] =	wrdreg $0xFFFFFFFF;
	(pc) =	sbr.abs _section_cstart, $3  }
0xc1: {  	[dreg:$0x1] =	wrdreg $0xFFFFFFFF  }
0xc2: {  	_ =	task.clear_ibuf [dreg:s7], $0x2FFFF;
	_ =	strace $0x9FFFFFFF  }
0xc3: {  	(tm) =	ssettm $0x7FFFFFFF  }
tec
execute0_lowered:
.L_overlay_start_1:
0x0: {  	(tag) =	ssettag $0x1  }
0x1: {  	s2 =	rddreg [dreg:$0x0]  }
0x2: {  	s0 =	rddreg [dreg:$0x1]  }
0x3: {  	s3 =	rddreg [dreg:$0x2]  }
0x4: {  	s11 =	stileid.u32;
	s1 =	srdreg.scid;
	s4 =	simm.s32 $0x0  }
0x5: {  	s28 =	simm.s32 $0x6;
	s29 =	simm.s32 $0x18400;
	s5 =	smul.u32 $0x14000, s11  }
0x6: {  	s30 =	simm.s32 $0x14200;
	s31 =	simm.s32 $0x2;
	s14 =	smul.u32 $0x50000, s11  }
0x7: {  	s13 =	simm.s32 $0x0;
	s1 =	sand.u32 $0x1, s1;
	s15 =	smul.u32 $0x5000, s11  }
0x8: {  	[smem:$0x7FF] =	sst s4;
	s8 =	sadd.s32 $0x12000, s0;
	s6 =	smul.u32 $0x140000, s1  }
0x9: {  	_ =	strace $0x8000004A;
	s7 =	sshll.u32 s1, $0x4;
	s9 =	ssub.s32 $0x2, s1  }
0xa: {  	s1 =	smul.u32 $0x50000, s1;
	s7 =	sor.u32 s11, s7;
	s10 =	sshrl.u32 s9, $0x1  }
0xb: {  	s11 =	simm.s32 $0x14380;
	s6 =	sadd.s32 s5, s6;
	s5 =	sshrl.u32 s5, $0x3  }
0xc: {  	s7 =	smul.u32 $0x5000, s7;
	s9 =	ssub.s32 s9, s10;
	s1 =	sadd.s32 s15, s1  }
0xd: {  	s10 =	simm.s32 $0x4;
	s6 =	sshrl.u32 s6, $0x3;
	s5 =	sadd.s32 s5, s0  }
0xe: {  	s19 =	sor.u32 $0x900, s1;
	s24 =	smax.u32 s9, $0x1;
	s25 =	sor.u32 $0x800, s1  }
0xf: {  	s26 =	sor.u32 $0x700, s1;
	s1 =	sor.u32 $0x600, s1;
	s0 =	sadd.s32 s6, s0  }
0x10: {  	s6 =	sshrl.u32 s14, $0x2;
	s5 =	sadd.s32 $0x76000, s5;
	[dreg:$0x10] =	wrdreg s24  }
0x11: {  	s7 =	sshrl.u32 s7, $0x3;
	s6 =	sadd.s32 s6, s3;
	[dreg:$0x8] =	wrdreg s5  }
0x12: {  	s9 =	simm.s32 $0x8;
	s12 =	sadd.s32 s8, s7;
	[dreg:$0x7] =	wrdreg s6  }
0x13: {  	s1 =	sshrl.u32 s1, $0x3;
	s0 =	sadd.s32 $0x9E000, s0;
	[dreg:$0x5] =	wrdreg s12  }
0x14: {  	s24 =	simm.s32 $0x14100;
	s16 =	sadd.s32 $0x20, s12;
	[dreg:$0xf] =	wrdreg s0  }
0x15: {  	s5 =	sshrl.u32 s19, $0x3;
	s17 =	sadd.s32 $0x40, s12;
	[dreg:$0x6] =	wrdreg s16  }
0x16: {  	s19 =	sadd.s32 s1, s8;
	s18 =	sadd.s32 $0x60, s12;
	[dreg:$0x9] =	wrdreg s17  }
0x17: {  	s1 =	simm.s32 $0x7;
	s20 =	sadd.s32 $0x80, s12;
	[dreg:$0xa] =	wrdreg s18  }
0x18: {  	s7 =	simm.s32 $0x14300;
	s21 =	sadd.s32 $0xA0, s12;
	[dreg:$0xb] =	wrdreg s20  }
0x19: {  	s22 =	sadd.s32 $0x9C0, s12;
	s23 =	sadd.s32 $0x9E0, s12;
	[dreg:$0xc] =	wrdreg s21  }
0x1a: {  	s5 =	sadd.s32 s5, s8;
	s0 =	sshrl.u32 s25, $0x3;
	[dreg:$0xd] =	wrdreg s22  }
0x1b: {  	s25 =	simm.s32 $0x1;
	s6 =	simm.s32 $0x3;
	[dreg:$0xe] =	wrdreg s23  }
0x1c: {  	s12 =	simm.s32 $0x5;
	[dreg:$0x4] =	wrdreg s5;
	s5 =	sshrl.u32 s26, $0x3  }
0x1d: {  	s17 =	sadd.s32 s0, s8;
	s20 =	simm.s32 $0x14000;
	s21 =	simm.s32 $0x9  }
0x1e: {  	s22 =	simm.s32 $0x80;
	s23 =	simm.s32 $0x14400;
	s26 =	simm.s32 $0x14080  }
0x1f: {  	s0 =	simm.s32 $0x14180;
	s18 =	sadd.s32 s5, s8;
	s8 =	simm.s32 $0x14280  }
.LBB2_1:
0x20: {  	s5 =	rddreg [dreg:$0x5]  }
0x21: {  	[tilespmem:s20], [sflag:$0x9] =	stream.linear.gather [hbm4b:s5+s4], $0x100, $0x38;
	[tilespmem:$0x1C400] =	vst v63  }
0x22: {  	s14 =	stileid.u32;
	_ =	swait.ge [sflag:s21], $0x100  }
0x23: {  	s5 =	sshll.u32 s14, $0x6;
	[sflag:s21] =	ssyncset.done $0x0;
	s16 =	rddreg [dreg:$0x6]  }
0x24: {  	s14 =	sor.u32 $0x1C09, s5;
	s15 =	rddreg [dreg:$0x7];
	[sflag:s21] =	ssyncadd.s32 $0xFFFFFF00  }
0x25: {  	[tilespmem:s23], [sflag:$0x1] =	stream.indirect.gather [hbm4b:s2+s22], $0x80, s20, s22, $0xb8;
	[tilespmem:$0x1C400] =	vst v63  }
0x26: {  	[dreg:$0x11] =	wrdreg s14  }
0x27: {  	[tilespmem:s24], [sflag:$0x6] =	stream.linear.gather [hbm4b:s16+s4], $0x100, $0x38;
	[tilespmem:$0x1C400] =	vst v63  }
0x28: {  	s15 =	sshrl.u32 s15, $0x3;
	s16 =	rddreg [dreg:$0x8]  }
0x29: {  	[spmem:s15], [sflag:s14] =	dma.local [hbm:s16], $0x2800  }
0x2a: {  	_ =	swait.ge [sflag:s21], $0x2800  }
0x2b: {  	[sflag:s21] =	ssyncset.done $0x0  }
0x2c: {  	[sflag:s21] =	ssyncadd.s32 $0xFFFFD800  }
0x2d: {  	[bflag:$0x0] =	sbarrier.arrive $0xFFFF  }
0x2e: {  	_ =	swait.ge [sflag:s25], $0x4000  }
0x2f: {  	[sflag:s25] =	ssyncset.done $0x0  }
0x30: {  	[sflag:s25] =	ssyncadd.s32 $0xFFFFC000  }
0x31: {  	[spmem:s3] =	stream.indirect.scatter.add.f32 [tilespmem:s23], [sflag:$0x3], $0x80, s26, s22, $0xb8;
	[tilespmem:$0x1C400] =	vst v63  }
0x32: {  	_ =	swait.ge [sflag:s28], $0x100  }
0x33: {  	[sflag:s28] =	ssyncset.done $0x0  }
0x34: {  	[sflag:s28] =	ssyncadd.s32 $0xFFFFFF00  }
0x35: {  	[tilespmem:s29], [sflag:$0x2] =	stream.indirect.gather [hbm4b:s2+s22], $0x80, s24, s22, $0xb8;
	[tilespmem:$0x1C400] =	vst v63  }
0x36: {  	s16 =	rddreg [dreg:$0x9]  }
0x37: {  	[tilespmem:s30], [sflag:$0x7] =	stream.linear.gather [hbm4b:s16+s4], $0x100, $0x38;
	[tilespmem:$0x1C400] =	vst v63  }
0x38: {  	_ =	swait.ge [sflag:s31], $0x4000  }
0x39: {  	[sflag:s31] =	ssyncset.done $0x0  }
0x3a: {  	[sflag:s31] =	ssyncadd.s32 $0xFFFFC000  }
0x3b: {  	[spmem:s3] =	stream.indirect.scatter.add.f32 [tilespmem:s29], [sflag:$0x4], $0x80, s0, s22, $0xb8;
	[tilespmem:$0x1C400] =	vst v63  }
0x3c: {  	_ =	swait.ge [sflag:s1], $0x100  }
0x3d: {  	[sflag:s1] =	ssyncset.done $0x0  }
0x3e: {  	[sflag:s1] =	ssyncadd.s32 $0xFFFFFF00  }
0x3f: {  	_ =	swait.ge [sflag:s6], $0x4000  }
0x40: {  	[sflag:s6] =	ssyncset.done $0x0  }
0x41: {  	[sflag:s6] =	ssyncadd.s32 $0xFFFFC000  }
0x42: {  	[tilespmem:s23], [sflag:$0x1] =	stream.indirect.gather [hbm4b:s2+s22], $0x80, s30, s22, $0xb8;
	[tilespmem:$0x1C400] =	vst v63  }
0x43: {  	s14 =	rddreg [dreg:$0xa]  }
0x44: {  	[tilespmem:s7], [sflag:$0x8] =	stream.linear.gather [hbm4b:s14+s4], $0x100, $0x38;
	[tilespmem:$0x1C400] =	vst v63  }
0x45: {  	_ =	swait.ge [sflag:s25], $0x4000  }
0x46: {  	[sflag:s25] =	ssyncset.done $0x0  }
0x47: {  	[sflag:s25] =	ssyncadd.s32 $0xFFFFC000  }
0x48: {  	[spmem:s3] =	stream.indirect.scatter.add.f32 [tilespmem:s23], [sflag:$0x3], $0x80, s8, s22, $0xb8;
	[tilespmem:$0x1C400] =	vst v63  }
0x49: {  	_ =	swait.ge [sflag:s9], $0x100  }
0x4a: {  	[sflag:s9] =	ssyncset.done $0x0  }
0x4b: {  	[sflag:s9] =	ssyncadd.s32 $0xFFFFFF00  }
0x4c: {  	_ =	swait.ge [sflag:s10], $0x4000  }
0x4d: {  	[sflag:s10] =	ssyncset.done $0x0  }
0x4e: {  	[sflag:s10] =	ssyncadd.s32 $0xFFFFC000  }
0x4f: {  	[tilespmem:s29], [sflag:$0x2] =	stream.indirect.gather [hbm4b:s2+s22], $0x80, s7, s22, $0xb8;
	[tilespmem:$0x1C400] =	vst v63  }
0x50: {  	s16 =	rddreg [dreg:$0xb]  }
0x51: {  	[tilespmem:s20], [sflag:$0x5] =	stream.linear.gather [hbm4b:s16+s4], $0x100, $0x38;
	[tilespmem:$0x1C400] =	vst v63  }
0x52: {  	_ =	swait.ge [sflag:s31], $0x4000  }
0x53: {  	[sflag:s31] =	ssyncset.done $0x0  }
0x54: {  	[sflag:s31] =	ssyncadd.s32 $0xFFFFC000  }
0x55: {  	[spmem:s3] =	stream.indirect.scatter.add.f32 [tilespmem:s29], [sflag:$0x4], $0x80, s11, s22, $0xb8;
	[tilespmem:$0x1C400] =	vst v63  }
0x56: {  	_ =	swait.ge [sflag:s12], $0x100  }
0x57: {  	[sflag:s12] =	ssyncset.done $0x0  }
0x58: {  	[sflag:s12] =	ssyncadd.s32 $0xFFFFFF00  }
0x59: {  	_ =	swait.ge [sflag:s6], $0x4000  }
0x5a: {  	[sflag:s6] =	ssyncset.done $0x0  }
0x5b: {  	[sflag:s6] =	ssyncadd.s32 $0xFFFFC000  }
0x5c: {  	[tilespmem:s23], [sflag:$0x1] =	stream.indirect.gather [hbm4b:s2+s22], $0x80, s20, s22, $0xb8;
	[tilespmem:$0x1C400] =	vst v63  }
0x5d: {  	s14 =	rddreg [dreg:$0xc]  }
0x5e: {  	[tilespmem:s24], [sflag:$0x6] =	stream.linear.gather [hbm4b:s14+s4], $0x100, $0x38;
	[tilespmem:$0x1C400] =	vst v63  }
0x5f: {  	_ =	swait.ge [sflag:s25], $0x4000  }
0x60: {  	[sflag:s25] =	ssyncset.done $0x0  }
0x61: {  	[sflag:s25] =	ssyncadd.s32 $0xFFFFC000  }
0x62: {  	[spmem:s3] =	stream.indirect.scatter.add.f32 [tilespmem:s23], [sflag:$0x3], $0x80, s26, s22, $0xb8;
	[tilespmem:$0x1C400] =	vst v63  }
0x63: {  	_ =	swait.ge [sflag:s28], $0x100  }
0x64: {  	[sflag:s28] =	ssyncset.done $0x0  }
0x65: {  	[sflag:s28] =	ssyncadd.s32 $0xFFFFFF00  }
0x66: {  	_ =	swait.ge [sflag:s10], $0x4000  }
0x67: {  	[sflag:s10] =	ssyncset.done $0x0  }
0x68: {  	[sflag:s10] =	ssyncadd.s32 $0xFFFFC000  }
0x69: {  	[tilespmem:s29], [sflag:$0x2] =	stream.indirect.gather [hbm4b:s2+s22], $0x80, s24, s22, $0xb8;
	[tilespmem:$0x1C400] =	vst v63  }
0x6a: {  	s16 =	sadd.s32 $0x0, s19  }
0x6b: {  	[tilespmem:s30], [sflag:$0x7] =	stream.linear.gather [hbm4b:s16+s4], $0x100, $0x38;
	[tilespmem:$0x1C400] =	vst v63  }
0x6c: {  	_ =	swait.ge [sflag:s31], $0x4000  }
0x6d: {  	[sflag:s31] =	ssyncset.done $0x0  }
0x6e: {  	[sflag:s31] =	ssyncadd.s32 $0xFFFFC000  }
0x6f: {  	[spmem:s3] =	stream.indirect.scatter.add.f32 [tilespmem:s29], [sflag:$0x4], $0x80, s0, s22, $0xb8;
	[tilespmem:$0x1C400] =	vst v63  }
0x70: {  	_ =	swait.ge [sflag:s1], $0x100  }
0x71: {  	[sflag:s1] =	ssyncset.done $0x0  }
0x72: {  	[sflag:s1] =	ssyncadd.s32 $0xFFFFFF00  }
0x73: {  	_ =	swait.ge [sflag:s6], $0x4000  }
0x74: {  	[sflag:s6] =	ssyncset.done $0x0  }
0x75: {  	[sflag:s6] =	ssyncadd.s32 $0xFFFFC000  }
0x76: {  	[tilespmem:s23], [sflag:$0x1] =	stream.indirect.gather [hbm4b:s2+s22], $0x80, s30, s22, $0xb8;
	[tilespmem:$0x1C400] =	vst v63  }
0x77: {  	s14 =	sadd.s32 $0x0, s18  }
0x78: {  	[tilespmem:s7], [sflag:$0x8] =	stream.linear.gather [hbm4b:s14+s4], $0x100, $0x38;
	[tilespmem:$0x1C400] =	vst v63  }
0x79: {  	_ =	swait.ge [sflag:s25], $0x4000  }
0x7a: {  	[sflag:s25] =	ssyncset.done $0x0  }
0x7b: {  	[sflag:s25] =	ssyncadd.s32 $0xFFFFC000  }
0x7c: {  	[spmem:s3] =	stream.indirect.scatter.add.f32 [tilespmem:s23], [sflag:$0x3], $0x80, s8, s22, $0xb8;
	[tilespmem:$0x1C400] =	vst v63  }
0x7d: {  	_ =	swait.ge [sflag:s9], $0x100  }
0x7e: {  	[sflag:s9] =	ssyncset.done $0x0  }
0x7f: {  	[sflag:s9] =	ssyncadd.s32 $0xFFFFFF00  }
0x80: {  	_ =	swait.ge [sflag:s10], $0x4000  }
0x81: {  	[sflag:s10] =	ssyncset.done $0x0  }
0x82: {  	[sflag:s10] =	ssyncadd.s32 $0xFFFFC000  }
0x83: {  	[tilespmem:s29], [sflag:$0x2] =	stream.indirect.gather [hbm4b:s2+s22], $0x80, s7, s22, $0xb8;
	[tilespmem:$0x1C400] =	vst v63  }
0x84: {  	s16 =	sadd.s32 $0x0, s17  }
0x85: {  	[tilespmem:s20], [sflag:$0x5] =	stream.linear.gather [hbm4b:s16+s4], $0x100, $0x38;
	[tilespmem:$0x1C400] =	vst v63  }
0x86: {  	_ =	swait.ge [sflag:s31], $0x4000  }
0x87: {  	[sflag:s31] =	ssyncset.done $0x0  }
0x88: {  	[sflag:s31] =	ssyncadd.s32 $0xFFFFC000  }
0x89: {  	[spmem:s3] =	stream.indirect.scatter.add.f32 [tilespmem:s29], [sflag:$0x4], $0x80, s11, s22, $0xb8;
	[tilespmem:$0x1C400] =	vst v63  }
0x8a: {  	_ =	swait.ge [sflag:s12], $0x100  }
0x8b: {  	[sflag:s12] =	ssyncset.done $0x0  }
0x8c: {  	[sflag:s12] =	ssyncadd.s32 $0xFFFFFF00  }
0x8d: {  	_ =	swait.ge [sflag:s6], $0x4000  }
0x8e: {  	[sflag:s6] =	ssyncset.done $0x0;
	s14 =	rddreg [dreg:$0x4]  }
0x8f: {  	s16 =	simm.s32 $0x80;
	[sflag:s6] =	ssyncadd.s32 $0xFFFFC000;
	s5 =	sadd.s32 $0x0, s14  }
0x90: {  	[tilespmem:s23], [sflag:$0x1] =	stream.indirect.gather [hbm4b:s2+s22], $0x80, s20, s22, $0xb8;
	[tilespmem:$0x1C400] =	vst v63  }
.LBB2_2:
0x91: {  	[tilespmem:s24], [sflag:$0x6] =	stream.linear.gather [hbm4b:s5+s4], $0x100, $0x38;
	[tilespmem:$0x1C400] =	vst v63  }
0x92: {  	_ =	swait.ge [sflag:s25], $0x4000  }
0x93: {  	[sflag:s25] =	ssyncset.done $0x0  }
0x94: {  	[sflag:s25] =	ssyncadd.s32 $0xFFFFC000  }
0x95: {  	[spmem:s3] =	stream.indirect.scatter.add.f32 [tilespmem:s23], [sflag:$0x3], $0x80, s26, s22, $0xb8;
	[tilespmem:$0x1C400] =	vst v63  }
0x96: {  	_ =	swait.ge [sflag:s28], $0x100  }
0x97: {  	[sflag:s28] =	ssyncset.done $0x0  }
0x98: {  	[sflag:s28] =	ssyncadd.s32 $0xFFFFFF00  }
0x99: {  	_ =	swait.ge [sflag:s10], $0x4000  }
0x9a: {  	[sflag:s10] =	ssyncset.done $0x0  }
0x9b: {  	s5 =	smov.u32 s16;
	[sflag:s10] =	ssyncadd.s32 $0xFFFFC000  }
0x9c: {  	[tilespmem:s29], [sflag:$0x2] =	stream.indirect.gather [hbm4b:s2+s22], $0x80, s24, s22, $0xb8;
	[tilespmem:$0x1C400] =	vst v63  }
0x9d: {  	s14 =	sadd.s32 s5, s19  }
0x9e: {  	[tilespmem:s30], [sflag:$0x7] =	stream.linear.gather [hbm4b:s14+s4], $0x100, $0x38;
	[tilespmem:$0x1C400] =	vst v63  }
0x9f: {  	_ =	swait.ge [sflag:s31], $0x4000  }
0xa0: {  	[sflag:s31] =	ssyncset.done $0x0  }
0xa1: {  	[sflag:s31] =	ssyncadd.s32 $0xFFFFC000  }
0xa2: {  	[spmem:s3] =	stream.indirect.scatter.add.f32 [tilespmem:s29], [sflag:$0x4], $0x80, s0, s22, $0xb8;
	[tilespmem:$0x1C400] =	vst v63  }
0xa3: {  	_ =	swait.ge [sflag:s1], $0x100  }
0xa4: {  	[sflag:s1] =	ssyncset.done $0x0  }
0xa5: {  	[sflag:s1] =	ssyncadd.s32 $0xFFFFFF00  }
0xa6: {  	_ =	swait.ge [sflag:s6], $0x4000  }
0xa7: {  	[sflag:s6] =	ssyncset.done $0x0  }
0xa8: {  	[sflag:s6] =	ssyncadd.s32 $0xFFFFC000  }
0xa9: {  	[tilespmem:s23], [sflag:$0x1] =	stream.indirect.gather [hbm4b:s2+s22], $0x80, s30, s22, $0xb8;
	[tilespmem:$0x1C400] =	vst v63  }
0xaa: {  	s14 =	sadd.s32 s5, s18  }
0xab: {  	[tilespmem:s7], [sflag:$0x8] =	stream.linear.gather [hbm4b:s14+s4], $0x100, $0x38;
	[tilespmem:$0x1C400] =	vst v63  }
0xac: {  	_ =	swait.ge [sflag:s25], $0x4000  }
0xad: {  	[sflag:s25] =	ssyncset.done $0x0  }
0xae: {  	[sflag:s25] =	ssyncadd.s32 $0xFFFFC000  }
0xaf: {  	[spmem:s3] =	stream.indirect.scatter.add.f32 [tilespmem:s23], [sflag:$0x3], $0x80, s8, s22, $0xb8;
	[tilespmem:$0x1C400] =	vst v63  }
0xb0: {  	_ =	swait.ge [sflag:s9], $0x100  }
0xb1: {  	[sflag:s9] =	ssyncset.done $0x0  }
0xb2: {  	[sflag:s9] =	ssyncadd.s32 $0xFFFFFF00  }
0xb3: {  	_ =	swait.ge [sflag:s10], $0x4000  }
0xb4: {  	[sflag:s10] =	ssyncset.done $0x0  }
0xb5: {  	[sflag:s10] =	ssyncadd.s32 $0xFFFFC000  }
0xb6: {  	[tilespmem:s29], [sflag:$0x2] =	stream.indirect.gather [hbm4b:s2+s22], $0x80, s7, s22, $0xb8;
	[tilespmem:$0x1C400] =	vst v63  }
0xb7: {  	s14 =	sadd.s32 s5, s17  }
0xb8: {  	[tilespmem:s20], [sflag:$0x5] =	stream.linear.gather [hbm4b:s14+s4], $0x100, $0x38;
	[tilespmem:$0x1C400] =	vst v63  }
0xb9: {  	_ =	swait.ge [sflag:s31], $0x4000  }
0xba: {  	[sflag:s31] =	ssyncset.done $0x0  }
0xbb: {  	[sflag:s31] =	ssyncadd.s32 $0xFFFFC000  }
0xbc: {  	[spmem:s3] =	stream.indirect.scatter.add.f32 [tilespmem:s29], [sflag:$0x4], $0x80, s11, s22, $0xb8;
	[tilespmem:$0x1C400] =	vst v63  }
0xbd: {  	_ =	swait.ge [sflag:s12], $0x100  }
0xbe: {  	p0 =	sne.s32 s16, $0x880;
	[sflag:s12] =	ssyncset.done $0x0  }
.Ltmp0:
0xbf: {  	[sflag:s12] =	ssyncadd.s32 $0xFFFFFF00;
	(pc) =	sbr.rel @p0 .LBB2_2-.Ltmp0, $4  }
0xc0: {  	_ =	swait.ge [sflag:s6], $0x4000  }
0xc1: {  	[sflag:s6] =	ssyncset.done $0x0;
	s14 =	rddreg [dreg:$0x4]  }
0xc2: {  	s16 =	sadd.s32 $0x80, s16;
	[sflag:s6] =	ssyncadd.s32 $0xFFFFC000;
	s5 =	sadd.s32 s5, s14  }
0xc3: {  	[tilespmem:s23], [sflag:$0x1] =	stream.indirect.gather [hbm4b:s2+s22], $0x80, s20, s22, $0xb8;
	[tilespmem:$0x1C400] =	vst v63  }
0xc4: {  	[tilespmem:s24], [sflag:$0x6] =	stream.linear.gather [hbm4b:s5+s4], $0x100, $0x38;
	[tilespmem:$0x1C400] =	vst v63  }
0xc5: {  	_ =	swait.ge [sflag:s25], $0x4000  }
0xc6: {  	[sflag:s25] =	ssyncset.done $0x0  }
0xc7: {  	[sflag:s25] =	ssyncadd.s32 $0xFFFFC000  }
0xc8: {  	[spmem:s3] =	stream.indirect.scatter.add.f32 [tilespmem:s23], [sflag:$0x3], $0x80, s26, s22, $0xb8;
	[tilespmem:$0x1C400] =	vst v63  }
0xc9: {  	_ =	swait.ge [sflag:s28], $0x100  }
0xca: {  	[sflag:s28] =	ssyncset.done $0x0  }
0xcb: {  	[sflag:s28] =	ssyncadd.s32 $0xFFFFFF00  }
0xcc: {  	_ =	swait.ge [sflag:s10], $0x4000  }
0xcd: {  	[sflag:s10] =	ssyncset.done $0x0  }
0xce: {  	[sflag:s10] =	ssyncadd.s32 $0xFFFFC000  }
0xcf: {  	[tilespmem:s29], [sflag:$0x2] =	stream.indirect.gather [hbm4b:s2+s22], $0x80, s24, s22, $0xb8;
	[tilespmem:$0x1C400] =	vst v63  }
0xd0: {  	s16 =	rddreg [dreg:$0xd]  }
0xd1: {  	[tilespmem:s30], [sflag:$0x7] =	stream.linear.gather [hbm4b:s16+s4], $0x100, $0x38;
	[tilespmem:$0x1C400] =	vst v63  }
0xd2: {  	_ =	swait.ge [sflag:s31], $0x4000  }
0xd3: {  	[sflag:s31] =	ssyncset.done $0x0  }
0xd4: {  	[sflag:s31] =	ssyncadd.s32 $0xFFFFC000  }
0xd5: {  	[spmem:s3] =	stream.indirect.scatter.add.f32 [tilespmem:s29], [sflag:$0x4], $0x80, s0, s22, $0xb8;
	[tilespmem:$0x1C400] =	vst v63  }
0xd6: {  	_ =	swait.ge [sflag:s1], $0x100  }
0xd7: {  	[sflag:s1] =	ssyncset.done $0x0  }
0xd8: {  	[sflag:s1] =	ssyncadd.s32 $0xFFFFFF00  }
0xd9: {  	_ =	swait.ge [sflag:s6], $0x4000  }
0xda: {  	[sflag:s6] =	ssyncset.done $0x0  }
0xdb: {  	[sflag:s6] =	ssyncadd.s32 $0xFFFFC000  }
0xdc: {  	[tilespmem:s23], [sflag:$0x1] =	stream.indirect.gather [hbm4b:s2+s22], $0x80, s30, s22, $0xb8;
	[tilespmem:$0x1C400] =	vst v63  }
0xdd: {  	s14 =	rddreg [dreg:$0xe]  }
0xde: {  	[tilespmem:s7], [sflag:$0x8] =	stream.linear.gather [hbm4b:s14+s4], $0x100, $0x38;
	[tilespmem:$0x1C400] =	vst v63  }
0xdf: {  	_ =	swait.ge [sflag:s25], $0x4000  }
0xe0: {  	[sflag:s25] =	ssyncset.done $0x0  }
0xe1: {  	[sflag:s25] =	ssyncadd.s32 $0xFFFFC000  }
0xe2: {  	[spmem:s3] =	stream.indirect.scatter.add.f32 [tilespmem:s23], [sflag:$0x3], $0x80, s8, s22, $0xb8;
	[tilespmem:$0x1C400] =	vst v63  }
0xe3: {  	_ =	swait.ge [sflag:s9], $0x100  }
0xe4: {  	[sflag:s9] =	ssyncset.done $0x0  }
0xe5: {  	[sflag:s9] =	ssyncadd.s32 $0xFFFFFF00  }
0xe6: {  	_ =	swait.ge [sflag:s10], $0x4000  }
0xe7: {  	[sflag:s10] =	ssyncset.done $0x0  }
0xe8: {  	[sflag:s10] =	ssyncadd.s32 $0xFFFFC000  }
0xe9: {  	[tilespmem:s29], [sflag:$0x2] =	stream.indirect.gather [hbm4b:s2+s22], $0x80, s7, s22, $0xb8;
	[tilespmem:$0x1C400] =	vst v63  }
0xea: {  	_ =	swait.ge [sflag:s31], $0x4000  }
0xeb: {  	[sflag:s31] =	ssyncset.done $0x0  }
0xec: {  	[sflag:s31] =	ssyncadd.s32 $0xFFFFC000  }
0xed: {  	[spmem:s3] =	stream.indirect.scatter.add.f32 [tilespmem:s29], [sflag:$0x4], $0x80, s11, s22, $0xb8;
	[tilespmem:$0x1C400] =	vst v63  }
0xee: {  	_ =	swait.ge [sflag:s6], $0x4000  }
0xef: {  	[sflag:s6] =	ssyncset.done $0x0  }
0xf0: {  	[sflag:s6] =	ssyncadd.s32 $0xFFFFC000  }
0xf1: {  	_ =	swait.ge [sflag:s10], $0x4000  }
0xf2: {  	[sflag:s10] =	ssyncset.done $0x0  }
0xf3: {  	[sflag:s10] =	ssyncadd.s32 $0xFFFFC000  }
0xf4: {  	[bflag:$0x0] =	sbarrier.arrive $0xFFFF  }
0xf5: {  	s16 =	rddreg [dreg:$0xf]  }
0xf6: {  	s14 =	rddreg [dreg:$0x11]  }
0xf7: {  	[hbm:s16], [sflag:s14] =	dma.local [spmem:s15], $0x2800  }
0xf8: {  	_ =	swait.ge [sflag:s21], $0x2800  }
0xf9: {  	s13 =	sadd.s32 $0x1, s13;
	s16 =	rddreg [dreg:$0x10]  }
0xfa: {  	p0 =	sne.s32 s13, s16  }
.Ltmp1:
0xfb: {  	_ = 	snop;
	(pc) =	sbr.rel @p0 .LBB2_1-.Ltmp1, $3  }
0xfc: {  	_ =	sdelay $0x1  }
0xfd: {  	[sflag:s21] =	ssyncset.done $0x0  }
0xfe: {  	[sflag:s21] =	ssyncadd.s32 $0xFFFFD800  }
0xff: {  	_ =	sfence.sel $0x180000  }
0x100: {  	[bflag:$0x0] =	sbarrier.arrive $0xFFFF  }
0x101: {  	_ =	strace $0x9000004A  }
0x102: {  	s0 =	stileid.u32;
	[bflag:$0x2] =	sbarrier.arrive $0xFFFF  }
0x103: {  	p0 =	sne.s32 s0, $0x0;
	s0 =	rddreg [dreg:$0x3]  }
0x104: {  	s0 =	sadd.s32 @!p0 $0x100000, s0  }
0x105: {  	[sflag:s0] =	ssyncadd.tile.s32 @!p0 $0x1;
	_ =	shalt  }
.Lfunc_end2:
_tile_overlayer_lowered:
.L_overlay_start_2:
0x106: {  	(tag) =	ssettag $0x2  }
0x107: {  	s0 =	rddreg [dreg:$0x0];
	s2 =	stileid.u32  }
0x108: {  	s1 =	rddreg [dreg:$0x1];
	p0 =	sne.s32 s2, $0x0  }
0x109: {  	s3 =	rddreg [dreg:$0x2];
	[bflag:$0x3] =	sbarrier.arrive $0xFFFF;
	s2 =	simm.s32 @!p0 $0x1C09  }
0x10a: {  	[timem:s3], [sflag:s2] =	dma.local @!p0 [hbm:s0], s1  }
0x10b: {  	s0 =	simm.s32 @!p0 $0x9  }
0x10c: {  	_ =	swait.ge @!p0 [sflag:s0], s1  }
0x10d: {  	s1 =	ssub.s32 @!p0 $0x0, s1;
	[sflag:s0] =	ssyncset.done @!p0 $0x0  }
0x10e: {  	[sflag:s0] =	ssyncadd.s32 @!p0 s1  }
0x10f: {  	[bflag:$0x3] =	sbarrier.arrive $0xFFFF  }
0x110: {  	_ =	shalt  }

// kernel: kernel.14.cloned.1.call-start
scs
__scs_entry_jumppad:
0x0: {  	(pc) =	sbr.rel $0x88, $3  }
0x1: {  	(tag) =	ssettag $0x0;
	lr =	simm.s32 $0x1  }
0x2: {  	[smem:$0x3F99] =	sst lr;
	_ =	strace $0xD0000000  }
0x3: {  	_ = 	snop  }
0x4: {  	_ = 	snop  }
0x5: {  	_ = 	snop  }
0x6: {  	_ = 	snop  }
0x7: {  	_ = 	snop  }
__scs_overlays_trampoline_lowered:
0x8: {  	[smem:$0x3FA8] =	sst s0  }
0x9: {  	[smem:$0x3FA9] =	sst s1  }
0xa: {  	[smem:$0x3FAA] =	sst s2  }
0xb: {  	[smem:$0x3FAB] =	sst s3  }
0xc: {  	[smem:$0x3FAC] =	sst s4  }
0xd: {  	[smem:$0x3FAD] =	sst s5  }
0xe: {  	[smem:$0x3FAE] =	sst s6  }
0xf: {  	[smem:$0x3FAF] =	sst s7  }
0x10: {  	[smem:$0x3FB0] =	sst s8  }
0x11: {  	[smem:$0x3FB1] =	sst s9;
	s0 =	simm.s32 @!p0 $0x0  }
0x12: {  	s1 =	sld [smem:$0x3F97];
	s0 =	simm.s32 @p0 $0x1  }
0x13: {  	[smem:$0x3FB2] =	sst s0;
	s0 =	simm.s32 @!p1 $0x0  }
0x14: {  	s2 =	sld [smem:$0x3F96];
	s0 =	simm.s32 @p1 $0x1  }
0x15: {  	[smem:$0x3FB3] =	sst s0;
	s0 =	simm.s32 @!p2 $0x0  }
0x16: {  	s3 =	sld [smem:$0x3FDB];
	s0 =	simm.s32 @p2 $0x1  }
0x17: {  	s4 =	simm.s32 $0x1BF5;
	[smem:$0x3FB5] =	sst s0  }
0x18: {  	s0 =	sld [smem:$0x3F98];
	_ =	swait.ge [sflag:s4], $0x0  }
0x19: {  	s7 =	sld [smem:$0x3F99]  }
0x1a: {  	s8 =	sadd.s32 $0xFFFFE003, lr  }
0x1b: {  	s9 =	sadd.s32 $0xFFFFFEF7, lr;
	s5 =	simm.s32 $0xFFFFFFFF;
	p2 =	slt.u32 s8, $0xFFFFF086  }
0x1c: {  	p1 =	slt.u32 s9, $0xF7A;
	s5 =	simm.s32 @!p2 $0x0  }
0x1d: {  	s5 =	simm.s32 @p1 $0x1;
	p0 =	seq.s32 s7, s2  }
0x1e: {  	s7 =	smul.u32 @!p0 $0xF7A, s2;
	p2 =	seq.s32 @!p0 s5, $0x0  }
0x1f: {  	s9 =	smul.u32 $0xF7A, s1;
	s8 =	simm.s32 @!p0 $0x1BF5;
	p2 =	por !p2, p0  }
0x20: {  	[sflag:s8] =	ssyncset.s32 @!p0 $0xFFFFF086;
	s6 =	sadd.s32 @!p0 s3, s7;
	s7 =	simm.s32 @!p0 $0x108  }
0x21: {  	s3 =	sadd.s32 s3, s9;
	s6 =	sadd.s32 @!p0 $0x88, s6;
	s7 =	simm.s32 @p2 $0x1082  }
0x22: {  	[simem:s7], [sflag:s8] =	dma.local @!p0 [hbm:s6], $0xF7A  }
0x23: {  	s9 =	sor.u32 $0xD0000000, s2;
	s6 =	simm.s32 $0x108;
	_ =	swait.ge @!p0 [sflag:s8], $0x0  }
0x24: {  	s3 =	sadd.s32 $0x88, s3;
	s6 =	simm.s32 @!p1 $0x1082;
	[sflag:s4] =	ssyncset.s32 $0xFFFFF086  }
0x25: {  	[simem:s6], [sflag:s4] =	dma.local [hbm:s3], $0xF7A  }
0x26: {  	[smem:$0x3F99] =	sst s1;
	(tag) =	ssettag s2;
	_ =	strace s9  }
0x27: {  	s1 =	sld [smem:$0x3FA9]  }
0x28: {  	s2 =	sld [smem:$0x3FAA]  }
0x29: {  	s4 =	sld [smem:$0x3FAC]  }
0x2a: {  	p0 =	seq.s32 s5, $0x0;
	s5 =	sld [smem:$0x3FAD]  }
0x2b: {  	s6 =	sld [smem:$0x3FAE]  }
0x2c: {  	s7 =	sld [smem:$0x3FAF]  }
0x2d: {  	s3 =	simm.s32 $0x108;
	s8 =	sld [smem:$0x3FB0]  }
0x2e: {  	s3 =	simm.s32 @!p0 $0x1082;
	s9 =	sld [smem:$0x3FB1]  }
0x2f: {  	lr =	sadd.s32 s0, s3;
	s0 =	sld [smem:$0x3FA8]  }
0x30: {  	s3 =	sld [smem:$0x3FAB]  }
0x31: {  	[smem:$0x3FB4] =	sst s10  }
0x32: {  	s10 =	sld [smem:$0x3FB2];
	_ =	sdelay $0x3  }
0x33: {  	p0 =	seq.s32 s10, $0x1;
	s10 =	sld [smem:$0x3FB4];
	_ =	sdelay $0x3  }
0x34: {  	[smem:$0x3FB4] =	sst s10  }
0x35: {  	s10 =	sld [smem:$0x3FB3];
	_ =	sdelay $0x3  }
0x36: {  	p1 =	seq.s32 s10, $0x1;
	s10 =	sld [smem:$0x3FB4];
	_ =	sdelay $0x3  }
0x37: {  	[smem:$0x3FB4] =	sst s10  }
0x38: {  	s10 =	sld [smem:$0x3FB5]  }
0x39: {  	_ = 	snop;
	(pc) =	sbr.ind lr, $3  }
0x3a: {  	_ = 	snop  }
0x3b: {  	_ = 	snop  }
0x3c: {  	p2 =	seq.s32 s10, $0x1;
	s10 =	sld [smem:$0x3FB4]  }
0x3d: {  	_ =	shalt  }
0x3e: {  	_ =	shalt  }
0x3f: {  	_ =	shalt  }
0x40: {  	_ =	shalt  }
0x41: {  	_ =	shalt  }
0x42: {  	_ =	shalt  }
0x43: {  	_ =	shalt  }
0x44: {  	_ =	shalt  }
0x45: {  	_ =	shalt  }
0x46: {  	_ =	shalt  }
0x47: {  	_ =	shalt  }
0x48: {  	_ =	shalt  }
0x49: {  	_ =	shalt  }
0x4a: {  	_ =	shalt  }
0x4b: {  	_ =	shalt  }
0x4c: {  	_ =	shalt  }
0x4d: {  	_ =	shalt  }
0x4e: {  	_ =	shalt  }
0x4f: {  	_ =	shalt  }
0x50: {  	_ =	shalt  }
0x51: {  	_ =	shalt  }
0x52: {  	_ =	shalt  }
0x53: {  	_ =	shalt  }
0x54: {  	_ =	shalt  }
0x55: {  	_ =	shalt  }
0x56: {  	_ =	shalt  }
0x57: {  	_ =	shalt  }
0x58: {  	_ =	shalt  }
0x59: {  	_ =	shalt  }
0x5a: {  	_ =	shalt  }
0x5b: {  	_ =	shalt  }
0x5c: {  	_ =	shalt  }
0x5d: {  	_ =	shalt  }
0x5e: {  	_ =	shalt  }
0x5f: {  	_ =	shalt  }
0x60: {  	_ =	shalt  }
0x61: {  	_ =	shalt  }
0x62: {  	_ =	shalt  }
0x63: {  	_ =	shalt  }
0x64: {  	_ =	shalt  }
0x65: {  	_ =	shalt  }
0x66: {  	_ =	shalt  }
0x67: {  	_ =	shalt  }
0x68: {  	_ =	shalt  }
0x69: {  	_ =	shalt  }
0x6a: {  	_ =	shalt  }
0x6b: {  	_ =	shalt  }
0x6c: {  	_ =	shalt  }
0x6d: {  	_ =	shalt  }
0x6e: {  	_ =	shalt  }
0x6f: {  	_ =	shalt  }
0x70: {  	_ =	shalt  }
0x71: {  	_ =	shalt  }
0x72: {  	_ =	shalt  }
0x73: {  	_ =	shalt  }
0x74: {  	_ =	shalt  }
0x75: {  	_ =	shalt  }
0x76: {  	_ =	shalt  }
0x77: {  	_ =	shalt  }
0x78: {  	_ =	shalt  }
0x79: {  	_ =	shalt  }
0x7a: {  	_ =	shalt  }
0x7b: {  	_ =	shalt  }
0x7c: {  	_ =	shalt  }
0x7d: {  	_ =	shalt  }
0x7e: {  	_ =	shalt  }
0x7f: {  	_ =	shalt  }
0x80: {  	_ =	shalt  }
0x81: {  	_ =	shalt  }
0x82: {  	_ =	shalt  }
0x83: {  	_ =	shalt  }
0x84: {  	_ =	shalt  }
0x85: {  	_ =	shalt  }
0x86: {  	_ =	shalt  }
0x87: {  	_ =	shalt  }
.Lfunc_end0:
.L_simem_size_0:
called_computation.2_lowered:
.L_overlay_start_0:
0x88: {  	s2 =	sld [smem:$0x3FD9]  }
0x89: {  	s3 =	sld [smem:$0x3FFE];
	_ =	sdelay $0x1  }
0x8a: {  	s1 =	srdreg.scid  }
0x8b: {  	s0 =	sand.u32 $0x1, s1  }
0x8c: {  	s17 =	sshll.u32 s0, $0xA;
	s2 =	sadd.s32 s3, s2  }
0x8d: {  	s2 =	sadd.s32 s2, s17  }
0x8e: {  	[smem:$0x3FC0] =	sst s2  }
0x8f: {  	_ = 	snop  }
0x90: {  	s2 =	sld [smem:$0x3FD0];
	(tm) =	ssettm $0x1  }
0x91: {  	s18 =	sld [smem:$0x3FFB];
	_ =	sdelay $0x3  }
0x92: {  	_ =	strace s18  }
0x93: {  	s3 =	sld [smem:$0x3FFC];
	_ =	sdelay $0x3  }
0x94: {  	_ =	strace s3  }
0x95: {  	s3 =	sld [smem:$0x3FFD];
	_ =	sdelay $0x3  }
0x96: {  	_ =	strace s3  }
0x97: {  	_ =	strace $0x8FFFFFFF  }
0x98: {  	s19 =	sld [smem:$0x3FDB];
	_ =	sdelay $0x1  }
0x99: {  	s4 =	simm.s32 $_scs_section_size  }
0x9a: {  	s5 =	simm.s32 $_size__tile_overlayer_lowered;
	s6 =	simm.s32 $_tile_overlayer_lowered  }
0x9b: {  	s22 =	simm.s32 $0x1BFF;
	s21 =	sshll.u32 s6, $0x1;
	s3 =	sadd.s32 s4, s19  }
0x9c: {  	s7 =	simm.s32 $0x0;
	s20 =	sshll.u32 s5, $0x1;
	s5 =	sadd.s32 s21, s3  }
0x9d: {  	[timem:s7], [sflag:s22] =	dma.local [hbm:s5], s20  }
0x9e: {  	_ =	swait.ge [sflag:s22], s20  }
0x9f: {  	s4 =	ssub.s32 $0x0, s20;
	[sflag:s22] =	ssyncset.done $0x0  }
0xa0: {  	[sflag:s22] =	ssyncadd.s32 s4;
	_ =	sdelay $0x1  }
0xa1: {  	s23 =	simm.s32 $0x1B8B  }
0xa2: {  	_ =	swait.ge [sflag:s23], $0x1  }
0xa3: {  	[sflag:s23] =	ssyncset.done $0x0  }
0xa4: {  	s25 =	simm.s32 $0x1B8E;
	s24 =	sld [smem:$0x3FFE];
	[sflag:s23] =	ssyncadd.s32 $0xFFFFFFFF  }
0xa5: {  	s26 =	simm.s32 $execute0_lowered;
	[smem:$0x3FD2] =	sst s25  }
0xa6: {  	s5 =	sshll.u32 s26, $0x1;
	_ =	strace $0x8000004C;
	[dreg:$0x1] =	wrdreg $0xFFFFFFFF  }
0xa7: {  	s28 =	simm.s32 $_size_execute0_lowered;
	s3 =	sadd.s32 s3, s5;
	[dreg:$0x0] =	wrdreg $0x0  }
0xa8: {  	s5 =	sshll.u32 s28, $0x1;
	[dreg:$0x2] =	wrdreg s3  }
0xa9: {  	[dreg:$0x3] =	wrdreg s5  }
0xaa: {  	[dreg:$0x4] =	wrdreg $0xC0  }
0xab: {  	_ =	task [dreg:s7], $0x5FFFF  }
0xac: {  	[dreg:$0x1] =	wrdreg $0xFFFFFFFF  }
0xad: {  	[dreg:$0x0] =	wrdreg $0x60  }
0xae: {  	[dreg:$0x2] =	wrdreg s2  }
0xaf: {  	[dreg:$0x3] =	wrdreg s24  }
0xb0: {  	[dreg:$0x4] =	wrdreg $0x0  }
0xb1: {  	[dreg:$0x5] =	wrdreg $0x9  }
0xb2: {  	_ =	task.clear_ibuf [dreg:s7], $0x6FFFF;
	_ =	strace $0x9000004C  }
0xb3: {  	s29 =	simm.s32 $0x9;
	_ =	strace $0x8000004E  }
0xb4: {  	_ =	swait.ge [sflag:s29], $0x1  }
0xb5: {  	[sflag:s29] =	ssyncadd.s32 $0xFFFFFFFF  }
0xb6: {  	_ =	strace $0x9000004E  }
0xb7: {  	_ =	sfence  }
0xb8: {  	s30 =	sld [smem:$0x0];
	_ =	sdelay $0x2  }
0xb9: {  	s31 =	sshll.u32 s1, $0xD;
	s1 =	sshrl.u32 s1, $0x2  }
0xba: {  	s3 =	sand.u32 $0x4000, s31;
	s1 =	sadd.s32 s1, s30  }
0xbb: {  	s0 =	sor.u32 s3, s0;
	s1 =	sshll.u32 s1, $0x11  }
0xbc: {  	s0 =	sor.u32 s1, s0  }
0xbd: {  	s0 =	sadd.s32 $0x8F2B, s0  }
0xbe: {  	[sflag:s0] =	ssyncadd.remote.s32 $0x1  }
0xbf: {  	_ =	sfence.sel $0xFFFF  }
0xc0: {  	[dreg:$0x0] =	wrdreg $0xFFFFFFFF;
	(pc) =	sbr.abs _section_cstart, $3  }
0xc1: {  	[dreg:$0x1] =	wrdreg $0xFFFFFFFF  }
0xc2: {  	_ =	task.clear_ibuf [dreg:s7], $0x2FFFF;
	_ =	strace $0x9FFFFFFF  }
0xc3: {  	(tm) =	ssettm $0x7FFFFFFF  }
tec
execute0_lowered:
.L_overlay_start_1:
0x0: {  	(tag) =	ssettag $0x1  }
0x1: {  	s2 =	rddreg [dreg:$0x0]  }
0x2: {  	s0 =	rddreg [dreg:$0x1]  }
0x3: {  	s3 =	rddreg [dreg:$0x2]  }
0x4: {  	s11 =	stileid.u32;
	s1 =	srdreg.scid;
	s4 =	simm.s32 $0x0  }
0x5: {  	s28 =	simm.s32 $0x6;
	s29 =	simm.s32 $0x18400;
	s5 =	smul.u32 $0x14000, s11  }
0x6: {  	s30 =	simm.s32 $0x14200;
	s31 =	simm.s32 $0x2;
	s14 =	smul.u32 $0x50000, s11  }
0x7: {  	s13 =	simm.s32 $0x0;
	s1 =	sand.u32 $0x1, s1;
	s15 =	smul.u32 $0x5000, s11  }
0x8: {  	[smem:$0x7FF] =	sst s4;
	s8 =	sadd.s32 $0x12000, s0;
	s6 =	smul.u32 $0x140000, s1  }
0x9: {  	_ =	strace $0x8000004D;
	s7 =	sshll.u32 s1, $0x4;
	s9 =	ssub.s32 $0x2, s1  }
0xa: {  	s1 =	smul.u32 $0x50000, s1;
	s7 =	sor.u32 s11, s7;
	s10 =	sshrl.u32 s9, $0x1  }
0xb: {  	s11 =	simm.s32 $0x14380;
	s6 =	sadd.s32 s5, s6;
	s5 =	sshrl.u32 s5, $0x3  }
0xc: {  	s7 =	smul.u32 $0x5000, s7;
	s9 =	ssub.s32 s9, s10;
	s1 =	sadd.s32 s15, s1  }
0xd: {  	s10 =	simm.s32 $0x4;
	s6 =	sshrl.u32 s6, $0x3;
	s5 =	sadd.s32 s5, s0  }
0xe: {  	s19 =	sor.u32 $0x900, s1;
	s24 =	smax.u32 s9, $0x1;
	s25 =	sor.u32 $0x800, s1  }
0xf: {  	s26 =	sor.u32 $0x700, s1;
	s1 =	sor.u32 $0x600, s1;
	s0 =	sadd.s32 s6, s0  }
0x10: {  	s6 =	sshrl.u32 s14, $0x2;
	s5 =	sadd.s32 $0x76000, s5;
	[dreg:$0x10] =	wrdreg s24  }
0x11: {  	s7 =	sshrl.u32 s7, $0x3;
	s6 =	sadd.s32 s6, s3;
	[dreg:$0x8] =	wrdreg s5  }
0x12: {  	s9 =	simm.s32 $0x8;
	s12 =	sadd.s32 s8, s7;
	[dreg:$0x7] =	wrdreg s6  }
0x13: {  	s1 =	sshrl.u32 s1, $0x3;
	s0 =	sadd.s32 $0x9E000, s0;
	[dreg:$0x5] =	wrdreg s12  }
0x14: {  	s24 =	simm.s32 $0x14100;
	s16 =	sadd.s32 $0x20, s12;
	[dreg:$0xf] =	wrdreg s0  }
0x15: {  	s5 =	sshrl.u32 s19, $0x3;
	s17 =	sadd.s32 $0x40, s12;
	[dreg:$0x6] =	wrdreg s16  }
0x16: {  	s19 =	sadd.s32 s1, s8;
	s18 =	sadd.s32 $0x60, s12;
	[dreg:$0x9] =	wrdreg s17  }
0x17: {  	s1 =	simm.s32 $0x7;
	s20 =	sadd.s32 $0x80, s12;
	[dreg:$0xa] =	wrdreg s18  }
0x18: {  	s7 =	simm.s32 $0x14300;
	s21 =	sadd.s32 $0xA0, s12;
	[dreg:$0xb] =	wrdreg s20  }
0x19: {  	s22 =	sadd.s32 $0x9C0, s12;
	s23 =	sadd.s32 $0x9E0, s12;
	[dreg:$0xc] =	wrdreg s21  }
0x1a: {  	s5 =	sadd.s32 s5, s8;
	s0 =	sshrl.u32 s25, $0x3;
	[dreg:$0xd] =	wrdreg s22  }
0x1b: {  	s25 =	simm.s32 $0x1;
	s6 =	simm.s32 $0x3;
	[dreg:$0xe] =	wrdreg s23  }
0x1c: {  	s12 =	simm.s32 $0x5;
	[dreg:$0x4] =	wrdreg s5;
	s5 =	sshrl.u32 s26, $0x3  }
0x1d: {  	s17 =	sadd.s32 s0, s8;
	s20 =	simm.s32 $0x14000;
	s21 =	simm.s32 $0x9  }
0x1e: {  	s22 =	simm.s32 $0x80;
	s23 =	simm.s32 $0x14400;
	s26 =	simm.s32 $0x14080  }
0x1f: {  	s0 =	simm.s32 $0x14180;
	s18 =	sadd.s32 s5, s8;
	s8 =	simm.s32 $0x14280  }
.LBB2_1:
0x20: {  	s5 =	rddreg [dreg:$0x5]  }
0x21: {  	[tilespmem:s20], [sflag:$0x9] =	stream.linear.gather [hbm4b:s5+s4], $0x100, $0x38;
	[tilespmem:$0x1C400] =	vst v63  }
0x22: {  	s14 =	stileid.u32;
	_ =	swait.ge [sflag:s21], $0x100  }
0x23: {  	s5 =	sshll.u32 s14, $0x6;
	[sflag:s21] =	ssyncset.done $0x0;
	s16 =	rddreg [dreg:$0x6]  }
0x24: {  	s14 =	sor.u32 $0x1C09, s5;
	s15 =	rddreg [dreg:$0x7];
	[sflag:s21] =	ssyncadd.s32 $0xFFFFFF00  }
0x25: {  	[tilespmem:s23], [sflag:$0x1] =	stream.indirect.gather [hbm4b:s2+s22], $0x80, s20, s22, $0xb8;
	[tilespmem:$0x1C400] =	vst v63  }
0x26: {  	[dreg:$0x11] =	wrdreg s14  }
0x27: {  	[tilespmem:s24], [sflag:$0x6] =	stream.linear.gather [hbm4b:s16+s4], $0x100, $0x38;
	[tilespmem:$0x1C400] =	vst v63  }
0x28: {  	s15 =	sshrl.u32 s15, $0x3;
	s16 =	rddreg [dreg:$0x8]  }
0x29: {  	[spmem:s15], [sflag:s14] =	dma.local [hbm:s16], $0x2800  }
0x2a: {  	_ =	swait.ge [sflag:s21], $0x2800  }
0x2b: {  	[sflag:s21] =	ssyncset.done $0x0  }
0x2c: {  	[sflag:s21] =	ssyncadd.s32 $0xFFFFD800  }
0x2d: {  	[bflag:$0x0] =	sbarrier.arrive $0xFFFF  }
0x2e: {  	_ =	swait.ge [sflag:s25], $0x4000  }
0x2f: {  	[sflag:s25] =	ssyncset.done $0x0  }
0x30: {  	[sflag:s25] =	ssyncadd.s32 $0xFFFFC000  }
0x31: {  	[spmem:s3] =	stream.indirect.scatter.add.f32 [tilespmem:s23], [sflag:$0x3], $0x80, s26, s22, $0xb8;
	[tilespmem:$0x1C400] =	vst v63  }
0x32: {  	_ =	swait.ge [sflag:s28], $0x100  }
0x33: {  	[sflag:s28] =	ssyncset.done $0x0  }
0x34: {  	[sflag:s28] =	ssyncadd.s32 $0xFFFFFF00  }
0x35: {  	[tilespmem:s29], [sflag:$0x2] =	stream.indirect.gather [hbm4b:s2+s22], $0x80, s24, s22, $0xb8;
	[tilespmem:$0x1C400] =	vst v63  }
0x36: {  	s16 =	rddreg [dreg:$0x9]  }
0x37: {  	[tilespmem:s30], [sflag:$0x7] =	stream.linear.gather [hbm4b:s16+s4], $0x100, $0x38;
	[tilespmem:$0x1C400] =	vst v63  }
0x38: {  	_ =	swait.ge [sflag:s31], $0x4000  }
0x39: {  	[sflag:s31] =	ssyncset.done $0x0  }
0x3a: {  	[sflag:s31] =	ssyncadd.s32 $0xFFFFC000  }
0x3b: {  	[spmem:s3] =	stream.indirect.scatter.add.f32 [tilespmem:s29], [sflag:$0x4], $0x80, s0, s22, $0xb8;
	[tilespmem:$0x1C400] =	vst v63  }
0x3c: {  	_ =	swait.ge [sflag:s1], $0x100  }
0x3d: {  	[sflag:s1] =	ssyncset.done $0x0  }
0x3e: {  	[sflag:s1] =	ssyncadd.s32 $0xFFFFFF00  }
0x3f: {  	_ =	swait.ge [sflag:s6], $0x4000  }
0x40: {  	[sflag:s6] =	ssyncset.done $0x0  }
0x41: {  	[sflag:s6] =	ssyncadd.s32 $0xFFFFC000  }
0x42: {  	[tilespmem:s23], [sflag:$0x1] =	stream.indirect.gather [hbm4b:s2+s22], $0x80, s30, s22, $0xb8;
	[tilespmem:$0x1C400] =	vst v63  }
0x43: {  	s14 =	rddreg [dreg:$0xa]  }
0x44: {  	[tilespmem:s7], [sflag:$0x8] =	stream.linear.gather [hbm4b:s14+s4], $0x100, $0x38;
	[tilespmem:$0x1C400] =	vst v63  }
0x45: {  	_ =	swait.ge [sflag:s25], $0x4000  }
0x46: {  	[sflag:s25] =	ssyncset.done $0x0  }
0x47: {  	[sflag:s25] =	ssyncadd.s32 $0xFFFFC000  }
0x48: {  	[spmem:s3] =	stream.indirect.scatter.add.f32 [tilespmem:s23], [sflag:$0x3], $0x80, s8, s22, $0xb8;
	[tilespmem:$0x1C400] =	vst v63  }
0x49: {  	_ =	swait.ge [sflag:s9], $0x100  }
0x4a: {  	[sflag:s9] =	ssyncset.done $0x0  }
0x4b: {  	[sflag:s9] =	ssyncadd.s32 $0xFFFFFF00  }
0x4c: {  	_ =	swait.ge [sflag:s10], $0x4000  }
0x4d: {  	[sflag:s10] =	ssyncset.done $0x0  }
0x4e: {  	[sflag:s10] =	ssyncadd.s32 $0xFFFFC000  }
0x4f: {  	[tilespmem:s29], [sflag:$0x2] =	stream.indirect.gather [hbm4b:s2+s22], $0x80, s7, s22, $0xb8;
	[tilespmem:$0x1C400] =	vst v63  }
0x50: {  	s16 =	rddreg [dreg:$0xb]  }
0x51: {  	[tilespmem:s20], [sflag:$0x5] =	stream.linear.gather [hbm4b:s16+s4], $0x100, $0x38;
	[tilespmem:$0x1C400] =	vst v63  }
0x52: {  	_ =	swait.ge [sflag:s31], $0x4000  }
0x53: {  	[sflag:s31] =	ssyncset.done $0x0  }
0x54: {  	[sflag:s31] =	ssyncadd.s32 $0xFFFFC000  }
0x55: {  	[spmem:s3] =	stream.indirect.scatter.add.f32 [tilespmem:s29], [sflag:$0x4], $0x80, s11, s22, $0xb8;
	[tilespmem:$0x1C400] =	vst v63  }
0x56: {  	_ =	swait.ge [sflag:s12], $0x100  }
0x57: {  	[sflag:s12] =	ssyncset.done $0x0  }
0x58: {  	[sflag:s12] =	ssyncadd.s32 $0xFFFFFF00  }
0x59: {  	_ =	swait.ge [sflag:s6], $0x4000  }
0x5a: {  	[sflag:s6] =	ssyncset.done $0x0  }
0x5b: {  	[sflag:s6] =	ssyncadd.s32 $0xFFFFC000  }
0x5c: {  	[tilespmem:s23], [sflag:$0x1] =	stream.indirect.gather [hbm4b:s2+s22], $0x80, s20, s22, $0xb8;
	[tilespmem:$0x1C400] =	vst v63  }
0x5d: {  	s14 =	rddreg [dreg:$0xc]  }
0x5e: {  	[tilespmem:s24], [sflag:$0x6] =	stream.linear.gather [hbm4b:s14+s4], $0x100, $0x38;
	[tilespmem:$0x1C400] =	vst v63  }
0x5f: {  	_ =	swait.ge [sflag:s25], $0x4000  }
0x60: {  	[sflag:s25] =	ssyncset.done $0x0  }
0x61: {  	[sflag:s25] =	ssyncadd.s32 $0xFFFFC000  }
0x62: {  	[spmem:s3] =	stream.indirect.scatter.add.f32 [tilespmem:s23], [sflag:$0x3], $0x80, s26, s22, $0xb8;
	[tilespmem:$0x1C400] =	vst v63  }
0x63: {  	_ =	swait.ge [sflag:s28], $0x100  }
0x64: {  	[sflag:s28] =	ssyncset.done $0x0  }
0x65: {  	[sflag:s28] =	ssyncadd.s32 $0xFFFFFF00  }
0x66: {  	_ =	swait.ge [sflag:s10], $0x4000  }
0x67: {  	[sflag:s10] =	ssyncset.done $0x0  }
0x68: {  	[sflag:s10] =	ssyncadd.s32 $0xFFFFC000  }
0x69: {  	[tilespmem:s29], [sflag:$0x2] =	stream.indirect.gather [hbm4b:s2+s22], $0x80, s24, s22, $0xb8;
	[tilespmem:$0x1C400] =	vst v63  }
0x6a: {  	s16 =	sadd.s32 $0x0, s19  }
0x6b: {  	[tilespmem:s30], [sflag:$0x7] =	stream.linear.gather [hbm4b:s16+s4], $0x100, $0x38;
	[tilespmem:$0x1C400] =	vst v63  }
0x6c: {  	_ =	swait.ge [sflag:s31], $0x4000  }
0x6d: {  	[sflag:s31] =	ssyncset.done $0x0  }
0x6e: {  	[sflag:s31] =	ssyncadd.s32 $0xFFFFC000  }
0x6f: {  	[spmem:s3] =	stream.indirect.scatter.add.f32 [tilespmem:s29], [sflag:$0x4], $0x80, s0, s22, $0xb8;
	[tilespmem:$0x1C400] =	vst v63  }
0x70: {  	_ =	swait.ge [sflag:s1], $0x100  }
0x71: {  	[sflag:s1] =	ssyncset.done $0x0  }
0x72: {  	[sflag:s1] =	ssyncadd.s32 $0xFFFFFF00  }
0x73: {  	_ =	swait.ge [sflag:s6], $0x4000  }
0x74: {  	[sflag:s6] =	ssyncset.done $0x0  }
0x75: {  	[sflag:s6] =	ssyncadd.s32 $0xFFFFC000  }
0x76: {  	[tilespmem:s23], [sflag:$0x1] =	stream.indirect.gather [hbm4b:s2+s22], $0x80, s30, s22, $0xb8;
	[tilespmem:$0x1C400] =	vst v63  }
0x77: {  	s14 =	sadd.s32 $0x0, s18  }
0x78: {  	[tilespmem:s7], [sflag:$0x8] =	stream.linear.gather [hbm4b:s14+s4], $0x100, $0x38;
	[tilespmem:$0x1C400] =	vst v63  }
0x79: {  	_ =	swait.ge [sflag:s25], $0x4000  }
0x7a: {  	[sflag:s25] =	ssyncset.done $0x0  }
0x7b: {  	[sflag:s25] =	ssyncadd.s32 $0xFFFFC000  }
0x7c: {  	[spmem:s3] =	stream.indirect.scatter.add.f32 [tilespmem:s23], [sflag:$0x3], $0x80, s8, s22, $0xb8;
	[tilespmem:$0x1C400] =	vst v63  }
0x7d: {  	_ =	swait.ge [sflag:s9], $0x100  }
0x7e: {  	[sflag:s9] =	ssyncset.done $0x0  }
0x7f: {  	[sflag:s9] =	ssyncadd.s32 $0xFFFFFF00  }
0x80: {  	_ =	swait.ge [sflag:s10], $0x4000  }
0x81: {  	[sflag:s10] =	ssyncset.done $0x0  }
0x82: {  	[sflag:s10] =	ssyncadd.s32 $0xFFFFC000  }
0x83: {  	[tilespmem:s29], [sflag:$0x2] =	stream.indirect.gather [hbm4b:s2+s22], $0x80, s7, s22, $0xb8;
	[tilespmem:$0x1C400] =	vst v63  }
0x84: {  	s16 =	sadd.s32 $0x0, s17  }
0x85: {  	[tilespmem:s20], [sflag:$0x5] =	stream.linear.gather [hbm4b:s16+s4], $0x100, $0x38;
	[tilespmem:$0x1C400] =	vst v63  }
0x86: {  	_ =	swait.ge [sflag:s31], $0x4000  }
0x87: {  	[sflag:s31] =	ssyncset.done $0x0  }
0x88: {  	[sflag:s31] =	ssyncadd.s32 $0xFFFFC000  }
0x89: {  	[spmem:s3] =	stream.indirect.scatter.add.f32 [tilespmem:s29], [sflag:$0x4], $0x80, s11, s22, $0xb8;
	[tilespmem:$0x1C400] =	vst v63  }
0x8a: {  	_ =	swait.ge [sflag:s12], $0x100  }
0x8b: {  	[sflag:s12] =	ssyncset.done $0x0  }
0x8c: {  	[sflag:s12] =	ssyncadd.s32 $0xFFFFFF00  }
0x8d: {  	_ =	swait.ge [sflag:s6], $0x4000  }
0x8e: {  	[sflag:s6] =	ssyncset.done $0x0;
	s14 =	rddreg [dreg:$0x4]  }
0x8f: {  	s16 =	simm.s32 $0x80;
	[sflag:s6] =	ssyncadd.s32 $0xFFFFC000;
	s5 =	sadd.s32 $0x0, s14  }
0x90: {  	[tilespmem:s23], [sflag:$0x1] =	stream.indirect.gather [hbm4b:s2+s22], $0x80, s20, s22, $0xb8;
	[tilespmem:$0x1C400] =	vst v63  }
.LBB2_2:
0x91: {  	[tilespmem:s24], [sflag:$0x6] =	stream.linear.gather [hbm4b:s5+s4], $0x100, $0x38;
	[tilespmem:$0x1C400] =	vst v63  }
0x92: {  	_ =	swait.ge [sflag:s25], $0x4000  }
0x93: {  	[sflag:s25] =	ssyncset.done $0x0  }
0x94: {  	[sflag:s25] =	ssyncadd.s32 $0xFFFFC000  }
0x95: {  	[spmem:s3] =	stream.indirect.scatter.add.f32 [tilespmem:s23], [sflag:$0x3], $0x80, s26, s22, $0xb8;
	[tilespmem:$0x1C400] =	vst v63  }
0x96: {  	_ =	swait.ge [sflag:s28], $0x100  }
0x97: {  	[sflag:s28] =	ssyncset.done $0x0  }
0x98: {  	[sflag:s28] =	ssyncadd.s32 $0xFFFFFF00  }
0x99: {  	_ =	swait.ge [sflag:s10], $0x4000  }
0x9a: {  	[sflag:s10] =	ssyncset.done $0x0  }
0x9b: {  	s5 =	smov.u32 s16;
	[sflag:s10] =	ssyncadd.s32 $0xFFFFC000  }
0x9c: {  	[tilespmem:s29], [sflag:$0x2] =	stream.indirect.gather [hbm4b:s2+s22], $0x80, s24, s22, $0xb8;
	[tilespmem:$0x1C400] =	vst v63  }
0x9d: {  	s14 =	sadd.s32 s5, s19  }
0x9e: {  	[tilespmem:s30], [sflag:$0x7] =	stream.linear.gather [hbm4b:s14+s4], $0x100, $0x38;
	[tilespmem:$0x1C400] =	vst v63  }
0x9f: {  	_ =	swait.ge [sflag:s31], $0x4000  }
0xa0: {  	[sflag:s31] =	ssyncset.done $0x0  }
0xa1: {  	[sflag:s31] =	ssyncadd.s32 $0xFFFFC000  }
0xa2: {  	[spmem:s3] =	stream.indirect.scatter.add.f32 [tilespmem:s29], [sflag:$0x4], $0x80, s0, s22, $0xb8;
	[tilespmem:$0x1C400] =	vst v63  }
0xa3: {  	_ =	swait.ge [sflag:s1], $0x100  }
0xa4: {  	[sflag:s1] =	ssyncset.done $0x0  }
0xa5: {  	[sflag:s1] =	ssyncadd.s32 $0xFFFFFF00  }
0xa6: {  	_ =	swait.ge [sflag:s6], $0x4000  }
0xa7: {  	[sflag:s6] =	ssyncset.done $0x0  }
0xa8: {  	[sflag:s6] =	ssyncadd.s32 $0xFFFFC000  }
0xa9: {  	[tilespmem:s23], [sflag:$0x1] =	stream.indirect.gather [hbm4b:s2+s22], $0x80, s30, s22, $0xb8;
	[tilespmem:$0x1C400] =	vst v63  }
0xaa: {  	s14 =	sadd.s32 s5, s18  }
0xab: {  	[tilespmem:s7], [sflag:$0x8] =	stream.linear.gather [hbm4b:s14+s4], $0x100, $0x38;
	[tilespmem:$0x1C400] =	vst v63  }
0xac: {  	_ =	swait.ge [sflag:s25], $0x4000  }
0xad: {  	[sflag:s25] =	ssyncset.done $0x0  }
0xae: {  	[sflag:s25] =	ssyncadd.s32 $0xFFFFC000  }
0xaf: {  	[spmem:s3] =	stream.indirect.scatter.add.f32 [tilespmem:s23], [sflag:$0x3], $0x80, s8, s22, $0xb8;
	[tilespmem:$0x1C400] =	vst v63  }
0xb0: {  	_ =	swait.ge [sflag:s9], $0x100  }
0xb1: {  	[sflag:s9] =	ssyncset.done $0x0  }
0xb2: {  	[sflag:s9] =	ssyncadd.s32 $0xFFFFFF00  }
0xb3: {  	_ =	swait.ge [sflag:s10], $0x4000  }
0xb4: {  	[sflag:s10] =	ssyncset.done $0x0  }
0xb5: {  	[sflag:s10] =	ssyncadd.s32 $0xFFFFC000  }
0xb6: {  	[tilespmem:s29], [sflag:$0x2] =	stream.indirect.gather [hbm4b:s2+s22], $0x80, s7, s22, $0xb8;
	[tilespmem:$0x1C400] =	vst v63  }
0xb7: {  	s14 =	sadd.s32 s5, s17  }
0xb8: {  	[tilespmem:s20], [sflag:$0x5] =	stream.linear.gather [hbm4b:s14+s4], $0x100, $0x38;
	[tilespmem:$0x1C400] =	vst v63  }
0xb9: {  	_ =	swait.ge [sflag:s31], $0x4000  }
0xba: {  	[sflag:s31] =	ssyncset.done $0x0  }
0xbb: {  	[sflag:s31] =	ssyncadd.s32 $0xFFFFC000  }
0xbc: {  	[spmem:s3] =	stream.indirect.scatter.add.f32 [tilespmem:s29], [sflag:$0x4], $0x80, s11, s22, $0xb8;
	[tilespmem:$0x1C400] =	vst v63  }
0xbd: {  	_ =	swait.ge [sflag:s12], $0x100  }
0xbe: {  	p0 =	sne.s32 s16, $0x880;
	[sflag:s12] =	ssyncset.done $0x0  }
.Ltmp0:
0xbf: {  	[sflag:s12] =	ssyncadd.s32 $0xFFFFFF00;
	(pc) =	sbr.rel @p0 .LBB2_2-.Ltmp0, $4  }
0xc0: {  	_ =	swait.ge [sflag:s6], $0x4000  }
0xc1: {  	[sflag:s6] =	ssyncset.done $0x0;
	s14 =	rddreg [dreg:$0x4]  }
0xc2: {  	s16 =	sadd.s32 $0x80, s16;
	[sflag:s6] =	ssyncadd.s32 $0xFFFFC000;
	s5 =	sadd.s32 s5, s14  }
0xc3: {  	[tilespmem:s23], [sflag:$0x1] =	stream.indirect.gather [hbm4b:s2+s22], $0x80, s20, s22, $0xb8;
	[tilespmem:$0x1C400] =	vst v63  }
0xc4: {  	[tilespmem:s24], [sflag:$0x6] =	stream.linear.gather [hbm4b:s5+s4], $0x100, $0x38;
	[tilespmem:$0x1C400] =	vst v63  }
0xc5: {  	_ =	swait.ge [sflag:s25], $0x4000  }
0xc6: {  	[sflag:s25] =	ssyncset.done $0x0  }
0xc7: {  	[sflag:s25] =	ssyncadd.s32 $0xFFFFC000  }
0xc8: {  	[spmem:s3] =	stream.indirect.scatter.add.f32 [tilespmem:s23], [sflag:$0x3], $0x80, s26, s22, $0xb8;
	[tilespmem:$0x1C400] =	vst v63  }
0xc9: {  	_ =	swait.ge [sflag:s28], $0x100  }
0xca: {  	[sflag:s28] =	ssyncset.done $0x0  }
0xcb: {  	[sflag:s28] =	ssyncadd.s32 $0xFFFFFF00  }
0xcc: {  	_ =	swait.ge [sflag:s10], $0x4000  }
0xcd: {  	[sflag:s10] =	ssyncset.done $0x0  }
0xce: {  	[sflag:s10] =	ssyncadd.s32 $0xFFFFC000  }
0xcf: {  	[tilespmem:s29], [sflag:$0x2] =	stream.indirect.gather [hbm4b:s2+s22], $0x80, s24, s22, $0xb8;
	[tilespmem:$0x1C400] =	vst v63  }
0xd0: {  	s16 =	rddreg [dreg:$0xd]  }
0xd1: {  	[tilespmem:s30], [sflag:$0x7] =	stream.linear.gather [hbm4b:s16+s4], $0x100, $0x38;
	[tilespmem:$0x1C400] =	vst v63  }
0xd2: {  	_ =	swait.ge [sflag:s31], $0x4000  }
0xd3: {  	[sflag:s31] =	ssyncset.done $0x0  }
0xd4: {  	[sflag:s31] =	ssyncadd.s32 $0xFFFFC000  }
0xd5: {  	[spmem:s3] =	stream.indirect.scatter.add.f32 [tilespmem:s29], [sflag:$0x4], $0x80, s0, s22, $0xb8;
	[tilespmem:$0x1C400] =	vst v63  }
0xd6: {  	_ =	swait.ge [sflag:s1], $0x100  }
0xd7: {  	[sflag:s1] =	ssyncset.done $0x0  }
0xd8: {  	[sflag:s1] =	ssyncadd.s32 $0xFFFFFF00  }
0xd9: {  	_ =	swait.ge [sflag:s6], $0x4000  }
0xda: {  	[sflag:s6] =	ssyncset.done $0x0  }
0xdb: {  	[sflag:s6] =	ssyncadd.s32 $0xFFFFC000  }
0xdc: {  	[tilespmem:s23], [sflag:$0x1] =	stream.indirect.gather [hbm4b:s2+s22], $0x80, s30, s22, $0xb8;
	[tilespmem:$0x1C400] =	vst v63  }
0xdd: {  	s14 =	rddreg [dreg:$0xe]  }
0xde: {  	[tilespmem:s7], [sflag:$0x8] =	stream.linear.gather [hbm4b:s14+s4], $0x100, $0x38;
	[tilespmem:$0x1C400] =	vst v63  }
0xdf: {  	_ =	swait.ge [sflag:s25], $0x4000  }
0xe0: {  	[sflag:s25] =	ssyncset.done $0x0  }
0xe1: {  	[sflag:s25] =	ssyncadd.s32 $0xFFFFC000  }
0xe2: {  	[spmem:s3] =	stream.indirect.scatter.add.f32 [tilespmem:s23], [sflag:$0x3], $0x80, s8, s22, $0xb8;
	[tilespmem:$0x1C400] =	vst v63  }
0xe3: {  	_ =	swait.ge [sflag:s9], $0x100  }
0xe4: {  	[sflag:s9] =	ssyncset.done $0x0  }
0xe5: {  	[sflag:s9] =	ssyncadd.s32 $0xFFFFFF00  }
0xe6: {  	_ =	swait.ge [sflag:s10], $0x4000  }
0xe7: {  	[sflag:s10] =	ssyncset.done $0x0  }
0xe8: {  	[sflag:s10] =	ssyncadd.s32 $0xFFFFC000  }
0xe9: {  	[tilespmem:s29], [sflag:$0x2] =	stream.indirect.gather [hbm4b:s2+s22], $0x80, s7, s22, $0xb8;
	[tilespmem:$0x1C400] =	vst v63  }
0xea: {  	_ =	swait.ge [sflag:s31], $0x4000  }
0xeb: {  	[sflag:s31] =	ssyncset.done $0x0  }
0xec: {  	[sflag:s31] =	ssyncadd.s32 $0xFFFFC000  }
0xed: {  	[spmem:s3] =	stream.indirect.scatter.add.f32 [tilespmem:s29], [sflag:$0x4], $0x80, s11, s22, $0xb8;
	[tilespmem:$0x1C400] =	vst v63  }
0xee: {  	_ =	swait.ge [sflag:s6], $0x4000  }
0xef: {  	[sflag:s6] =	ssyncset.done $0x0  }
0xf0: {  	[sflag:s6] =	ssyncadd.s32 $0xFFFFC000  }
0xf1: {  	_ =	swait.ge [sflag:s10], $0x4000  }
0xf2: {  	[sflag:s10] =	ssyncset.done $0x0  }
0xf3: {  	[sflag:s10] =	ssyncadd.s32 $0xFFFFC000  }
0xf4: {  	[bflag:$0x0] =	sbarrier.arrive $0xFFFF  }
0xf5: {  	s16 =	rddreg [dreg:$0xf]  }
0xf6: {  	s14 =	rddreg [dreg:$0x11]  }
0xf7: {  	[hbm:s16], [sflag:s14] =	dma.local [spmem:s15], $0x2800  }
0xf8: {  	_ =	swait.ge [sflag:s21], $0x2800  }
0xf9: {  	s13 =	sadd.s32 $0x1, s13;
	s16 =	rddreg [dreg:$0x10]  }
0xfa: {  	p0 =	sne.s32 s13, s16  }
.Ltmp1:
0xfb: {  	_ = 	snop;
	(pc) =	sbr.rel @p0 .LBB2_1-.Ltmp1, $3  }
0xfc: {  	_ =	sdelay $0x1  }
0xfd: {  	[sflag:s21] =	ssyncset.done $0x0  }
0xfe: {  	[sflag:s21] =	ssyncadd.s32 $0xFFFFD800  }
0xff: {  	_ =	sfence.sel $0x180000  }
0x100: {  	[bflag:$0x0] =	sbarrier.arrive $0xFFFF  }
0x101: {  	_ =	strace $0x9000004D  }
0x102: {  	s0 =	stileid.u32;
	[bflag:$0x2] =	sbarrier.arrive $0xFFFF  }
0x103: {  	p0 =	sne.s32 s0, $0x0;
	s0 =	rddreg [dreg:$0x3]  }
0x104: {  	s0 =	sadd.s32 @!p0 $0x100000, s0  }
0x105: {  	[sflag:s0] =	ssyncadd.tile.s32 @!p0 $0x1;
	_ =	shalt  }
.Lfunc_end2:
_tile_overlayer_lowered:
.L_overlay_start_2:
0x106: {  	(tag) =	ssettag $0x2  }
0x107: {  	s0 =	rddreg [dreg:$0x0];
	s2 =	stileid.u32  }
0x108: {  	s1 =	rddreg [dreg:$0x1];
	p0 =	sne.s32 s2, $0x0  }
0x109: {  	s3 =	rddreg [dreg:$0x2];
	[bflag:$0x3] =	sbarrier.arrive $0xFFFF;
	s2 =	simm.s32 @!p0 $0x1C09  }
0x10a: {  	[timem:s3], [sflag:s2] =	dma.local @!p0 [hbm:s0], s1  }
0x10b: {  	s0 =	simm.s32 @!p0 $0x9  }
0x10c: {  	_ =	swait.ge @!p0 [sflag:s0], s1  }
0x10d: {  	s1 =	ssub.s32 @!p0 $0x0, s1;
	[sflag:s0] =	ssyncset.done @!p0 $0x0  }
0x10e: {  	[sflag:s0] =	ssyncadd.s32 @!p0 s1  }
0x10f: {  	[bflag:$0x3] =	sbarrier.arrive $0xFFFF  }
0x110: {  	_ =	shalt  }

// kernel: kernel.8.cloned.1.call-start
scs
__scs_entry_jumppad:
0x0: {  	(pc) =	sbr.rel $0x88, $3  }
0x1: {  	(tag) =	ssettag $0x0;
	lr =	simm.s32 $0x1  }
0x2: {  	[smem:$0x3F99] =	sst lr;
	_ =	strace $0xD0000000  }
0x3: {  	_ = 	snop  }
0x4: {  	_ = 	snop  }
0x5: {  	_ = 	snop  }
0x6: {  	_ = 	snop  }
0x7: {  	_ = 	snop  }
__scs_overlays_trampoline_lowered:
0x8: {  	[smem:$0x3FA8] =	sst s0  }
0x9: {  	[smem:$0x3FA9] =	sst s1  }
0xa: {  	[smem:$0x3FAA] =	sst s2  }
0xb: {  	[smem:$0x3FAB] =	sst s3  }
0xc: {  	[smem:$0x3FAC] =	sst s4  }
0xd: {  	[smem:$0x3FAD] =	sst s5  }
0xe: {  	[smem:$0x3FAE] =	sst s6  }
0xf: {  	[smem:$0x3FAF] =	sst s7  }
0x10: {  	[smem:$0x3FB0] =	sst s8  }
0x11: {  	[smem:$0x3FB1] =	sst s9;
	s0 =	simm.s32 @!p0 $0x0  }
0x12: {  	s1 =	sld [smem:$0x3F97];
	s0 =	simm.s32 @p0 $0x1  }
0x13: {  	[smem:$0x3FB2] =	sst s0;
	s0 =	simm.s32 @!p1 $0x0  }
0x14: {  	s2 =	sld [smem:$0x3F96];
	s0 =	simm.s32 @p1 $0x1  }
0x15: {  	[smem:$0x3FB3] =	sst s0;
	s0 =	simm.s32 @!p2 $0x0  }
0x16: {  	s3 =	sld [smem:$0x3FDB];
	s0 =	simm.s32 @p2 $0x1  }
0x17: {  	s4 =	simm.s32 $0x1BF5;
	[smem:$0x3FB5] =	sst s0  }
0x18: {  	s0 =	sld [smem:$0x3F98];
	_ =	swait.ge [sflag:s4], $0x0  }
0x19: {  	s7 =	sld [smem:$0x3F99]  }
0x1a: {  	s8 =	sadd.s32 $0xFFFFE003, lr  }
0x1b: {  	s9 =	sadd.s32 $0xFFFFFEF7, lr;
	s5 =	simm.s32 $0xFFFFFFFF;
	p2 =	slt.u32 s8, $0xFFFFF086  }
0x1c: {  	p1 =	slt.u32 s9, $0xF7A;
	s5 =	simm.s32 @!p2 $0x0  }
0x1d: {  	s5 =	simm.s32 @p1 $0x1;
	p0 =	seq.s32 s7, s2  }
0x1e: {  	s7 =	smul.u32 @!p0 $0xF7A, s2;
	p2 =	seq.s32 @!p0 s5, $0x0  }
0x1f: {  	s9 =	smul.u32 $0xF7A, s1;
	s8 =	simm.s32 @!p0 $0x1BF5;
	p2 =	por !p2, p0  }
0x20: {  	[sflag:s8] =	ssyncset.s32 @!p0 $0xFFFFF086;
	s6 =	sadd.s32 @!p0 s3, s7;
	s7 =	simm.s32 @!p0 $0x108  }
0x21: {  	s3 =	sadd.s32 s3, s9;
	s6 =	sadd.s32 @!p0 $0x88, s6;
	s7 =	simm.s32 @p2 $0x1082  }
0x22: {  	[simem:s7], [sflag:s8] =	dma.local @!p0 [hbm:s6], $0xF7A  }
0x23: {  	s9 =	sor.u32 $0xD0000000, s2;
	s6 =	simm.s32 $0x108;
	_ =	swait.ge @!p0 [sflag:s8], $0x0  }
0x24: {  	s3 =	sadd.s32 $0x88, s3;
	s6 =	simm.s32 @!p1 $0x1082;
	[sflag:s4] =	ssyncset.s32 $0xFFFFF086  }
0x25: {  	[simem:s6], [sflag:s4] =	dma.local [hbm:s3], $0xF7A  }
0x26: {  	[smem:$0x3F99] =	sst s1;
	(tag) =	ssettag s2;
	_ =	strace s9  }
0x27: {  	s1 =	sld [smem:$0x3FA9]  }
0x28: {  	s2 =	sld [smem:$0x3FAA]  }
0x29: {  	s4 =	sld [smem:$0x3FAC]  }
0x2a: {  	p0 =	seq.s32 s5, $0x0;
	s5 =	sld [smem:$0x3FAD]  }
0x2b: {  	s6 =	sld [smem:$0x3FAE]  }
0x2c: {  	s7 =	sld [smem:$0x3FAF]  }
0x2d: {  	s3 =	simm.s32 $0x108;
	s8 =	sld [smem:$0x3FB0]  }
0x2e: {  	s3 =	simm.s32 @!p0 $0x1082;
	s9 =	sld [smem:$0x3FB1]  }
0x2f: {  	lr =	sadd.s32 s0, s3;
	s0 =	sld [smem:$0x3FA8]  }
0x30: {  	s3 =	sld [smem:$0x3FAB]  }
0x31: {  	[smem:$0x3FB4] =	sst s10  }
0x32: {  	s10 =	sld [smem:$0x3FB2];
	_ =	sdelay $0x3  }
0x33: {  	p0 =	seq.s32 s10, $0x1;
	s10 =	sld [smem:$0x3FB4];
	_ =	sdelay $0x3  }
0x34: {  	[smem:$0x3FB4] =	sst s10  }
0x35: {  	s10 =	sld [smem:$0x3FB3];
	_ =	sdelay $0x3  }
0x36: {  	p1 =	seq.s32 s10, $0x1;
	s10 =	sld [smem:$0x3FB4];
	_ =	sdelay $0x3  }
0x37: {  	[smem:$0x3FB4] =	sst s10  }
0x38: {  	s10 =	sld [smem:$0x3FB5]  }
0x39: {  	_ = 	snop;
	(pc) =	sbr.ind lr, $3  }
0x3a: {  	_ = 	snop  }
0x3b: {  	_ = 	snop  }
0x3c: {  	p2 =	seq.s32 s10, $0x1;
	s10 =	sld [smem:$0x3FB4]  }
0x3d: {  	_ =	shalt  }
0x3e: {  	_ =	shalt  }
0x3f: {  	_ =	shalt  }
0x40: {  	_ =	shalt  }
0x41: {  	_ =	shalt  }
0x42: {  	_ =	shalt  }
0x43: {  	_ =	shalt  }
0x44: {  	_ =	shalt  }
0x45: {  	_ =	shalt  }
0x46: {  	_ =	shalt  }
0x47: {  	_ =	shalt  }
0x48: {  	_ =	shalt  }
0x49: {  	_ =	shalt  }
0x4a: {  	_ =	shalt  }
0x4b: {  	_ =	shalt  }
0x4c: {  	_ =	shalt  }
0x4d: {  	_ =	shalt  }
0x4e: {  	_ =	shalt  }
0x4f: {  	_ =	shalt  }
0x50: {  	_ =	shalt  }
0x51: {  	_ =	shalt  }
0x52: {  	_ =	shalt  }
0x53: {  	_ =	shalt  }
0x54: {  	_ =	shalt  }
0x55: {  	_ =	shalt  }
0x56: {  	_ =	shalt  }
0x57: {  	_ =	shalt  }
0x58: {  	_ =	shalt  }
0x59: {  	_ =	shalt  }
0x5a: {  	_ =	shalt  }
0x5b: {  	_ =	shalt  }
0x5c: {  	_ =	shalt  }
0x5d: {  	_ =	shalt  }
0x5e: {  	_ =	shalt  }
0x5f: {  	_ =	shalt  }
0x60: {  	_ =	shalt  }
0x61: {  	_ =	shalt  }
0x62: {  	_ =	shalt  }
0x63: {  	_ =	shalt  }
0x64: {  	_ =	shalt  }
0x65: {  	_ =	shalt  }
0x66: {  	_ =	shalt  }
0x67: {  	_ =	shalt  }
0x68: {  	_ =	shalt  }
0x69: {  	_ =	shalt  }
0x6a: {  	_ =	shalt  }
0x6b: {  	_ =	shalt  }
0x6c: {  	_ =	shalt  }
0x6d: {  	_ =	shalt  }
0x6e: {  	_ =	shalt  }
0x6f: {  	_ =	shalt  }
0x70: {  	_ =	shalt  }
0x71: {  	_ =	shalt  }
0x72: {  	_ =	shalt  }
0x73: {  	_ =	shalt  }
0x74: {  	_ =	shalt  }
0x75: {  	_ =	shalt  }
0x76: {  	_ =	shalt  }
0x77: {  	_ =	shalt  }
0x78: {  	_ =	shalt  }
0x79: {  	_ =	shalt  }
0x7a: {  	_ =	shalt  }
0x7b: {  	_ =	shalt  }
0x7c: {  	_ =	shalt  }
0x7d: {  	_ =	shalt  }
0x7e: {  	_ =	shalt  }
0x7f: {  	_ =	shalt  }
0x80: {  	_ =	shalt  }
0x81: {  	_ =	shalt  }
0x82: {  	_ =	shalt  }
0x83: {  	_ =	shalt  }
0x84: {  	_ =	shalt  }
0x85: {  	_ =	shalt  }
0x86: {  	_ =	shalt  }
0x87: {  	_ =	shalt  }
.Lfunc_end0:
.L_simem_size_0:
called_computation_lowered:
.L_overlay_start_0:
0x88: {  	s2 =	sld [smem:$0x3FD9]  }
0x89: {  	s3 =	sld [smem:$0x3FFE];
	_ =	sdelay $0x1  }
0x8a: {  	s1 =	srdreg.scid  }
0x8b: {  	s0 =	sand.u32 $0x1, s1  }
0x8c: {  	s17 =	sshll.u32 s0, $0xA;
	s2 =	sadd.s32 s3, s2  }
0x8d: {  	s2 =	sadd.s32 s2, s17  }
0x8e: {  	[smem:$0x3FC0] =	sst s2  }
0x8f: {  	_ = 	snop  }
0x90: {  	s2 =	sld [smem:$0x3FD0];
	(tm) =	ssettm $0x1  }
0x91: {  	s18 =	sld [smem:$0x3FFB];
	_ =	sdelay $0x3  }
0x92: {  	_ =	strace s18  }
0x93: {  	s3 =	sld [smem:$0x3FFC];
	_ =	sdelay $0x3  }
0x94: {  	_ =	strace s3  }
0x95: {  	s3 =	sld [smem:$0x3FFD];
	_ =	sdelay $0x3  }
0x96: {  	_ =	strace s3  }
0x97: {  	_ =	strace $0x8FFFFFFF  }
0x98: {  	s19 =	sld [smem:$0x3FDB];
	_ =	sdelay $0x1  }
0x99: {  	s4 =	simm.s32 $_scs_section_size  }
0x9a: {  	s5 =	simm.s32 $_size__tile_overlayer_lowered;
	s6 =	simm.s32 $_tile_overlayer_lowered  }
0x9b: {  	s22 =	simm.s32 $0x1BFF;
	s21 =	sshll.u32 s6, $0x1;
	s3 =	sadd.s32 s4, s19  }
0x9c: {  	s7 =	simm.s32 $0x0;
	s20 =	sshll.u32 s5, $0x1;
	s5 =	sadd.s32 s21, s3  }
0x9d: {  	[timem:s7], [sflag:s22] =	dma.local [hbm:s5], s20  }
0x9e: {  	_ =	swait.ge [sflag:s22], s20  }
0x9f: {  	s4 =	ssub.s32 $0x0, s20;
	[sflag:s22] =	ssyncset.done $0x0  }
0xa0: {  	[sflag:s22] =	ssyncadd.s32 s4;
	_ =	sdelay $0x1  }
0xa1: {  	s23 =	simm.s32 $0x1B8B  }
0xa2: {  	_ =	swait.ge [sflag:s23], $0x1  }
0xa3: {  	[sflag:s23] =	ssyncset.done $0x0  }
0xa4: {  	s25 =	simm.s32 $0x1B8E;
	s24 =	sld [smem:$0x3FFE];
	[sflag:s23] =	ssyncadd.s32 $0xFFFFFFFF  }
0xa5: {  	s26 =	simm.s32 $execute0_lowered;
	[smem:$0x3FD2] =	sst s25  }
0xa6: {  	s5 =	sshll.u32 s26, $0x1;
	_ =	strace $0x80000046;
	[dreg:$0x1] =	wrdreg $0xFFFFFFFF  }
0xa7: {  	s28 =	simm.s32 $_size_execute0_lowered;
	s3 =	sadd.s32 s3, s5;
	[dreg:$0x0] =	wrdreg $0x0  }
0xa8: {  	s5 =	sshll.u32 s28, $0x1;
	[dreg:$0x2] =	wrdreg s3  }
0xa9: {  	[dreg:$0x3] =	wrdreg s5  }
0xaa: {  	[dreg:$0x4] =	wrdreg $0xC0  }
0xab: {  	_ =	task [dreg:s7], $0x5FFFF  }
0xac: {  	[dreg:$0x1] =	wrdreg $0xFFFFFFFF  }
0xad: {  	[dreg:$0x0] =	wrdreg $0x60  }
0xae: {  	[dreg:$0x2] =	wrdreg s2  }
0xaf: {  	[dreg:$0x3] =	wrdreg s24  }
0xb0: {  	[dreg:$0x4] =	wrdreg $0x0  }
0xb1: {  	[dreg:$0x5] =	wrdreg $0x9  }
0xb2: {  	_ =	task.clear_ibuf [dreg:s7], $0x6FFFF;
	_ =	strace $0x90000046  }
0xb3: {  	s29 =	simm.s32 $0x9;
	_ =	strace $0x80000048  }
0xb4: {  	_ =	swait.ge [sflag:s29], $0x1  }
0xb5: {  	[sflag:s29] =	ssyncadd.s32 $0xFFFFFFFF  }
0xb6: {  	_ =	strace $0x90000048  }
0xb7: {  	_ =	sfence  }
0xb8: {  	s30 =	sld [smem:$0x0];
	_ =	sdelay $0x2  }
0xb9: {  	s31 =	sshll.u32 s1, $0xD;
	s1 =	sshrl.u32 s1, $0x2  }
0xba: {  	s3 =	sand.u32 $0x4000, s31;
	s1 =	sadd.s32 s1, s30  }
0xbb: {  	s0 =	sor.u32 s3, s0;
	s1 =	sshll.u32 s1, $0x11  }
0xbc: {  	s0 =	sor.u32 s1, s0  }
0xbd: {  	s0 =	sadd.s32 $0x8F2B, s0  }
0xbe: {  	[sflag:s0] =	ssyncadd.remote.s32 $0x1  }
0xbf: {  	_ =	sfence.sel $0xFFFF  }
0xc0: {  	[dreg:$0x0] =	wrdreg $0xFFFFFFFF;
	(pc) =	sbr.abs _section_cstart, $3  }
0xc1: {  	[dreg:$0x1] =	wrdreg $0xFFFFFFFF  }
0xc2: {  	_ =	task.clear_ibuf [dreg:s7], $0x2FFFF;
	_ =	strace $0x9FFFFFFF  }
0xc3: {  	(tm) =	ssettm $0x7FFFFFFF  }
tec
execute0_lowered:
.L_overlay_start_1:
0x0: {  	(tag) =	ssettag $0x1  }
0x1: {  	s5 =	rddreg [dreg:$0x0]  }
0x2: {  	s6 =	rddreg [dreg:$0x1]  }
0x3: {  	s2 =	rddreg [dreg:$0x2]  }
0x4: {  	s0 =	rddreg [dreg:$0x3]  }
0x5: {  	s1 =	stileid.u32;
	s3 =	simm.s32 $0x0;
	s4 =	srdreg.scid  }
0x6: {  	s14 =	simm.s32 $0x80;
	s15 =	simm.s32 $0x2880;
	s16 =	simm.s32 $0x1  }
0x7: {  	s17 =	simm.s32 $0x2;
	s18 =	simm.s32 $0x0;
	s7 =	smul.u32 $0x2800, s1  }
0x8: {  	[smem:$0x7FF] =	sst s3;
	s4 =	sand.u32 $0x1, s4;
	s31 =	sshll.u32 s1, $0x6  }
0x9: {  	s9 =	smul.u32 $0x28000, s4;
	s10 =	sshll.u32 s4, $0x4;
	_ =	strace $0x80000047  }
0xa: {  	s11 =	ssub.s32 $0x2, s4;
	s4 =	sadd.s32 $0x2E00, s6;
	s8 =	sshrl.u32 s7, $0x3  }
0xb: {  	s10 =	sor.u32 s1, s10;
	s12 =	sshrl.u32 s11, $0x1;
	s13 =	sadd.s32 s7, s2  }
0xc: {  	s8 =	sadd.s32 s8, s6;
	s9 =	sadd.s32 s7, s9;
	s10 =	smul.u32 $0x500, s10  }
0xd: {  	s11 =	ssub.s32 s11, s12;
	s12 =	sor.u32 $0x1C03, s31;
	s9 =	sshrl.u32 s9, $0x3  }
0xe: {  	s13 =	sshrl.u32 s13, $0x3;
	s9 =	sadd.s32 s9, s6;
	s5 =	sadd.s32 s5, s10  }
0xf: {  	s6 =	sadd.s32 $0x3000, s8;
	s8 =	smax.u32 s11, $0x1;
	s10 =	simm.s32 $0x3  }
0x10: {  	s11 =	simm.s32 $0x2800;
	s7 =	sadd.s32 $0x8000, s9;
	s9 =	simm.s32 $0x5000  }
.LBB2_1:
0x11: {  	[tilespmem:s9], [sflag:$0x3] =	stream.linear.gather [hbm4b:s4+s3], $0x800, $0x38;
	[tilespmem:$0x5800] =	vst v63  }
0x12: {  	_ =	swait.ge [sflag:s10], $0x800  }
0x13: {  	[sflag:s10] =	ssyncset.done $0x0  }
0x14: {  	[sflag:s10] =	ssyncadd.s32 $0xFFFFF800  }
0x15: {  	[tilespmem:s11], [sflag:$0x3] =	stream.linear.gather [hbm4b:s5+s3], $0x2800, $0x38;
	[tilespmem:$0x5800] =	vst v63  }
0x16: {  	_ =	swait.ge [sflag:s10], $0x2800  }
0x17: {  	[sflag:s10] =	ssyncset.done $0x0  }
0x18: {  	[sflag:s10] =	ssyncadd.s32 $0xFFFFD800  }
0x19: {  	[spmem:s13], [sflag:s12] =	dma.local [hbm:s6], $0x500  }
0x1a: {  	_ =	swait.ge [sflag:s10], $0x500  }
0x1b: {  	[sflag:s10] =	ssyncset.done $0x0  }
0x1c: {  	[sflag:s10] =	ssyncadd.s32 $0xFFFFFB00  }
0x1d: {  	[bflag:$0x0] =	sbarrier.arrive $0xFFFF  }
0x1e: {  	[spmem:s2] =	stream.indirect.scatter.add.f32 [tilespmem:s9], [sflag:$0x1], $0x10, s11, s14, $0xb8;
	[tilespmem:$0x5800] =	vst v63  }
0x1f: {  	_ = 	snop  }
0x20: {  	[spmem:s2] =	stream.indirect.scatter.add.f32 [tilespmem:s9], [sflag:$0x2], $0x10, s15, s14, $0xb8;
	[tilespmem:$0x5800] =	vst v63  }
0x21: {  	_ =	swait.ge [sflag:s16], $0x800  }
0x22: {  	[sflag:s16] =	ssyncset.done $0x0  }
0x23: {  	s19 =	simm.s32 $0x2900;
	[sflag:s16] =	ssyncadd.s32 $0xFFFFF800  }
0x24: {  	[spmem:s2] =	stream.indirect.scatter.add.f32 [tilespmem:s9], [sflag:$0x1], $0x10, s19, s14, $0xb8;
	[tilespmem:$0x5800] =	vst v63  }
0x25: {  	_ =	swait.ge [sflag:s17], $0x800  }
0x26: {  	[sflag:s17] =	ssyncset.done $0x0  }
0x27: {  	s20 =	simm.s32 $0x2980;
	s19 =	simm.s32 $0xFFFF6800;
	[sflag:s17] =	ssyncadd.s32 $0xFFFFF800  }
.LBB2_2:
0x28: {  	[spmem:s2] =	stream.indirect.scatter.add.f32 [tilespmem:s9], [sflag:$0x2], $0x10, s20, s14, $0xb8;
	[tilespmem:$0x5800] =	vst v63  }
0x29: {  	s20 =	smov.u32 s19  }
0x2a: {  	p0 =	sne.s32 s19, $0xFFFFFC00;
	s19 =	sadd.s32 $0x400, s19;
	_ =	swait.ge [sflag:s16], $0x800  }
0x2b: {  	s20 =	sshra.s32 s20, $0x2;
	[sflag:s16] =	ssyncset.done $0x0  }
.Ltmp0:
0x2c: {  	s21 =	sadd.s32 $0x5000, s20;
	[sflag:s16] =	ssyncadd.s32 $0xFFFFF800;
	(pc) =	sbr.rel @p0 .LBB2_2-.Ltmp0, $4  }
0x2d: {  	[spmem:s2] =	stream.indirect.scatter.add.f32 [tilespmem:s9], [sflag:$0x1], $0x10, s21, s14, $0xb8;
	[tilespmem:$0x5800] =	vst v63  }
0x2e: {  	_ =	swait.ge [sflag:s17], $0x800  }
0x2f: {  	[sflag:s17] =	ssyncset.done $0x0  }
0x30: {  	s20 =	sadd.s32 $0x5080, s20;
	[sflag:s17] =	ssyncadd.s32 $0xFFFFF800  }
0x31: {  	[spmem:s2] =	stream.indirect.scatter.add.f32 [tilespmem:s9], [sflag:$0x2], $0x10, s20, s14, $0xb8;
	[tilespmem:$0x5800] =	vst v63  }
0x32: {  	_ =	swait.ge [sflag:s16], $0x800  }
0x33: {  	[sflag:s16] =	ssyncset.done $0x0  }
0x34: {  	[sflag:s16] =	ssyncadd.s32 $0xFFFFF800  }
0x35: {  	_ =	swait.ge [sflag:s17], $0x800  }
0x36: {  	s18 =	sadd.s32 $0x1, s18;
	[sflag:s17] =	ssyncset.done $0x0  }
0x37: {  	p0 =	sne.s32 s18, s8;
	[sflag:s17] =	ssyncadd.s32 $0xFFFFF800  }
.Ltmp1:
0x38: {  	[bflag:$0x0] =	sbarrier.arrive $0xFFFF;
	(pc) =	sbr.rel @p0 .LBB2_1-.Ltmp1, $4  }
0x39: {  	[hbm:s7], [sflag:s12] =	dma.local [spmem:s13], $0x500  }
0x3a: {  	_ =	swait.ge [sflag:s10], $0x500  }
0x3b: {  	[sflag:s10] =	ssyncset.done $0x0  }
0x3c: {  	[sflag:s10] =	ssyncadd.s32 $0xFFFFFB00  }
0x3d: {  	_ =	sfence.sel $0x180000  }
0x3e: {  	[bflag:$0x0] =	sbarrier.arrive $0xFFFF  }
0x3f: {  	p0 =	sne.s32 s1, $0x0;
	_ =	strace $0x90000047  }
0x40: {  	s0 =	sadd.s32 @!p0 $0x100000, s0;
	[bflag:$0x2] =	sbarrier.arrive $0xFFFF  }
0x41: {  	[sflag:s0] =	ssyncadd.tile.s32 @!p0 $0x1;
	_ =	shalt  }
.Lfunc_end2:
_tile_overlayer_lowered:
.L_overlay_start_2:
0x42: {  	(tag) =	ssettag $0x2  }
0x43: {  	s0 =	rddreg [dreg:$0x0];
	s2 =	stileid.u32  }
0x44: {  	s1 =	rddreg [dreg:$0x1];
	p0 =	sne.s32 s2, $0x0  }
0x45: {  	s3 =	rddreg [dreg:$0x2];
	[bflag:$0x3] =	sbarrier.arrive $0xFFFF;
	s2 =	simm.s32 @!p0 $0x1C03  }
0x46: {  	[timem:s3], [sflag:s2] =	dma.local @!p0 [hbm:s0], s1  }
0x47: {  	s0 =	simm.s32 @!p0 $0x3  }
0x48: {  	_ =	swait.ge @!p0 [sflag:s0], s1  }
0x49: {  	s1 =	ssub.s32 @!p0 $0x0, s1;
	[sflag:s0] =	ssyncset.done @!p0 $0x0  }
0x4a: {  	[sflag:s0] =	ssyncadd.s32 @!p0 s1  }
0x4b: {  	[bflag:$0x3] =	sbarrier.arrive $0xFFFF  }
0x4c: {  	_ =	shalt  }

</sc_bundles>
